<compile_context>
chip_gen: v7x
topology: tpu7x:2x2x1
jax: 0.10.2.dev20260603
libtpu: 0.0.44.dev20260713+nightly
codegen_flags: <defaults>
</compile_context>

<pallas_src>
import functools

import jax
import jax.numpy as jnp
import numpy as np
from jax.experimental import pallas as pl
from jax.experimental.pallas import tpu as pltpu
from jax.experimental.pallas import tpu_sc as plsc

S, D = 2048, 1024
H, DH = 16, 64
FF = 2816
E, TOPK = 8, 2
SFF = 1408
EPS = 1e-6
THETA = 10000.0

BT1 = 256
BQ = 512
BF16 = jnp.bfloat16

BLK = 256
NB = S * TOPK // BLK + E
PMAX = NB * BLK
FBLK = 1408
NFB = FF // FBLK
NW = 32
TPT = S // NW
D32 = D // 2


def _ln_qkv_body(x_ref, ln1_ref, qw_ref, qwr_ref, kw_ref, kwr_ref, vw_ref,
                 cos_ref, sin_ref, q_out, k_out, v_out):
    x = x_ref[...]
    rs = jax.lax.rsqrt(jnp.mean(x * x, axis=1, keepdims=True) + EPS)
    h = (x * rs * ln1_ref[...]).astype(BF16)
    cos = cos_ref[...]
    sin = sin_ref[...]
    q = jnp.dot(h, qw_ref[...], preferred_element_type=jnp.float32)
    qr = jnp.dot(h, qwr_ref[...], preferred_element_type=jnp.float32)
    q_out[...] = ((q * cos + qr * sin) * (1.0 / np.sqrt(DH))).astype(BF16)
    k = jnp.dot(h, kw_ref[...], preferred_element_type=jnp.float32)
    kr = jnp.dot(h, kwr_ref[...], preferred_element_type=jnp.float32)
    k_out[...] = (k * cos + kr * sin).astype(BF16)
    v_out[...] = jnp.dot(h, vw_ref[...],
                         preferred_element_type=jnp.float32).astype(BF16)


def _attn_body(q_ref, k_ref, v_ref, o_ref):
    q = q_ref[0]
    k = k_ref[0]
    v = v_ref[0]
    s = jax.lax.dot_general(q, k, (((1,), (1,)), ((), ())),
                            preferred_element_type=jnp.float32)
    p = jnp.exp(s).astype(BF16)
    ve = jnp.concatenate([v, jnp.ones_like(v)], axis=1)
    oe = jnp.dot(p, ve, preferred_element_type=jnp.float32)
    o = oe[:, :DH] * (1.0 / oe[:, DH:DH + 1])
    o_ref[0] = o.astype(BF16)


def _post_attn_body(ao_ref, res_ref, ow_ref, ln2_ref, rw_ref,
                    h2_out, xb_out, e01_out, w01_out):
    ao = jnp.dot(ao_ref[...], ow_ref[...], preferred_element_type=jnp.float32)
    h2 = res_ref[...] + ao
    h2_out[...] = h2
    rs = jax.lax.rsqrt(jnp.mean(h2 * h2, axis=1, keepdims=True) + EPS)
    x = h2 * rs * ln2_ref[...]
    xb_out[...] = x.astype(BF16)
    logits = jnp.dot(x, rw_ref[...], preferred_element_type=jnp.float32)
    iota = jax.lax.broadcasted_iota(jnp.int32, logits.shape, 1)
    m1 = jnp.max(logits, axis=1, keepdims=True)
    i1 = jnp.min(jnp.where(logits == m1, iota, E), axis=1, keepdims=True)
    lm = jnp.where(iota == i1, -jnp.inf, logits)
    m2 = jnp.max(lm, axis=1, keepdims=True)
    i2 = jnp.min(jnp.where(lm == m2, iota, E), axis=1, keepdims=True)
    w0 = 1.0 / (1.0 + jnp.exp(m2 - m1))
    e01_out[...] = jnp.concatenate([i1, i2], axis=1)
    w01_out[...] = jnp.concatenate([w0, 1.0 - w0], axis=1)


def _sc_route_body(e01_ref, x32_ref, xs_out, inv0_out, inv1_out, meta_out,
                   e_v, xrows_v, pos_v, meta_v, sem):
    wid = jax.lax.axis_index("s") * 2 + jax.lax.axis_index("c")
    npt = S // 16
    tb = (wid % 16) * npt
    base = wid * npt
    pltpu.sync_copy(e01_ref, e_v)
    pltpu.sync_copy(x32_ref.at[pl.ds(tb, npt)], xrows_v)
    lane = jax.lax.iota(jnp.int32, 16)

    def hist(nchunks):
        def body(i, acc):
            v = e_v[pl.ds(i * 16, 16)]
            for ee in range(E):
                cpop = jnp.sum((v == ee).astype(jnp.int32))
                acc = acc + jnp.where(lane == ee, cpop, 0)
            return acc
        return jax.lax.fori_loop(0, nchunks, body,
                                 jnp.zeros((16,), jnp.int32))

    cnt = hist(S * TOPK // 16)
    pre = hist(wid * (npt // 16))
    padded = jnp.where(lane < E,
                       ((cnt + (BLK - 1)) >> 8) << 8, 0)
    po_incl = plsc.cumsum(padded)
    start0 = po_incl - padded + pre

    def rank_chunk(i, start):
        v = e_v[pl.ds(base + i * 16, 16)]
        basev = jax.lax.gather(
            start, v[:, None],
            jax.lax.GatherDimensionNumbers(
                offset_dims=(), collapsed_slice_dims=(0,),
                start_index_map=(0,)),
            slice_sizes=(1,),
            mode=jax.lax.GatherScatterMode.PROMISE_IN_BOUNDS)
        within = jnp.zeros((16,), jnp.int32)
        upd = start
        for ee in range(E):
            meq = v == ee
            m = meq.astype(jnp.int32)
            incl = plsc.cumsum(m)
            within = within + jnp.where(meq, incl - m, 0)
            upd = upd + jnp.where(lane == ee, incl[15], 0)
        pos_v[pl.ds(i * 16, 16)] = basev + within
        return upd

    jax.lax.fori_loop(0, npt // 16, rank_chunk, start0)

    pltpu.async_copy(xrows_v, xs_out.at[pos_v], sem).wait()

    @pl.when(wid < 16)
    def _():
        pltpu.sync_copy(pos_v, inv0_out.at[pl.ds(tb, npt)])

    @pl.when(wid >= 16)
    def _():
        pltpu.sync_copy(pos_v, inv1_out.at[pl.ds(tb, npt)])

    @pl.when(wid == 0)
    def _():
        nbu = po_incl[E - 1] >> 8

        def eid_for(bv):
            acc = jnp.zeros((16,), jnp.int32)
            for ee in range(E):
                acc = acc + jnp.where(bv * BLK >= po_incl[ee], 1, 0)
            return jnp.minimum(acc, E - 1)

        lastb = (nbu - 1) * BLK
        lacc = 0
        for ee in range(E):
            lacc = lacc + jnp.where(lastb >= po_incl[ee], 1, 0)
        last = jnp.minimum(lacc, E - 1)
        m0 = jnp.where(lane < nbu, eid_for(lane), last)
        bv1 = lane + 16
        m1 = jnp.where(bv1 < nbu, eid_for(bv1), last)
        m1 = jnp.where(lane < NB - 16, m1,
                       jnp.where(lane == NB - 16, nbu, 0))
        meta_v[pl.ds(0, 16)] = m0
        meta_v[pl.ds(16, 16)] = m1
        pltpu.sync_copy(meta_v, meta_out)


def _sc_combine_body(inv0_ref, inv1_ref, eo_ref, g0_out, g1_out,
                     i0_v, i1_v, g0_v, g1_v, sem):
    wid = jax.lax.axis_index("s") * 2 + jax.lax.axis_index("c")
    pltpu.sync_copy(inv0_ref.at[pl.ds(wid * TPT, TPT)], i0_v)
    pltpu.sync_copy(inv1_ref.at[pl.ds(wid * TPT, TPT)], i1_v)
    pltpu.async_copy(eo_ref.at[i0_v], g0_v, sem).wait()
    pltpu.async_copy(eo_ref.at[i1_v], g1_v, sem).wait()
    pltpu.sync_copy(g0_v, g0_out.at[pl.ds(wid * TPT, TPT)])
    pltpu.sync_copy(g1_v, g1_out.at[pl.ds(wid * TPT, TPT)])


@functools.lru_cache(maxsize=None)
def _sc_mesh():
    return plsc.VectorSubcoreMesh(core_axis_name="c", subcore_axis_name="s",
                                  num_cores=2, num_subcores=16)


def _sc_route(e01f, x32):
    return pl.kernel(
        _sc_route_body,
        out_type=[
            jax.ShapeDtypeStruct((PMAX, D32), jnp.int32),
            jax.ShapeDtypeStruct((S,), jnp.int32),
            jax.ShapeDtypeStruct((S,), jnp.int32),
            jax.ShapeDtypeStruct((NW,), jnp.int32),
        ],
        mesh=_sc_mesh(),
        scratch_types=[
            pltpu.VMEM((S * TOPK,), jnp.int32),
            pltpu.VMEM((S // 16, D32), jnp.int32),
            pltpu.VMEM((S // 16,), jnp.int32),
            pltpu.VMEM((NW,), jnp.int32),
            pltpu.SemaphoreType.DMA,
        ],
        compiler_params=pltpu.CompilerParams(needs_layout_passes=False),
    )(e01f, x32)


def _sc_combine(inv0, inv1, eo32):
    return pl.kernel(
        _sc_combine_body,
        out_type=[
            jax.ShapeDtypeStruct((S, D32), jnp.int32),
            jax.ShapeDtypeStruct((S, D32), jnp.int32),
        ],
        mesh=_sc_mesh(),
        scratch_types=[
            pltpu.VMEM((TPT,), jnp.int32),
            pltpu.VMEM((TPT,), jnp.int32),
            pltpu.VMEM((TPT, D32), jnp.int32),
            pltpu.VMEM((TPT, D32), jnp.int32),
            pltpu.SemaphoreType.DMA,
        ],
        compiler_params=pltpu.CompilerParams(needs_layout_passes=False),
    )(inv0, inv1, eo32)


def _moe_gateup_body(m_ref, xs_ref, gw_ref, uw_ref, a_out, gws, uws):
    b = pl.program_id(1)
    nbu = m_ref[NB]
    eid = m_ref[b]
    prev = m_ref[jnp.maximum(b - 1, 0)]
    changed = jnp.logical_or(b == 0, eid != prev)

    @pl.when(changed)
    def _():
        gws[...] = gw_ref[0].astype(BF16)
        uws[...] = uw_ref[0].astype(BF16)

    @pl.when(b < nbu)
    def _():
        xs = xs_ref[...]
        g = jnp.dot(xs, gws[...], preferred_element_type=jnp.float32)
        u = jnp.dot(xs, uws[...], preferred_element_type=jnp.float32)
        a_out[...] = (g * jax.nn.sigmoid(g) * u).astype(BF16)


def _moe_down_body(m_ref, a_ref, dw_ref, eo_out, dws):
    b = pl.program_id(0)
    nbu = m_ref[NB]
    eid = m_ref[b]
    prev = m_ref[jnp.maximum(b - 1, 0)]
    changed = jnp.logical_or(b == 0, eid != prev)

    @pl.when(changed)
    def _():
        dws[...] = dw_ref[0].astype(BF16)

    @pl.when(b < nbu)
    def _():
        eo_out[...] = jnp.dot(a_ref[...], dws[...],
                              preferred_element_type=jnp.float32).astype(BF16)


def _k4a(meta, xs_bf, e_gate, e_up):
    return pl.pallas_call(
        _moe_gateup_body,
        grid_spec=pltpu.PrefetchScalarGridSpec(
            num_scalar_prefetch=1,
            grid=(NFB, NB),
            in_specs=[
                pl.BlockSpec((BLK, D), lambda f, b, m: (b, 0)),
                pl.BlockSpec((1, D, FBLK), lambda f, b, m: (m[b], 0, f)),
                pl.BlockSpec((1, D, FBLK), lambda f, b, m: (m[b], 0, f)),
            ],
            out_specs=pl.BlockSpec((BLK, FBLK), lambda f, b, m: (b, f)),
            scratch_shapes=[
                pltpu.VMEM((D, FBLK), BF16),
                pltpu.VMEM((D, FBLK), BF16),
            ],
        ),
        out_shape=jax.ShapeDtypeStruct((PMAX, FF), BF16),
        compiler_params=pltpu.CompilerParams(
            dimension_semantics=("arbitrary", "arbitrary")),
    )(meta, xs_bf, e_gate, e_up)


def _k4b(meta, a_s, e_down):
    return pl.pallas_call(
        _moe_down_body,
        grid_spec=pltpu.PrefetchScalarGridSpec(
            num_scalar_prefetch=1,
            grid=(NB,),
            in_specs=[
                pl.BlockSpec((BLK, FF), lambda b, m: (b, 0)),
                pl.BlockSpec((1, FF, D), lambda b, m: (m[b], 0, 0)),
            ],
            out_specs=pl.BlockSpec((BLK, D), lambda b, m: (b, 0)),
            scratch_shapes=[pltpu.VMEM((FF, D), BF16)],
        ),
        out_shape=jax.ShapeDtypeStruct((PMAX, D), BF16),
        compiler_params=pltpu.CompilerParams(
            dimension_semantics=("arbitrary",)),
    )(meta, a_s, e_down)


def _shared_final_body(xb_ref, h2_ref, g0_ref, g1_ref, w01_ref,
                       gw_ref, uw_ref, dw_ref, srt_ref, o_ref):
    xb = xb_ref[...]
    g = jnp.dot(xb, gw_ref[...], preferred_element_type=jnp.float32)
    u = jnp.dot(xb, uw_ref[...], preferred_element_type=jnp.float32)
    a = (g * jax.nn.sigmoid(g) * u).astype(BF16)
    sh = jnp.dot(a, dw_ref[...], preferred_element_type=jnp.float32)
    rt = jnp.sum(xb.astype(jnp.float32) * srt_ref[...], axis=1, keepdims=True)
    gate = jax.nn.sigmoid(rt)
    y = (w01_ref[:, 0:1] * g0_ref[...].astype(jnp.float32)
         + w01_ref[:, 1:2] * g1_ref[...].astype(jnp.float32))
    o_ref[...] = h2_ref[...] + y + gate * sh


def _rot_cols(w):
    w3 = w.reshape(D, H, DH)
    return jnp.concatenate([-w3[:, :, DH // 2:], w3[:, :, :DH // 2]],
                           axis=-1).reshape(D, H * DH)


def kernel(hidden_states, ln1_w, ln2_w, q_w, k_w, v_w, o_w, router_w,
           e_gate, e_up, e_down, s_gate, s_up, s_down, s_route):
    x = hidden_states.reshape(S, D)

    qw = q_w.astype(BF16)
    qwr = _rot_cols(q_w).astype(BF16)
    kw = k_w.astype(BF16)
    kwr = _rot_cols(k_w).astype(BF16)
    vw = v_w.astype(BF16)
    ow = o_w.astype(BF16)
    sgw = s_gate.astype(BF16)
    suw = s_up.astype(BF16)
    sdw = s_down.astype(BF16)
    srt = s_route.reshape(1, D)
    ln1 = ln1_w.reshape(1, D)
    ln2 = ln2_w.reshape(1, D)

    inv_freq = 1.0 / (THETA ** (np.arange(0, DH, 2, dtype=np.float32) / DH))
    t = np.arange(S, dtype=np.float32)
    freqs = np.outer(t, inv_freq)
    emb = np.concatenate((freqs, freqs), axis=-1)
    cos_t = jnp.asarray(np.tile(np.cos(emb), (1, H)))
    sin_t = jnp.asarray(np.tile(np.sin(emb), (1, H)))

    nblk = S // BT1
    full = lambda i: (0, 0)
    tok = lambda i: (i, 0)
    q, k, v = pl.pallas_call(
        _ln_qkv_body,
        grid=(nblk,),
        in_specs=[
            pl.BlockSpec((BT1, D), tok),
            pl.BlockSpec((1, D), full),
            pl.BlockSpec((D, H * DH), full),
            pl.BlockSpec((D, H * DH), full),
            pl.BlockSpec((D, H * DH), full),
            pl.BlockSpec((D, H * DH), full),
            pl.BlockSpec((D, H * DH), full),
            pl.BlockSpec((BT1, D), tok),
            pl.BlockSpec((BT1, D), tok),
        ],
        out_specs=[pl.BlockSpec((BT1, D), tok)] * 3,
        out_shape=[jax.ShapeDtypeStruct((S, H * DH), BF16)] * 3,
    )(x, ln1, qw, qwr, kw, kwr, vw, cos_t, sin_t)

    qh = q.reshape(S, H, DH).transpose(1, 0, 2)
    kh = k.reshape(S, H, DH).transpose(1, 0, 2)
    vh = v.reshape(S, H, DH).transpose(1, 0, 2)
    ao = pl.pallas_call(
        _attn_body,
        grid=(H, S // BQ),
        in_specs=[
            pl.BlockSpec((1, BQ, DH), lambda h, i: (h, i, 0)),
            pl.BlockSpec((1, S, DH), lambda h, i: (h, 0, 0)),
            pl.BlockSpec((1, S, DH), lambda h, i: (h, 0, 0)),
        ],
        out_specs=pl.BlockSpec((1, BQ, DH), lambda h, i: (h, i, 0)),
        out_shape=jax.ShapeDtypeStruct((H, S, DH), BF16),
    )(qh, kh, vh)
    ao = ao.transpose(1, 0, 2).reshape(S, H * DH)

    h2, xb, e01, w01 = pl.pallas_call(
        _post_attn_body,
        grid=(nblk,),
        in_specs=[
            pl.BlockSpec((BT1, D), tok),
            pl.BlockSpec((BT1, D), tok),
            pl.BlockSpec((H * DH, D), full),
            pl.BlockSpec((1, D), full),
            pl.BlockSpec((D, E), full),
        ],
        out_specs=[
            pl.BlockSpec((BT1, D), tok),
            pl.BlockSpec((BT1, D), tok),
            pl.BlockSpec((BT1, 2), tok),
            pl.BlockSpec((BT1, 2), tok),
        ],
        out_shape=[
            jax.ShapeDtypeStruct((S, D), jnp.float32),
            jax.ShapeDtypeStruct((S, D), BF16),
            jax.ShapeDtypeStruct((S, 2), jnp.int32),
            jax.ShapeDtypeStruct((S, 2), jnp.float32),
        ],
    )(ao, x, ow, ln2, router_w)

    e01f = e01.T.reshape(S * TOPK)
    x32 = jax.lax.bitcast_convert_type(xb.reshape(S, D32, 2), jnp.int32)
    xs32, inv0, inv1, meta = _sc_route(e01f, x32)
    xs_bf = jax.lax.bitcast_convert_type(xs32, BF16).reshape(PMAX, D)

    a_s = _k4a(meta, xs_bf, e_gate, e_up)
    eo = _k4b(meta, a_s, e_down)

    eo32 = jax.lax.bitcast_convert_type(eo.reshape(PMAX, D32, 2), jnp.int32)
    g032, g132 = _sc_combine(inv0, inv1, eo32)
    g0 = jax.lax.bitcast_convert_type(g032, BF16).reshape(S, D)
    g1 = jax.lax.bitcast_convert_type(g132, BF16).reshape(S, D)

    BT5 = 512
    tok5 = lambda i: (i, 0)
    out = pl.pallas_call(
        _shared_final_body,
        grid=(S // BT5,),
        in_specs=[
            pl.BlockSpec((BT5, D), tok5),
            pl.BlockSpec((BT5, D), tok5),
            pl.BlockSpec((BT5, D), tok5),
            pl.BlockSpec((BT5, D), tok5),
            pl.BlockSpec((BT5, 2), tok5),
            pl.BlockSpec((D, SFF), full),
            pl.BlockSpec((D, SFF), full),
            pl.BlockSpec((SFF, D), full),
            pl.BlockSpec((1, D), full),
        ],
        out_specs=pl.BlockSpec((BT5, D), tok5),
        out_shape=jax.ShapeDtypeStruct((S, D), jnp.float32),
    )(xb, h2, g0, g1, w01, sgw, suw, sdw, srt)

    return out.reshape(1, S, D)

# --- scband reference (transcript-rebuilt; emitter-appended) ---
"""Pipeline reference for scband-qwen-mo-edecoder-layer-62775241998545 (READ-ONLY COPY).

The authoritative reference and input builder live on the scoring server;
editing this copy changes nothing except your own understanding.
"""

import jax, jax.numpy as jnp
import numpy as np

B, S, D = 1, 2048, 1024
H, DH = 16, 64
FF = 2816
E, TOPK = 8, 2
SFF = 1408
EPS = 1e-6
THETA = 10000.0


def setup_inputs(seed: int = 0) -> dict:
    key = jax.random.key(seed)
    ks = jax.random.split(key, 14)
    def w(k, shape):
        return jax.random.normal(k, shape, dtype=jnp.float32) * 0.02
    return {
        "hidden_states": jax.random.normal(ks[0], (B, S, D), dtype=jnp.float32),
        "ln1_w": jnp.ones((D,), dtype=jnp.float32),
        "ln2_w": jnp.ones((D,), dtype=jnp.float32),
        "q_w": w(ks[1], (D, H * DH)),
        "k_w": w(ks[2], (D, H * DH)),
        "v_w": w(ks[3], (D, H * DH)),
        "o_w": w(ks[4], (H * DH, D)),
        "router_w": w(ks[5], (D, E)),
        "e_gate": w(ks[6], (E, D, FF)),
        "e_up": w(ks[7], (E, D, FF)),
        "e_down": w(ks[8], (E, FF, D)),
        "s_gate": w(ks[9], (D, SFF)),
        "s_up": w(ks[10], (D, SFF)),
        "s_down": w(ks[11], (SFF, D)),
        "s_route": w(ks[12], (D, 1)),
    }


def _rms(x, w):
    return x * jax.lax.rsqrt(jnp.mean(x * x, axis=-1, keepdims=True) + EPS) * w


def _rotate_half(x):
    x1 = x[..., : x.shape[-1] // 2]
    x2 = x[..., x.shape[-1] // 2 :]
    return jnp.concatenate((-x2, x1), axis=-1)


def reference(hidden_states, ln1_w, ln2_w, q_w, k_w, v_w, o_w, router_w,
              e_gate, e_up, e_down, s_gate, s_up, s_down, s_route):
    b, s, _ = hidden_states.shape
    residual = hidden_states
    h = _rms(hidden_states, ln1_w)
    q = (h @ q_w).reshape(b, s, H, DH).transpose(0, 2, 1, 3)
    k = (h @ k_w).reshape(b, s, H, DH).transpose(0, 2, 1, 3)
    v = (h @ v_w).reshape(b, s, H, DH).transpose(0, 2, 1, 3)
    inv_freq = 1.0 / (THETA ** (jnp.arange(0, DH, 2, dtype=jnp.float32) / DH))
    t = jnp.arange(s, dtype=jnp.float32)
    freqs = jnp.outer(t, inv_freq)
    emb = jnp.concatenate((freqs, freqs), axis=-1)
    cos = jnp.cos(emb)[None, None]
    sin = jnp.sin(emb)[None, None]
    q = q * cos + _rotate_half(q) * sin
    k = k * cos + _rotate_half(k) * sin
    aw = jnp.einsum('bhqd,bhkd->bhqk', q, k) / np.sqrt(DH).astype(np.float32)
    aw = jax.nn.softmax(aw.astype(jnp.float32), axis=-1)
    ao = jnp.einsum('bhqk,bhkd->bhqd', aw, v)
    ao = ao.transpose(0, 2, 1, 3).reshape(b, s, H * DH) @ o_w
    h = residual + ao
    residual = h
    x = _rms(h, ln2_w).reshape(-1, D)
    logits = x @ router_w
    probs = jax.nn.softmax(logits, axis=-1)
    topv, topi = jax.lax.top_k(probs, TOPK)
    topw = topv / jnp.sum(topv, axis=-1, keepdims=True)
    combine = jnp.sum(jax.nn.one_hot(topi, E, dtype=x.dtype) * topw[..., None], axis=1)
    g = jnp.einsum('td,edf->tef', x, e_gate)
    u = jnp.einsum('td,edf->tef', x, e_up)
    eo = jnp.einsum('tef,efd->ted', jax.nn.silu(g) * u, e_down)
    y = jnp.sum(combine[..., None] * eo, axis=1)
    shared = (jax.nn.silu(x @ s_gate) * (x @ s_up)) @ s_down
    y = y + jax.nn.sigmoid(x @ s_route) * shared
    return residual + y.reshape(b, s, D)

if __name__ == "__main__":
    import jax
    _d = setup_inputs()
    print(jax.jit(kernel)(*tuple(_d.values())))

</pallas_src>

<mosaic_0001>
#map = affine_map<(d0, d1) -> (0)>
#map1 = affine_map<(d0, d1) -> (0, 0)>
module attributes {stable_mosaic.version = 14 : i64} {
  func.func @_sc_combine_body(%arg0: i32, %arg1: i32, %arg2: memref<2048xi32, #tpu.memory_space<hbm>>, %arg3: memref<2048xi32, #tpu.memory_space<hbm>>, %arg4: memref<6144x512xi32, #tpu.memory_space<hbm>>, %arg5: memref<2048x512xi32, #tpu.memory_space<hbm>>, %arg6: memref<2048x512xi32, #tpu.memory_space<hbm>>, %arg7: memref<64xi32, #tpu.memory_space<vmem>>, %arg8: memref<64xi32, #tpu.memory_space<vmem>>, %arg9: memref<64x512xi32, #tpu.memory_space<vmem>>, %arg10: memref<64x512xi32, #tpu.memory_space<vmem>>, %arg11: memref<!tpu.dma_semaphore, #tpu.memory_space<semaphore_mem>>) attributes {dimension_semantics = [#tpu.dimension_semantics<core_parallel>, #tpu.dimension_semantics<subcore_parallel>], iteration_bounds = array<i64: 2, 16>, scalar_prefetch = 0 : i64, scratch_operands = 5 : i64, tpu.core_type = #tpu.core_type<sc_vector_subcore>, window_params = [{transform_indices = #map}, {transform_indices = #map}, {transform_indices = #map1}, {transform_indices = #map1}, {transform_indices = #map1}]} {
    %mul3A = arith.constant 2 : i32
    %mul3A_0 = arith.muli %arg1, %mul3A : i32
    %add3A = arith.addi %mul3A_0, %arg0 : i32
    %mul3A_1 = arith.constant 64 : i32
    %mul3A_2 = arith.muli %add3A, %mul3A_1 : i32
    "tpu.region"() ({
      %run_scoped3A = tpu.sem_alloc : memref<!tpu.dma_semaphore, #tpu.memory_space<semaphore_mem>>
      %dma_start3A_19 = tpu.memref_slice %arg2[%mul3A_2] : memref<2048xi32, #tpu.memory_space<hbm>> -> memref<64xi32, #tpu.memory_space<hbm>>
      %dma_start3A_20 = tpu.memref_slice %arg2[%mul3A_2] : memref<2048xi32, #tpu.memory_space<hbm>> -> memref<64xi32, #tpu.memory_space<hbm>>
      tpu.enqueue_dma source(%dma_start3A_20 : memref<64xi32, #tpu.memory_space<hbm>>) target(%arg7 : memref<64xi32, #tpu.memory_space<vmem>>) target_semaphore(%run_scoped3A : memref<!tpu.dma_semaphore, #tpu.memory_space<semaphore_mem>>)
      %dma_wait3A_21 = tpu.memref_slice %arg2[%mul3A_2] : memref<2048xi32, #tpu.memory_space<hbm>> -> memref<64xi32, #tpu.memory_space<hbm>>
      %dma_wait3A_22 = tpu.memref_slice %arg2[%mul3A_2] : memref<2048xi32, #tpu.memory_space<hbm>> -> memref<64xi32, #tpu.memory_space<hbm>>
      tpu.wait_dma2 semaphore(%run_scoped3A : memref<!tpu.dma_semaphore, #tpu.memory_space<semaphore_mem>>) src(%dma_wait3A_22 : memref<64xi32, #tpu.memory_space<hbm>>) dst(%arg7 : memref<64xi32, #tpu.memory_space<vmem>>)
      tpu.yield
    }) : () -> ()
    %mul3A_3 = arith.constant 64 : i32
    %mul3A_4 = arith.muli %add3A, %mul3A_3 : i32
    "tpu.region"() ({
      %run_scoped3A = tpu.sem_alloc : memref<!tpu.dma_semaphore, #tpu.memory_space<semaphore_mem>>
      %dma_start3A_19 = tpu.memref_slice %arg3[%mul3A_4] : memref<2048xi32, #tpu.memory_space<hbm>> -> memref<64xi32, #tpu.memory_space<hbm>>
      %dma_start3A_20 = tpu.memref_slice %arg3[%mul3A_4] : memref<2048xi32, #tpu.memory_space<hbm>> -> memref<64xi32, #tpu.memory_space<hbm>>
      tpu.enqueue_dma source(%dma_start3A_20 : memref<64xi32, #tpu.memory_space<hbm>>) target(%arg8 : memref<64xi32, #tpu.memory_space<vmem>>) target_semaphore(%run_scoped3A : memref<!tpu.dma_semaphore, #tpu.memory_space<semaphore_mem>>)
      %dma_wait3A_21 = tpu.memref_slice %arg3[%mul3A_4] : memref<2048xi32, #tpu.memory_space<hbm>> -> memref<64xi32, #tpu.memory_space<hbm>>
      %dma_wait3A_22 = tpu.memref_slice %arg3[%mul3A_4] : memref<2048xi32, #tpu.memory_space<hbm>> -> memref<64xi32, #tpu.memory_space<hbm>>
      tpu.wait_dma2 semaphore(%run_scoped3A : memref<!tpu.dma_semaphore, #tpu.memory_space<semaphore_mem>>) src(%dma_wait3A_22 : memref<64xi32, #tpu.memory_space<hbm>>) dst(%arg8 : memref<64xi32, #tpu.memory_space<vmem>>)
      tpu.yield
    }) : () -> ()
    %dma_start3A = arith.constant 0 : i32
    %dma_start3A_5 = arith.constant 0 : i32
    %dma_start3A_6 = tpu.memref_slice %arg4[%dma_start3A, %dma_start3A_5] : memref<6144x512xi32, #tpu.memory_space<hbm>> -> memref<6144x512xi32, #tpu.memory_space<hbm>>
    tpu.enqueue_indirect_dma source(%dma_start3A_6 : memref<6144x512xi32, #tpu.memory_space<hbm>>) target(%arg9 : memref<64x512xi32, #tpu.memory_space<vmem>>) offsets(%arg7 : memref<64xi32, #tpu.memory_space<vmem>>) semaphore(%arg11 : memref<!tpu.dma_semaphore, #tpu.memory_space<semaphore_mem>>)
    %dma_wait3A = arith.constant 0 : i32
    %dma_wait3A_7 = arith.constant 0 : i32
    %dma_wait3A_8 = tpu.memref_slice %arg4[%dma_wait3A, %dma_wait3A_7] : memref<6144x512xi32, #tpu.memory_space<hbm>> -> memref<6144x512xi32, #tpu.memory_space<hbm>>
    tpu.wait_indirect_dma semaphore(%arg11 : memref<!tpu.dma_semaphore, #tpu.memory_space<semaphore_mem>>) src(%dma_wait3A_8 : memref<6144x512xi32, #tpu.memory_space<hbm>>) dst(%arg9 : memref<64x512xi32, #tpu.memory_space<vmem>>)
    %dma_start3A_9 = arith.constant 0 : i32
    %dma_start3A_10 = arith.constant 0 : i32
    %dma_start3A_11 = tpu.memref_slice %arg4[%dma_start3A_9, %dma_start3A_10] : memref<6144x512xi32, #tpu.memory_space<hbm>> -> memref<6144x512xi32, #tpu.memory_space<hbm>>
    tpu.enqueue_indirect_dma source(%dma_start3A_11 : memref<6144x512xi32, #tpu.memory_space<hbm>>) target(%arg10 : memref<64x512xi32, #tpu.memory_space<vmem>>) offsets(%arg8 : memref<64xi32, #tpu.memory_space<vmem>>) semaphore(%arg11 : memref<!tpu.dma_semaphore, #tpu.memory_space<semaphore_mem>>)
    %dma_wait3A_12 = arith.constant 0 : i32
    %dma_wait3A_13 = arith.constant 0 : i32
    %dma_wait3A_14 = tpu.memref_slice %arg4[%dma_wait3A_12, %dma_wait3A_13] : memref<6144x512xi32, #tpu.memory_space<hbm>> -> memref<6144x512xi32, #tpu.memory_space<hbm>>
    tpu.wait_indirect_dma semaphore(%arg11 : memref<!tpu.dma_semaphore, #tpu.memory_space<semaphore_mem>>) src(%dma_wait3A_14 : memref<6144x512xi32, #tpu.memory_space<hbm>>) dst(%arg10 : memref<64x512xi32, #tpu.memory_space<vmem>>)
    %mul3A_15 = arith.constant 64 : i32
    %mul3A_16 = arith.muli %add3A, %mul3A_15 : i32
    "tpu.region"() ({
      %run_scoped3A = tpu.sem_alloc : memref<!tpu.dma_semaphore, #tpu.memory_space<semaphore_mem>>
      %dma_start3A_19 = arith.constant 0 : i32
      %dma_start3A_20 = tpu.memref_slice %arg5[%mul3A_16, %dma_start3A_19] : memref<2048x512xi32, #tpu.memory_space<hbm>> -> memref<64x512xi32, #tpu.memory_space<hbm>>
      %dma_start3A_21 = arith.constant 0 : i32
      %dma_start3A_22 = tpu.memref_slice %arg5[%mul3A_16, %dma_start3A_21] : memref<2048x512xi32, #tpu.memory_space<hbm>> -> memref<64x512xi32, #tpu.memory_space<hbm>>
      tpu.enqueue_dma source(%arg9 : memref<64x512xi32, #tpu.memory_space<vmem>>) target(%dma_start3A_22 : memref<64x512xi32, #tpu.memory_space<hbm>>) target_semaphore(%run_scoped3A : memref<!tpu.dma_semaphore, #tpu.memory_space<semaphore_mem>>)
      %dma_wait3A_23 = arith.constant 0 : i32
      %dma_wait3A_24 = tpu.memref_slice %arg5[%mul3A_16, %dma_wait3A_23] : memref<2048x512xi32, #tpu.memory_space<hbm>> -> memref<64x512xi32, #tpu.memory_space<hbm>>
      %dma_wait3A_25 = arith.constant 0 : i32
      %dma_wait3A_26 = tpu.memref_slice %arg5[%mul3A_16, %dma_wait3A_25] : memref<2048x512xi32, #tpu.memory_space<hbm>> -> memref<64x512xi32, #tpu.memory_space<hbm>>
      tpu.wait_dma2 semaphore(%run_scoped3A : memref<!tpu.dma_semaphore, #tpu.memory_space<semaphore_mem>>) src(%arg9 : memref<64x512xi32, #tpu.memory_space<vmem>>) dst(%dma_wait3A_26 : memref<64x512xi32, #tpu.memory_space<hbm>>)
      tpu.yield
    }) : () -> ()
    %mul3A_17 = arith.constant 64 : i32
    %mul3A_18 = arith.muli %add3A, %mul3A_17 : i32
    "tpu.region"() ({
      %run_scoped3A = tpu.sem_alloc : memref<!tpu.dma_semaphore, #tpu.memory_space<semaphore_mem>>
      %dma_start3A_19 = arith.constant 0 : i32
      %dma_start3A_20 = tpu.memref_slice %arg6[%mul3A_18, %dma_start3A_19] : memref<2048x512xi32, #tpu.memory_space<hbm>> -> memref<64x512xi32, #tpu.memory_space<hbm>>
      %dma_start3A_21 = arith.constant 0 : i32
      %dma_start3A_22 = tpu.memref_slice %arg6[%mul3A_18, %dma_start3A_21] : memref<2048x512xi32, #tpu.memory_space<hbm>> -> memref<64x512xi32, #tpu.memory_space<hbm>>
      tpu.enqueue_dma source(%arg10 : memref<64x512xi32, #tpu.memory_space<vmem>>) target(%dma_start3A_22 : memref<64x512xi32, #tpu.memory_space<hbm>>) target_semaphore(%run_scoped3A : memref<!tpu.dma_semaphore, #tpu.memory_space<semaphore_mem>>)
      %dma_wait3A_23 = arith.constant 0 : i32
      %dma_wait3A_24 = tpu.memref_slice %arg6[%mul3A_18, %dma_wait3A_23] : memref<2048x512xi32, #tpu.memory_space<hbm>> -> memref<64x512xi32, #tpu.memory_space<hbm>>
      %dma_wait3A_25 = arith.constant 0 : i32
      %dma_wait3A_26 = tpu.memref_slice %arg6[%mul3A_18, %dma_wait3A_25] : memref<2048x512xi32, #tpu.memory_space<hbm>> -> memref<64x512xi32, #tpu.memory_space<hbm>>
      tpu.wait_dma2 semaphore(%run_scoped3A : memref<!tpu.dma_semaphore, #tpu.memory_space<semaphore_mem>>) src(%arg10 : memref<64x512xi32, #tpu.memory_space<vmem>>) dst(%dma_wait3A_26 : memref<64x512xi32, #tpu.memory_space<hbm>>)
      tpu.yield
    }) : () -> ()
    return
  }
}

#map = affine_map<(d0, d1) -> (0)>
#map1 = affine_map<(d0, d1) -> (0, 0)>
module attributes {stable_mosaic.version = 14 : i64} {
  func.func @_sc_route_body(%arg0: i32, %arg1: i32, %arg2: memref<4096xi32, #tpu.memory_space<hbm>>, %arg3: memref<2048x512xi32, #tpu.memory_space<hbm>>, %arg4: memref<6144x512xi32, #tpu.memory_space<hbm>>, %arg5: memref<2048xi32, #tpu.memory_space<hbm>>, %arg6: memref<2048xi32, #tpu.memory_space<hbm>>, %arg7: memref<32xi32, #tpu.memory_space<hbm>>, %arg8: memref<4096xi32, #tpu.memory_space<vmem>>, %arg9: memref<128x512xi32, #tpu.memory_space<vmem>>, %arg10: memref<128xi32, #tpu.memory_space<vmem>>, %arg11: memref<32xi32, #tpu.memory_space<vmem>>, %arg12: memref<!tpu.dma_semaphore, #tpu.memory_space<semaphore_mem>>) attributes {dimension_semantics = [#tpu.dimension_semantics<core_parallel>, #tpu.dimension_semantics<subcore_parallel>], iteration_bounds = array<i64: 2, 16>, scalar_prefetch = 0 : i64, scratch_operands = 5 : i64, tpu.core_type = #tpu.core_type<sc_vector_subcore>, window_params = [{transform_indices = #map}, {transform_indices = #map1}, {transform_indices = #map1}, {transform_indices = #map}, {transform_indices = #map}, {transform_indices = #map}]} {
    %mul3A = arith.constant 2 : i32
    %mul3A_0 = arith.muli %arg1, %mul3A : i32
    %add3A = arith.addi %mul3A_0, %arg0 : i32
    %jit3A = arith.constant 16 : i32
    %eq3A = arith.constant 0 : i32
    %eq3A_1 = arith.cmpi eq, %jit3A, %eq3A : i32
    %jit3A_2 = arith.constant 1 : i32
    %select_n3A = arith.select %eq3A_1, %jit3A_2, %jit3A : i32
    %rem3A = arith.remsi %add3A, %select_n3A : i32
    %ne3A = arith.constant 0 : i32
    %ne3A_3 = arith.cmpi ne, %rem3A, %ne3A : i32
    %lt3A = arith.constant 0 : i32
    %lt3A_4 = arith.cmpi slt, %rem3A, %lt3A : i32
    %lt3A_5 = arith.constant 0 : i32
    %lt3A_6 = arith.cmpi slt, %select_n3A, %lt3A_5 : i32
    %ne3A_7 = arith.xori %lt3A_4, %lt3A_6 : i1
    %and3A = arith.andi %ne3A_7, %ne3A_3 : i1
    %add3A_8 = arith.addi %rem3A, %select_n3A : i32
    %select_n3A_9 = arith.select %and3A, %add3A_8, %rem3A : i32
    %mul3A_10 = arith.constant 128 : i32
    %mul3A_11 = arith.muli %select_n3A_9, %mul3A_10 : i32
    %mul3A_12 = arith.constant 128 : i32
    %mul3A_13 = arith.muli %add3A, %mul3A_12 : i32
    "tpu.region"() ({
      %run_scoped3A = tpu.sem_alloc : memref<!tpu.dma_semaphore, #tpu.memory_space<semaphore_mem>>
      tpu.enqueue_dma source(%arg2 : memref<4096xi32, #tpu.memory_space<hbm>>) target(%arg8 : memref<4096xi32, #tpu.memory_space<vmem>>) target_semaphore(%run_scoped3A : memref<!tpu.dma_semaphore, #tpu.memory_space<semaphore_mem>>)
      tpu.wait_dma2 semaphore(%run_scoped3A : memref<!tpu.dma_semaphore, #tpu.memory_space<semaphore_mem>>) src(%arg2 : memref<4096xi32, #tpu.memory_space<hbm>>) dst(%arg8 : memref<4096xi32, #tpu.memory_space<vmem>>)
      tpu.yield
    }) : () -> ()
    "tpu.region"() ({
      %run_scoped3A = tpu.sem_alloc : memref<!tpu.dma_semaphore, #tpu.memory_space<semaphore_mem>>
      %dma_start3A_72 = arith.constant 0 : i32
      %dma_start3A_73 = tpu.memref_slice %arg3[%mul3A_11, %dma_start3A_72] : memref<2048x512xi32, #tpu.memory_space<hbm>> -> memref<128x512xi32, #tpu.memory_space<hbm>>
      %dma_start3A_74 = arith.constant 0 : i32
      %dma_start3A_75 = tpu.memref_slice %arg3[%mul3A_11, %dma_start3A_74] : memref<2048x512xi32, #tpu.memory_space<hbm>> -> memref<128x512xi32, #tpu.memory_space<hbm>>
      tpu.enqueue_dma source(%dma_start3A_75 : memref<128x512xi32, #tpu.memory_space<hbm>>) target(%arg9 : memref<128x512xi32, #tpu.memory_space<vmem>>) target_semaphore(%run_scoped3A : memref<!tpu.dma_semaphore, #tpu.memory_space<semaphore_mem>>)
      %dma_wait3A_76 = arith.constant 0 : i32
      %dma_wait3A_77 = tpu.memref_slice %arg3[%mul3A_11, %dma_wait3A_76] : memref<2048x512xi32, #tpu.memory_space<hbm>> -> memref<128x512xi32, #tpu.memory_space<hbm>>
      %dma_wait3A_78 = arith.constant 0 : i32
      %dma_wait3A_79 = tpu.memref_slice %arg3[%mul3A_11, %dma_wait3A_78] : memref<2048x512xi32, #tpu.memory_space<hbm>> -> memref<128x512xi32, #tpu.memory_space<hbm>>
      tpu.wait_dma2 semaphore(%run_scoped3A : memref<!tpu.dma_semaphore, #tpu.memory_space<semaphore_mem>>) src(%dma_wait3A_79 : memref<128x512xi32, #tpu.memory_space<hbm>>) dst(%arg9 : memref<128x512xi32, #tpu.memory_space<vmem>>)
      tpu.yield
    }) : () -> ()
    %iota3A = tpu.iota {dimensions = array<i32: 0>} : vector<16xi32>
    %broadcast_in_dim3A = arith.constant 0 : i32
    %broadcast_in_dim3A_14 = vector.broadcast %broadcast_in_dim3A : i32 to vector<16xi32>
    %scan3A = arith.constant 0 : i32
    %scan3A_15 = arith.constant 256 : i32
    %scan3A_16 = arith.addi %scan3A, %scan3A_15 : i32
    %scan3A_17 = arith.constant 1 : i32
    %scan3A_18 = scf.for %scan3A_72 = %scan3A to %scan3A_16 step %scan3A_17 iter_args(%scan3A_73 = %broadcast_in_dim3A_14) -> (vector<16xi32>)  : i32 {
      %mul3A_74 = arith.constant 16 : i32
      %mul3A_75 = arith.muli %scan3A_72, %mul3A_74 : i32
      %get3A = arith.index_cast %mul3A_75 : i32 to index
      %get3A_76 = tpu.vector_load %arg8[%get3A] {strides = array<i32>} : memref<4096xi32, #tpu.memory_space<vmem>>, vector<16xi32>,
      %eq3A_77 = arith.constant 0 : i32
      %eq3A_78 = vector.broadcast %eq3A_77 : i32 to vector<16xi32>
      %eq3A_79 = arith.cmpi eq, %get3A_76, %eq3A_78 : vector<16xi32>
      %convert_element_type3A_80 = arith.extui %eq3A_79 : vector<16xi1> to vector<16xi32>
      %reduce_sum3A = arith.constant true
      %reduce_sum3A_81 = vector.broadcast %reduce_sum3A : i1 to vector<16xi1>
      %reduce_sum3A_82 = tpu.scan <sum>, %convert_element_type3A_80 masked %reduce_sum3A_81 : vector<16xi32>, vector<16xi1> -> vector<16xi32>
      %reduce_sum3A_83 = vector.extract %reduce_sum3A_82[15] : i32 from vector<16xi32>
      %eq3A_84 = arith.constant 0 : i32
      %eq3A_85 = vector.broadcast %eq3A_84 : i32 to vector<16xi32>
      %eq3A_86 = arith.cmpi eq, %iota3A, %eq3A_85 : vector<16xi32>
      %jit3A_87 = arith.constant 0 : i32
      %broadcast_in_dim3A_88 = vector.broadcast %reduce_sum3A_83 : i32 to vector<16xi32>
      %broadcast_in_dim3A_89 = vector.broadcast %jit3A_87 : i32 to vector<16xi32>
      %select_n3A_90 = arith.select %eq3A_86, %broadcast_in_dim3A_88, %broadcast_in_dim3A_89 : vector<16xi1>, vector<16xi32>
      %add3A_91 = arith.addi %scan3A_73, %select_n3A_90 : vector<16xi32>
      %eq3A_92 = arith.constant 1 : i32
      %eq3A_93 = vector.broadcast %eq3A_92 : i32 to vector<16xi32>
      %eq3A_94 = arith.cmpi eq, %get3A_76, %eq3A_93 : vector<16xi32>
      %convert_element_type3A_95 = arith.extui %eq3A_94 : vector<16xi1> to vector<16xi32>
      %reduce_sum3A_96 = arith.constant true
      %reduce_sum3A_97 = vector.broadcast %reduce_sum3A_96 : i1 to vector<16xi1>
      %reduce_sum3A_98 = tpu.scan <sum>, %convert_element_type3A_95 masked %reduce_sum3A_97 : vector<16xi32>, vector<16xi1> -> vector<16xi32>
      %reduce_sum3A_99 = vector.extract %reduce_sum3A_98[15] : i32 from vector<16xi32>
      %eq3A_100 = arith.constant 1 : i32
      %eq3A_101 = vector.broadcast %eq3A_100 : i32 to vector<16xi32>
      %eq3A_102 = arith.cmpi eq, %iota3A, %eq3A_101 : vector<16xi32>
      %jit3A_103 = arith.constant 0 : i32
      %broadcast_in_dim3A_104 = vector.broadcast %reduce_sum3A_99 : i32 to vector<16xi32>
      %broadcast_in_dim3A_105 = vector.broadcast %jit3A_103 : i32 to vector<16xi32>
      %select_n3A_106 = arith.select %eq3A_102, %broadcast_in_dim3A_104, %broadcast_in_dim3A_105 : vector<16xi1>, vector<16xi32>
      %add3A_107 = arith.addi %add3A_91, %select_n3A_106 : vector<16xi32>
      %eq3A_108 = arith.constant 2 : i32
      %eq3A_109 = vector.broadcast %eq3A_108 : i32 to vector<16xi32>
      %eq3A_110 = arith.cmpi eq, %get3A_76, %eq3A_109 : vector<16xi32>
      %convert_element_type3A_111 = arith.extui %eq3A_110 : vector<16xi1> to vector<16xi32>
      %reduce_sum3A_112 = arith.constant true
      %reduce_sum3A_113 = vector.broadcast %reduce_sum3A_112 : i1 to vector<16xi1>
      %reduce_sum3A_114 = tpu.scan <sum>, %convert_element_type3A_111 masked %reduce_sum3A_113 : vector<16xi32>, vector<16xi1> -> vector<16xi32>
      %reduce_sum3A_115 = vector.extract %reduce_sum3A_114[15] : i32 from vector<16xi32>
      %eq3A_116 = arith.constant 2 : i32
      %eq3A_117 = vector.broadcast %eq3A_116 : i32 to vector<16xi32>
      %eq3A_118 = arith.cmpi eq, %iota3A, %eq3A_117 : vector<16xi32>
      %jit3A_119 = arith.constant 0 : i32
      %broadcast_in_dim3A_120 = vector.broadcast %reduce_sum3A_115 : i32 to vector<16xi32>
      %broadcast_in_dim3A_121 = vector.broadcast %jit3A_119 : i32 to vector<16xi32>
      %select_n3A_122 = arith.select %eq3A_118, %broadcast_in_dim3A_120, %broadcast_in_dim3A_121 : vector<16xi1>, vector<16xi32>
      %add3A_123 = arith.addi %add3A_107, %select_n3A_122 : vector<16xi32>
      %eq3A_124 = arith.constant 3 : i32
      %eq3A_125 = vector.broadcast %eq3A_124 : i32 to vector<16xi32>
      %eq3A_126 = arith.cmpi eq, %get3A_76, %eq3A_125 : vector<16xi32>
      %convert_element_type3A_127 = arith.extui %eq3A_126 : vector<16xi1> to vector<16xi32>
      %reduce_sum3A_128 = arith.constant true
      %reduce_sum3A_129 = vector.broadcast %reduce_sum3A_128 : i1 to vector<16xi1>
      %reduce_sum3A_130 = tpu.scan <sum>, %convert_element_type3A_127 masked %reduce_sum3A_129 : vector<16xi32>, vector<16xi1> -> vector<16xi32>
      %reduce_sum3A_131 = vector.extract %reduce_sum3A_130[15] : i32 from vector<16xi32>
      %eq3A_132 = arith.constant 3 : i32
      %eq3A_133 = vector.broadcast %eq3A_132 : i32 to vector<16xi32>
      %eq3A_134 = arith.cmpi eq, %iota3A, %eq3A_133 : vector<16xi32>
      %jit3A_135 = arith.constant 0 : i32
      %broadcast_in_dim3A_136 = vector.broadcast %reduce_sum3A_131 : i32 to vector<16xi32>
      %broadcast_in_dim3A_137 = vector.broadcast %jit3A_135 : i32 to vector<16xi32>
      %select_n3A_138 = arith.select %eq3A_134, %broadcast_in_dim3A_136, %broadcast_in_dim3A_137 : vector<16xi1>, vector<16xi32>
      %add3A_139 = arith.addi %add3A_123, %select_n3A_138 : vector<16xi32>
      %eq3A_140 = arith.constant 4 : i32
      %eq3A_141 = vector.broadcast %eq3A_140 : i32 to vector<16xi32>
      %eq3A_142 = arith.cmpi eq, %get3A_76, %eq3A_141 : vector<16xi32>
      %convert_element_type3A_143 = arith.extui %eq3A_142 : vector<16xi1> to vector<16xi32>
      %reduce_sum3A_144 = arith.constant true
      %reduce_sum3A_145 = vector.broadcast %reduce_sum3A_144 : i1 to vector<16xi1>
      %reduce_sum3A_146 = tpu.scan <sum>, %convert_element_type3A_143 masked %reduce_sum3A_145 : vector<16xi32>, vector<16xi1> -> vector<16xi32>
      %reduce_sum3A_147 = vector.extract %reduce_sum3A_146[15] : i32 from vector<16xi32>
      %eq3A_148 = arith.constant 4 : i32
      %eq3A_149 = vector.broadcast %eq3A_148 : i32 to vector<16xi32>
      %eq3A_150 = arith.cmpi eq, %iota3A, %eq3A_149 : vector<16xi32>
      %jit3A_151 = arith.constant 0 : i32
      %broadcast_in_dim3A_152 = vector.broadcast %reduce_sum3A_147 : i32 to vector<16xi32>
      %broadcast_in_dim3A_153 = vector.broadcast %jit3A_151 : i32 to vector<16xi32>
      %select_n3A_154 = arith.select %eq3A_150, %broadcast_in_dim3A_152, %broadcast_in_dim3A_153 : vector<16xi1>, vector<16xi32>
      %add3A_155 = arith.addi %add3A_139, %select_n3A_154 : vector<16xi32>
      %eq3A_156 = arith.constant 5 : i32
      %eq3A_157 = vector.broadcast %eq3A_156 : i32 to vector<16xi32>
      %eq3A_158 = arith.cmpi eq, %get3A_76, %eq3A_157 : vector<16xi32>
      %convert_element_type3A_159 = arith.extui %eq3A_158 : vector<16xi1> to vector<16xi32>
      %reduce_sum3A_160 = arith.constant true
      %reduce_sum3A_161 = vector.broadcast %reduce_sum3A_160 : i1 to vector<16xi1>
      %reduce_sum3A_162 = tpu.scan <sum>, %convert_element_type3A_159 masked %reduce_sum3A_161 : vector<16xi32>, vector<16xi1> -> vector<16xi32>
      %reduce_sum3A_163 = vector.extract %reduce_sum3A_162[15] : i32 from vector<16xi32>
      %eq3A_164 = arith.constant 5 : i32
      %eq3A_165 = vector.broadcast %eq3A_164 : i32 to vector<16xi32>
      %eq3A_166 = arith.cmpi eq, %iota3A, %eq3A_165 : vector<16xi32>
      %jit3A_167 = arith.constant 0 : i32
      %broadcast_in_dim3A_168 = vector.broadcast %reduce_sum3A_163 : i32 to vector<16xi32>
      %broadcast_in_dim3A_169 = vector.broadcast %jit3A_167 : i32 to vector<16xi32>
      %select_n3A_170 = arith.select %eq3A_166, %broadcast_in_dim3A_168, %broadcast_in_dim3A_169 : vector<16xi1>, vector<16xi32>
      %add3A_171 = arith.addi %add3A_155, %select_n3A_170 : vector<16xi32>
      %eq3A_172 = arith.constant 6 : i32
      %eq3A_173 = vector.broadcast %eq3A_172 : i32 to vector<16xi32>
      %eq3A_174 = arith.cmpi eq, %get3A_76, %eq3A_173 : vector<16xi32>
      %convert_element_type3A_175 = arith.extui %eq3A_174 : vector<16xi1> to vector<16xi32>
      %reduce_sum3A_176 = arith.constant true
      %reduce_sum3A_177 = vector.broadcast %reduce_sum3A_176 : i1 to vector<16xi1>
      %reduce_sum3A_178 = tpu.scan <sum>, %convert_element_type3A_175 masked %reduce_sum3A_177 : vector<16xi32>, vector<16xi1> -> vector<16xi32>
      %reduce_sum3A_179 = vector.extract %reduce_sum3A_178[15] : i32 from vector<16xi32>
      %eq3A_180 = arith.constant 6 : i32
      %eq3A_181 = vector.broadcast %eq3A_180 : i32 to vector<16xi32>
      %eq3A_182 = arith.cmpi eq, %iota3A, %eq3A_181 : vector<16xi32>
      %jit3A_183 = arith.constant 0 : i32
      %broadcast_in_dim3A_184 = vector.broadcast %reduce_sum3A_179 : i32 to vector<16xi32>
      %broadcast_in_dim3A_185 = vector.broadcast %jit3A_183 : i32 to vector<16xi32>
      %select_n3A_186 = arith.select %eq3A_182, %broadcast_in_dim3A_184, %broadcast_in_dim3A_185 : vector<16xi1>, vector<16xi32>
      %add3A_187 = arith.addi %add3A_171, %select_n3A_186 : vector<16xi32>
      %eq3A_188 = arith.constant 7 : i32
      %eq3A_189 = vector.broadcast %eq3A_188 : i32 to vector<16xi32>
      %eq3A_190 = arith.cmpi eq, %get3A_76, %eq3A_189 : vector<16xi32>
      %convert_element_type3A_191 = arith.extui %eq3A_190 : vector<16xi1> to vector<16xi32>
      %reduce_sum3A_192 = arith.constant true
      %reduce_sum3A_193 = vector.broadcast %reduce_sum3A_192 : i1 to vector<16xi1>
      %reduce_sum3A_194 = tpu.scan <sum>, %convert_element_type3A_191 masked %reduce_sum3A_193 : vector<16xi32>, vector<16xi1> -> vector<16xi32>
      %reduce_sum3A_195 = vector.extract %reduce_sum3A_194[15] : i32 from vector<16xi32>
      %eq3A_196 = arith.constant 7 : i32
      %eq3A_197 = vector.broadcast %eq3A_196 : i32 to vector<16xi32>
      %eq3A_198 = arith.cmpi eq, %iota3A, %eq3A_197 : vector<16xi32>
      %jit3A_199 = arith.constant 0 : i32
      %broadcast_in_dim3A_200 = vector.broadcast %reduce_sum3A_195 : i32 to vector<16xi32>
      %broadcast_in_dim3A_201 = vector.broadcast %jit3A_199 : i32 to vector<16xi32>
      %select_n3A_202 = arith.select %eq3A_198, %broadcast_in_dim3A_200, %broadcast_in_dim3A_201 : vector<16xi1>, vector<16xi32>
      %add3A_203 = arith.addi %add3A_187, %select_n3A_202 : vector<16xi32>
      scf.yield %add3A_203 : vector<16xi32>
    }
    %scan3A_19 = arith.constant 256 : i32
    %mul3A_20 = arith.constant 8 : i32
    %mul3A_21 = arith.muli %add3A, %mul3A_20 : i32
    %broadcast_in_dim3A_22 = arith.constant 0 : i32
    %broadcast_in_dim3A_23 = vector.broadcast %broadcast_in_dim3A_22 : i32 to vector<16xi32>
    %while3A = arith.constant 0 : i32
    %while3A_24 = arith.subi %mul3A_21, %while3A : i32
    %while3A_25 = arith.addi %while3A, %while3A_24 : i32
    %while3A_26 = arith.constant 1 : i32
    %while3A_27 = arith.divsi %while3A_24, %while3A_26 : i32
    %while3A_28 = arith.muli %while3A_27, %while3A_26 : i32
    %while3A_29 = arith.addi %while3A, %while3A_28 : i32
    %while3A_30 = arith.constant 1 : i32
    %while3A_31 = scf.for %while3A_72 = %while3A to %while3A_29 step %while3A_30 iter_args(%while3A_73 = %broadcast_in_dim3A_23) -> (vector<16xi32>)  : i32 {
      %mul3A_74 = arith.constant 16 : i32
      %mul3A_75 = arith.muli %while3A_72, %mul3A_74 : i32
      %get3A = arith.index_cast %mul3A_75 : i32 to index
      %get3A_76 = tpu.vector_load %arg8[%get3A] {strides = array<i32>} : memref<4096xi32, #tpu.memory_space<vmem>>, vector<16xi32>,
      %eq3A_77 = arith.constant 0 : i32
      %eq3A_78 = vector.broadcast %eq3A_77 : i32 to vector<16xi32>
      %eq3A_79 = arith.cmpi eq, %get3A_76, %eq3A_78 : vector<16xi32>
      %convert_element_type3A_80 = arith.extui %eq3A_79 : vector<16xi1> to vector<16xi32>
      %reduce_sum3A = arith.constant true
      %reduce_sum3A_81 = vector.broadcast %reduce_sum3A : i1 to vector<16xi1>
      %reduce_sum3A_82 = tpu.scan <sum>, %convert_element_type3A_80 masked %reduce_sum3A_81 : vector<16xi32>, vector<16xi1> -> vector<16xi32>
      %reduce_sum3A_83 = vector.extract %reduce_sum3A_82[15] : i32 from vector<16xi32>
      %eq3A_84 = arith.constant 0 : i32
      %eq3A_85 = vector.broadcast %eq3A_84 : i32 to vector<16xi32>
      %eq3A_86 = arith.cmpi eq, %iota3A, %eq3A_85 : vector<16xi32>
      %jit3A_87 = arith.constant 0 : i32
      %broadcast_in_dim3A_88 = vector.broadcast %reduce_sum3A_83 : i32 to vector<16xi32>
      %broadcast_in_dim3A_89 = vector.broadcast %jit3A_87 : i32 to vector<16xi32>
      %select_n3A_90 = arith.select %eq3A_86, %broadcast_in_dim3A_88, %broadcast_in_dim3A_89 : vector<16xi1>, vector<16xi32>
      %add3A_91 = arith.addi %while3A_73, %select_n3A_90 : vector<16xi32>
      %eq3A_92 = arith.constant 1 : i32
      %eq3A_93 = vector.broadcast %eq3A_92 : i32 to vector<16xi32>
      %eq3A_94 = arith.cmpi eq, %get3A_76, %eq3A_93 : vector<16xi32>
      %convert_element_type3A_95 = arith.extui %eq3A_94 : vector<16xi1> to vector<16xi32>
      %reduce_sum3A_96 = arith.constant true
      %reduce_sum3A_97 = vector.broadcast %reduce_sum3A_96 : i1 to vector<16xi1>
      %reduce_sum3A_98 = tpu.scan <sum>, %convert_element_type3A_95 masked %reduce_sum3A_97 : vector<16xi32>, vector<16xi1> -> vector<16xi32>
      %reduce_sum3A_99 = vector.extract %reduce_sum3A_98[15] : i32 from vector<16xi32>
      %eq3A_100 = arith.constant 1 : i32
      %eq3A_101 = vector.broadcast %eq3A_100 : i32 to vector<16xi32>
      %eq3A_102 = arith.cmpi eq, %iota3A, %eq3A_101 : vector<16xi32>
      %jit3A_103 = arith.constant 0 : i32
      %broadcast_in_dim3A_104 = vector.broadcast %reduce_sum3A_99 : i32 to vector<16xi32>
      %broadcast_in_dim3A_105 = vector.broadcast %jit3A_103 : i32 to vector<16xi32>
      %select_n3A_106 = arith.select %eq3A_102, %broadcast_in_dim3A_104, %broadcast_in_dim3A_105 : vector<16xi1>, vector<16xi32>
      %add3A_107 = arith.addi %add3A_91, %select_n3A_106 : vector<16xi32>
      %eq3A_108 = arith.constant 2 : i32
      %eq3A_109 = vector.broadcast %eq3A_108 : i32 to vector<16xi32>
      %eq3A_110 = arith.cmpi eq, %get3A_76, %eq3A_109 : vector<16xi32>
      %convert_element_type3A_111 = arith.extui %eq3A_110 : vector<16xi1> to vector<16xi32>
      %reduce_sum3A_112 = arith.constant true
      %reduce_sum3A_113 = vector.broadcast %reduce_sum3A_112 : i1 to vector<16xi1>
      %reduce_sum3A_114 = tpu.scan <sum>, %convert_element_type3A_111 masked %reduce_sum3A_113 : vector<16xi32>, vector<16xi1> -> vector<16xi32>
      %reduce_sum3A_115 = vector.extract %reduce_sum3A_114[15] : i32 from vector<16xi32>
      %eq3A_116 = arith.constant 2 : i32
      %eq3A_117 = vector.broadcast %eq3A_116 : i32 to vector<16xi32>
      %eq3A_118 = arith.cmpi eq, %iota3A, %eq3A_117 : vector<16xi32>
      %jit3A_119 = arith.constant 0 : i32
      %broadcast_in_dim3A_120 = vector.broadcast %reduce_sum3A_115 : i32 to vector<16xi32>
      %broadcast_in_dim3A_121 = vector.broadcast %jit3A_119 : i32 to vector<16xi32>
      %select_n3A_122 = arith.select %eq3A_118, %broadcast_in_dim3A_120, %broadcast_in_dim3A_121 : vector<16xi1>, vector<16xi32>
      %add3A_123 = arith.addi %add3A_107, %select_n3A_122 : vector<16xi32>
      %eq3A_124 = arith.constant 3 : i32
      %eq3A_125 = vector.broadcast %eq3A_124 : i32 to vector<16xi32>
      %eq3A_126 = arith.cmpi eq, %get3A_76, %eq3A_125 : vector<16xi32>
      %convert_element_type3A_127 = arith.extui %eq3A_126 : vector<16xi1> to vector<16xi32>
      %reduce_sum3A_128 = arith.constant true
      %reduce_sum3A_129 = vector.broadcast %reduce_sum3A_128 : i1 to vector<16xi1>
      %reduce_sum3A_130 = tpu.scan <sum>, %convert_element_type3A_127 masked %reduce_sum3A_129 : vector<16xi32>, vector<16xi1> -> vector<16xi32>
      %reduce_sum3A_131 = vector.extract %reduce_sum3A_130[15] : i32 from vector<16xi32>
      %eq3A_132 = arith.constant 3 : i32
      %eq3A_133 = vector.broadcast %eq3A_132 : i32 to vector<16xi32>
      %eq3A_134 = arith.cmpi eq, %iota3A, %eq3A_133 : vector<16xi32>
      %jit3A_135 = arith.constant 0 : i32
      %broadcast_in_dim3A_136 = vector.broadcast %reduce_sum3A_131 : i32 to vector<16xi32>
      %broadcast_in_dim3A_137 = vector.broadcast %jit3A_135 : i32 to vector<16xi32>
      %select_n3A_138 = arith.select %eq3A_134, %broadcast_in_dim3A_136, %broadcast_in_dim3A_137 : vector<16xi1>, vector<16xi32>
      %add3A_139 = arith.addi %add3A_123, %select_n3A_138 : vector<16xi32>
      %eq3A_140 = arith.constant 4 : i32
      %eq3A_141 = vector.broadcast %eq3A_140 : i32 to vector<16xi32>
      %eq3A_142 = arith.cmpi eq, %get3A_76, %eq3A_141 : vector<16xi32>
      %convert_element_type3A_143 = arith.extui %eq3A_142 : vector<16xi1> to vector<16xi32>
      %reduce_sum3A_144 = arith.constant true
      %reduce_sum3A_145 = vector.broadcast %reduce_sum3A_144 : i1 to vector<16xi1>
      %reduce_sum3A_146 = tpu.scan <sum>, %convert_element_type3A_143 masked %reduce_sum3A_145 : vector<16xi32>, vector<16xi1> -> vector<16xi32>
      %reduce_sum3A_147 = vector.extract %reduce_sum3A_146[15] : i32 from vector<16xi32>
      %eq3A_148 = arith.constant 4 : i32
      %eq3A_149 = vector.broadcast %eq3A_148 : i32 to vector<16xi32>
      %eq3A_150 = arith.cmpi eq, %iota3A, %eq3A_149 : vector<16xi32>
      %jit3A_151 = arith.constant 0 : i32
      %broadcast_in_dim3A_152 = vector.broadcast %reduce_sum3A_147 : i32 to vector<16xi32>
      %broadcast_in_dim3A_153 = vector.broadcast %jit3A_151 : i32 to vector<16xi32>
      %select_n3A_154 = arith.select %eq3A_150, %broadcast_in_dim3A_152, %broadcast_in_dim3A_153 : vector<16xi1>, vector<16xi32>
      %add3A_155 = arith.addi %add3A_139, %select_n3A_154 : vector<16xi32>
      %eq3A_156 = arith.constant 5 : i32
      %eq3A_157 = vector.broadcast %eq3A_156 : i32 to vector<16xi32>
      %eq3A_158 = arith.cmpi eq, %get3A_76, %eq3A_157 : vector<16xi32>
      %convert_element_type3A_159 = arith.extui %eq3A_158 : vector<16xi1> to vector<16xi32>
      %reduce_sum3A_160 = arith.constant true
      %reduce_sum3A_161 = vector.broadcast %reduce_sum3A_160 : i1 to vector<16xi1>
      %reduce_sum3A_162 = tpu.scan <sum>, %convert_element_type3A_159 masked %reduce_sum3A_161 : vector<16xi32>, vector<16xi1> -> vector<16xi32>
      %reduce_sum3A_163 = vector.extract %reduce_sum3A_162[15] : i32 from vector<16xi32>
      %eq3A_164 = arith.constant 5 : i32
      %eq3A_165 = vector.broadcast %eq3A_164 : i32 to vector<16xi32>
      %eq3A_166 = arith.cmpi eq, %iota3A, %eq3A_165 : vector<16xi32>
      %jit3A_167 = arith.constant 0 : i32
      %broadcast_in_dim3A_168 = vector.broadcast %reduce_sum3A_163 : i32 to vector<16xi32>
      %broadcast_in_dim3A_169 = vector.broadcast %jit3A_167 : i32 to vector<16xi32>
      %select_n3A_170 = arith.select %eq3A_166, %broadcast_in_dim3A_168, %broadcast_in_dim3A_169 : vector<16xi1>, vector<16xi32>
      %add3A_171 = arith.addi %add3A_155, %select_n3A_170 : vector<16xi32>
      %eq3A_172 = arith.constant 6 : i32
      %eq3A_173 = vector.broadcast %eq3A_172 : i32 to vector<16xi32>
      %eq3A_174 = arith.cmpi eq, %get3A_76, %eq3A_173 : vector<16xi32>
      %convert_element_type3A_175 = arith.extui %eq3A_174 : vector<16xi1> to vector<16xi32>
      %reduce_sum3A_176 = arith.constant true
      %reduce_sum3A_177 = vector.broadcast %reduce_sum3A_176 : i1 to vector<16xi1>
      %reduce_sum3A_178 = tpu.scan <sum>, %convert_element_type3A_175 masked %reduce_sum3A_177 : vector<16xi32>, vector<16xi1> -> vector<16xi32>
      %reduce_sum3A_179 = vector.extract %reduce_sum3A_178[15] : i32 from vector<16xi32>
      %eq3A_180 = arith.constant 6 : i32
      %eq3A_181 = vector.broadcast %eq3A_180 : i32 to vector<16xi32>
      %eq3A_182 = arith.cmpi eq, %iota3A, %eq3A_181 : vector<16xi32>
      %jit3A_183 = arith.constant 0 : i32
      %broadcast_in_dim3A_184 = vector.broadcast %reduce_sum3A_179 : i32 to vector<16xi32>
      %broadcast_in_dim3A_185 = vector.broadcast %jit3A_183 : i32 to vector<16xi32>
      %select_n3A_186 = arith.select %eq3A_182, %broadcast_in_dim3A_184, %broadcast_in_dim3A_185 : vector<16xi1>, vector<16xi32>
      %add3A_187 = arith.addi %add3A_171, %select_n3A_186 : vector<16xi32>
      %eq3A_188 = arith.constant 7 : i32
      %eq3A_189 = vector.broadcast %eq3A_188 : i32 to vector<16xi32>
      %eq3A_190 = arith.cmpi eq, %get3A_76, %eq3A_189 : vector<16xi32>
      %convert_element_type3A_191 = arith.extui %eq3A_190 : vector<16xi1> to vector<16xi32>
      %reduce_sum3A_192 = arith.constant true
      %reduce_sum3A_193 = vector.broadcast %reduce_sum3A_192 : i1 to vector<16xi1>
      %reduce_sum3A_194 = tpu.scan <sum>, %convert_element_type3A_191 masked %reduce_sum3A_193 : vector<16xi32>, vector<16xi1> -> vector<16xi32>
      %reduce_sum3A_195 = vector.extract %reduce_sum3A_194[15] : i32 from vector<16xi32>
      %eq3A_196 = arith.constant 7 : i32
      %eq3A_197 = vector.broadcast %eq3A_196 : i32 to vector<16xi32>
      %eq3A_198 = arith.cmpi eq, %iota3A, %eq3A_197 : vector<16xi32>
      %jit3A_199 = arith.constant 0 : i32
      %broadcast_in_dim3A_200 = vector.broadcast %reduce_sum3A_195 : i32 to vector<16xi32>
      %broadcast_in_dim3A_201 = vector.broadcast %jit3A_199 : i32 to vector<16xi32>
      %select_n3A_202 = arith.select %eq3A_198, %broadcast_in_dim3A_200, %broadcast_in_dim3A_201 : vector<16xi1>, vector<16xi32>
      %add3A_203 = arith.addi %add3A_187, %select_n3A_202 : vector<16xi32>
      scf.yield %add3A_203 : vector<16xi32>
    }
    %while3A_32 = arith.constant 1 : i32
    %while3A_33 = scf.for %while3A_72 = %while3A_29 to %while3A_25 step %while3A_32 iter_args(%while3A_73 = %while3A_31) -> (vector<16xi32>)  : i32 {
      %mul3A_74 = arith.constant 16 : i32
      %mul3A_75 = arith.muli %while3A_72, %mul3A_74 : i32
      %get3A = arith.index_cast %mul3A_75 : i32 to index
      %get3A_76 = tpu.vector_load %arg8[%get3A] {strides = array<i32>} : memref<4096xi32, #tpu.memory_space<vmem>>, vector<16xi32>,
      %eq3A_77 = arith.constant 0 : i32
      %eq3A_78 = vector.broadcast %eq3A_77 : i32 to vector<16xi32>
      %eq3A_79 = arith.cmpi eq, %get3A_76, %eq3A_78 : vector<16xi32>
      %convert_element_type3A_80 = arith.extui %eq3A_79 : vector<16xi1> to vector<16xi32>
      %reduce_sum3A = arith.constant true
      %reduce_sum3A_81 = vector.broadcast %reduce_sum3A : i1 to vector<16xi1>
      %reduce_sum3A_82 = tpu.scan <sum>, %convert_element_type3A_80 masked %reduce_sum3A_81 : vector<16xi32>, vector<16xi1> -> vector<16xi32>
      %reduce_sum3A_83 = vector.extract %reduce_sum3A_82[15] : i32 from vector<16xi32>
      %eq3A_84 = arith.constant 0 : i32
      %eq3A_85 = vector.broadcast %eq3A_84 : i32 to vector<16xi32>
      %eq3A_86 = arith.cmpi eq, %iota3A, %eq3A_85 : vector<16xi32>
      %jit3A_87 = arith.constant 0 : i32
      %broadcast_in_dim3A_88 = vector.broadcast %reduce_sum3A_83 : i32 to vector<16xi32>
      %broadcast_in_dim3A_89 = vector.broadcast %jit3A_87 : i32 to vector<16xi32>
      %select_n3A_90 = arith.select %eq3A_86, %broadcast_in_dim3A_88, %broadcast_in_dim3A_89 : vector<16xi1>, vector<16xi32>
      %add3A_91 = arith.addi %while3A_73, %select_n3A_90 : vector<16xi32>
      %eq3A_92 = arith.constant 1 : i32
      %eq3A_93 = vector.broadcast %eq3A_92 : i32 to vector<16xi32>
      %eq3A_94 = arith.cmpi eq, %get3A_76, %eq3A_93 : vector<16xi32>
      %convert_element_type3A_95 = arith.extui %eq3A_94 : vector<16xi1> to vector<16xi32>
      %reduce_sum3A_96 = arith.constant true
      %reduce_sum3A_97 = vector.broadcast %reduce_sum3A_96 : i1 to vector<16xi1>
      %reduce_sum3A_98 = tpu.scan <sum>, %convert_element_type3A_95 masked %reduce_sum3A_97 : vector<16xi32>, vector<16xi1> -> vector<16xi32>
      %reduce_sum3A_99 = vector.extract %reduce_sum3A_98[15] : i32 from vector<16xi32>
      %eq3A_100 = arith.constant 1 : i32
      %eq3A_101 = vector.broadcast %eq3A_100 : i32 to vector<16xi32>
      %eq3A_102 = arith.cmpi eq, %iota3A, %eq3A_101 : vector<16xi32>
      %jit3A_103 = arith.constant 0 : i32
      %broadcast_in_dim3A_104 = vector.broadcast %reduce_sum3A_99 : i32 to vector<16xi32>
      %broadcast_in_dim3A_105 = vector.broadcast %jit3A_103 : i32 to vector<16xi32>
      %select_n3A_106 = arith.select %eq3A_102, %broadcast_in_dim3A_104, %broadcast_in_dim3A_105 : vector<16xi1>, vector<16xi32>
      %add3A_107 = arith.addi %add3A_91, %select_n3A_106 : vector<16xi32>
      %eq3A_108 = arith.constant 2 : i32
      %eq3A_109 = vector.broadcast %eq3A_108 : i32 to vector<16xi32>
      %eq3A_110 = arith.cmpi eq, %get3A_76, %eq3A_109 : vector<16xi32>
      %convert_element_type3A_111 = arith.extui %eq3A_110 : vector<16xi1> to vector<16xi32>
      %reduce_sum3A_112 = arith.constant true
      %reduce_sum3A_113 = vector.broadcast %reduce_sum3A_112 : i1 to vector<16xi1>
      %reduce_sum3A_114 = tpu.scan <sum>, %convert_element_type3A_111 masked %reduce_sum3A_113 : vector<16xi32>, vector<16xi1> -> vector<16xi32>
      %reduce_sum3A_115 = vector.extract %reduce_sum3A_114[15] : i32 from vector<16xi32>
      %eq3A_116 = arith.constant 2 : i32
      %eq3A_117 = vector.broadcast %eq3A_116 : i32 to vector<16xi32>
      %eq3A_118 = arith.cmpi eq, %iota3A, %eq3A_117 : vector<16xi32>
      %jit3A_119 = arith.constant 0 : i32
      %broadcast_in_dim3A_120 = vector.broadcast %reduce_sum3A_115 : i32 to vector<16xi32>
      %broadcast_in_dim3A_121 = vector.broadcast %jit3A_119 : i32 to vector<16xi32>
      %select_n3A_122 = arith.select %eq3A_118, %broadcast_in_dim3A_120, %broadcast_in_dim3A_121 : vector<16xi1>, vector<16xi32>
      %add3A_123 = arith.addi %add3A_107, %select_n3A_122 : vector<16xi32>
      %eq3A_124 = arith.constant 3 : i32
      %eq3A_125 = vector.broadcast %eq3A_124 : i32 to vector<16xi32>
      %eq3A_126 = arith.cmpi eq, %get3A_76, %eq3A_125 : vector<16xi32>
      %convert_element_type3A_127 = arith.extui %eq3A_126 : vector<16xi1> to vector<16xi32>
      %reduce_sum3A_128 = arith.constant true
      %reduce_sum3A_129 = vector.broadcast %reduce_sum3A_128 : i1 to vector<16xi1>
      %reduce_sum3A_130 = tpu.scan <sum>, %convert_element_type3A_127 masked %reduce_sum3A_129 : vector<16xi32>, vector<16xi1> -> vector<16xi32>
      %reduce_sum3A_131 = vector.extract %reduce_sum3A_130[15] : i32 from vector<16xi32>
      %eq3A_132 = arith.constant 3 : i32
      %eq3A_133 = vector.broadcast %eq3A_132 : i32 to vector<16xi32>
      %eq3A_134 = arith.cmpi eq, %iota3A, %eq3A_133 : vector<16xi32>
      %jit3A_135 = arith.constant 0 : i32
      %broadcast_in_dim3A_136 = vector.broadcast %reduce_sum3A_131 : i32 to vector<16xi32>
      %broadcast_in_dim3A_137 = vector.broadcast %jit3A_135 : i32 to vector<16xi32>
      %select_n3A_138 = arith.select %eq3A_134, %broadcast_in_dim3A_136, %broadcast_in_dim3A_137 : vector<16xi1>, vector<16xi32>
      %add3A_139 = arith.addi %add3A_123, %select_n3A_138 : vector<16xi32>
      %eq3A_140 = arith.constant 4 : i32
      %eq3A_141 = vector.broadcast %eq3A_140 : i32 to vector<16xi32>
      %eq3A_142 = arith.cmpi eq, %get3A_76, %eq3A_141 : vector<16xi32>
      %convert_element_type3A_143 = arith.extui %eq3A_142 : vector<16xi1> to vector<16xi32>
      %reduce_sum3A_144 = arith.constant true
      %reduce_sum3A_145 = vector.broadcast %reduce_sum3A_144 : i1 to vector<16xi1>
      %reduce_sum3A_146 = tpu.scan <sum>, %convert_element_type3A_143 masked %reduce_sum3A_145 : vector<16xi32>, vector<16xi1> -> vector<16xi32>
      %reduce_sum3A_147 = vector.extract %reduce_sum3A_146[15] : i32 from vector<16xi32>
      %eq3A_148 = arith.constant 4 : i32
      %eq3A_149 = vector.broadcast %eq3A_148 : i32 to vector<16xi32>
      %eq3A_150 = arith.cmpi eq, %iota3A, %eq3A_149 : vector<16xi32>
      %jit3A_151 = arith.constant 0 : i32
      %broadcast_in_dim3A_152 = vector.broadcast %reduce_sum3A_147 : i32 to vector<16xi32>
      %broadcast_in_dim3A_153 = vector.broadcast %jit3A_151 : i32 to vector<16xi32>
      %select_n3A_154 = arith.select %eq3A_150, %broadcast_in_dim3A_152, %broadcast_in_dim3A_153 : vector<16xi1>, vector<16xi32>
      %add3A_155 = arith.addi %add3A_139, %select_n3A_154 : vector<16xi32>
      %eq3A_156 = arith.constant 5 : i32
      %eq3A_157 = vector.broadcast %eq3A_156 : i32 to vector<16xi32>
      %eq3A_158 = arith.cmpi eq, %get3A_76, %eq3A_157 : vector<16xi32>
      %convert_element_type3A_159 = arith.extui %eq3A_158 : vector<16xi1> to vector<16xi32>
      %reduce_sum3A_160 = arith.constant true
      %reduce_sum3A_161 = vector.broadcast %reduce_sum3A_160 : i1 to vector<16xi1>
      %reduce_sum3A_162 = tpu.scan <sum>, %convert_element_type3A_159 masked %reduce_sum3A_161 : vector<16xi32>, vector<16xi1> -> vector<16xi32>
      %reduce_sum3A_163 = vector.extract %reduce_sum3A_162[15] : i32 from vector<16xi32>
      %eq3A_164 = arith.constant 5 : i32
      %eq3A_165 = vector.broadcast %eq3A_164 : i32 to vector<16xi32>
      %eq3A_166 = arith.cmpi eq, %iota3A, %eq3A_165 : vector<16xi32>
      %jit3A_167 = arith.constant 0 : i32
      %broadcast_in_dim3A_168 = vector.broadcast %reduce_sum3A_163 : i32 to vector<16xi32>
      %broadcast_in_dim3A_169 = vector.broadcast %jit3A_167 : i32 to vector<16xi32>
      %select_n3A_170 = arith.select %eq3A_166, %broadcast_in_dim3A_168, %broadcast_in_dim3A_169 : vector<16xi1>, vector<16xi32>
      %add3A_171 = arith.addi %add3A_155, %select_n3A_170 : vector<16xi32>
      %eq3A_172 = arith.constant 6 : i32
      %eq3A_173 = vector.broadcast %eq3A_172 : i32 to vector<16xi32>
      %eq3A_174 = arith.cmpi eq, %get3A_76, %eq3A_173 : vector<16xi32>
      %convert_element_type3A_175 = arith.extui %eq3A_174 : vector<16xi1> to vector<16xi32>
      %reduce_sum3A_176 = arith.constant true
      %reduce_sum3A_177 = vector.broadcast %reduce_sum3A_176 : i1 to vector<16xi1>
      %reduce_sum3A_178 = tpu.scan <sum>, %convert_element_type3A_175 masked %reduce_sum3A_177 : vector<16xi32>, vector<16xi1> -> vector<16xi32>
      %reduce_sum3A_179 = vector.extract %reduce_sum3A_178[15] : i32 from vector<16xi32>
      %eq3A_180 = arith.constant 6 : i32
      %eq3A_181 = vector.broadcast %eq3A_180 : i32 to vector<16xi32>
      %eq3A_182 = arith.cmpi eq, %iota3A, %eq3A_181 : vector<16xi32>
      %jit3A_183 = arith.constant 0 : i32
      %broadcast_in_dim3A_184 = vector.broadcast %reduce_sum3A_179 : i32 to vector<16xi32>
      %broadcast_in_dim3A_185 = vector.broadcast %jit3A_183 : i32 to vector<16xi32>
      %select_n3A_186 = arith.select %eq3A_182, %broadcast_in_dim3A_184, %broadcast_in_dim3A_185 : vector<16xi1>, vector<16xi32>
      %add3A_187 = arith.addi %add3A_171, %select_n3A_186 : vector<16xi32>
      %eq3A_188 = arith.constant 7 : i32
      %eq3A_189 = vector.broadcast %eq3A_188 : i32 to vector<16xi32>
      %eq3A_190 = arith.cmpi eq, %get3A_76, %eq3A_189 : vector<16xi32>
      %convert_element_type3A_191 = arith.extui %eq3A_190 : vector<16xi1> to vector<16xi32>
      %reduce_sum3A_192 = arith.constant true
      %reduce_sum3A_193 = vector.broadcast %reduce_sum3A_192 : i1 to vector<16xi1>
      %reduce_sum3A_194 = tpu.scan <sum>, %convert_element_type3A_191 masked %reduce_sum3A_193 : vector<16xi32>, vector<16xi1> -> vector<16xi32>
      %reduce_sum3A_195 = vector.extract %reduce_sum3A_194[15] : i32 from vector<16xi32>
      %eq3A_196 = arith.constant 7 : i32
      %eq3A_197 = vector.broadcast %eq3A_196 : i32 to vector<16xi32>
      %eq3A_198 = arith.cmpi eq, %iota3A, %eq3A_197 : vector<16xi32>
      %jit3A_199 = arith.constant 0 : i32
      %broadcast_in_dim3A_200 = vector.broadcast %reduce_sum3A_195 : i32 to vector<16xi32>
      %broadcast_in_dim3A_201 = vector.broadcast %jit3A_199 : i32 to vector<16xi32>
      %select_n3A_202 = arith.select %eq3A_198, %broadcast_in_dim3A_200, %broadcast_in_dim3A_201 : vector<16xi1>, vector<16xi32>
      %add3A_203 = arith.addi %add3A_187, %select_n3A_202 : vector<16xi32>
      scf.yield %add3A_203 : vector<16xi32>
    }
    %lt3A_34 = arith.constant 8 : i32
    %lt3A_35 = vector.broadcast %lt3A_34 : i32 to vector<16xi32>
    %lt3A_36 = arith.cmpi slt, %iota3A, %lt3A_35 : vector<16xi32>
    %add3A_37 = arith.constant 255 : i32
    %add3A_38 = vector.broadcast %add3A_37 : i32 to vector<16xi32>
    %add3A_39 = arith.addi %scan3A_18, %add3A_38 : vector<16xi32>
    %shift_right_arithmetic3A = arith.constant 8 : i32
    %shift_right_arithmetic3A_40 = vector.broadcast %shift_right_arithmetic3A : i32 to vector<16xi32>
    %shift_right_arithmetic3A_41 = arith.shrsi %add3A_39, %shift_right_arithmetic3A_40 : vector<16xi32>
    %shift_left3A = arith.constant 8 : i32
    %shift_left3A_42 = vector.broadcast %shift_left3A : i32 to vector<16xi32>
    %shift_left3A_43 = arith.shli %shift_right_arithmetic3A_41, %shift_left3A_42 : vector<16xi32>
    %jit3A_44 = arith.constant 0 : i32
    %broadcast_in_dim3A_45 = vector.broadcast %jit3A_44 : i32 to vector<16xi32>
    %select_n3A_46 = arith.select %lt3A_36, %shift_left3A_43, %broadcast_in_dim3A_45 : vector<16xi1>, vector<16xi32>
    %broadcast_in_dim3A_47 = arith.constant true
    %broadcast_in_dim3A_48 = vector.broadcast %broadcast_in_dim3A_47 : i1 to vector<16xi1>
    %masked_cumsum3A = tpu.scan <sum>, %select_n3A_46 masked %broadcast_in_dim3A_48 : vector<16xi32>, vector<16xi1> -> vector<16xi32>
    %sub3A = arith.subi %masked_cumsum3A, %select_n3A_46 : vector<16xi32>
    %add3A_49 = arith.addi %sub3A, %while3A_33 : vector<16xi32>
    %scan3A_50 = arith.constant 0 : i32
    %scan3A_51 = arith.constant 8 : i32
    %scan3A_52 = arith.addi %scan3A_50, %scan3A_51 : i32
    %scan3A_53 = arith.constant 1 : i32
    %scan3A_54 = scf.for %scan3A_72 = %scan3A_50 to %scan3A_52 step %scan3A_53 iter_args(%scan3A_73 = %add3A_49) -> (vector<16xi32>)  : i32 {
      %mul3A_74 = arith.constant 16 : i32
      %mul3A_75 = arith.muli %scan3A_72, %mul3A_74 : i32
      %add3A_76 = arith.addi %mul3A_13, %mul3A_75 : i32
      %get3A = arith.index_cast %add3A_76 : i32 to index
      %get3A_77 = tpu.vector_load %arg8[%get3A] {strides = array<i32>} : memref<4096xi32, #tpu.memory_space<vmem>>, vector<16xi32>,
      %broadcast_in_dim3A_78 = vector.shape_cast %get3A_77 : vector<16xi32> to vector<16x1xi32>
      %gather3A = vector.shape_cast %broadcast_in_dim3A_78 : vector<16x1xi32> to vector<16xi32>
      %gather3A_79 = tpu.dynamic_gather %scan3A_73[%gather3A] in [0] : vector<16xi32>, vector<16xi32> -> vector<16xi32>
      %broadcast_in_dim3A_80 = arith.constant 0 : i32
      %broadcast_in_dim3A_81 = vector.broadcast %broadcast_in_dim3A_80 : i32 to vector<16xi32>
      %eq3A_82 = arith.constant 0 : i32
      %eq3A_83 = vector.broadcast %eq3A_82 : i32 to vector<16xi32>
      %eq3A_84 = arith.cmpi eq, %get3A_77, %eq3A_83 : vector<16xi32>
      %convert_element_type3A_85 = arith.extui %eq3A_84 : vector<16xi1> to vector<16xi32>
      %broadcast_in_dim3A_86 = arith.constant true
      %broadcast_in_dim3A_87 = vector.broadcast %broadcast_in_dim3A_86 : i1 to vector<16xi1>
      %masked_cumsum3A_88 = tpu.scan <sum>, %convert_element_type3A_85 masked %broadcast_in_dim3A_87 : vector<16xi32>, vector<16xi1> -> vector<16xi32>
      %sub3A_89 = arith.subi %masked_cumsum3A_88, %convert_element_type3A_85 : vector<16xi32>
      %jit3A_90 = arith.constant 0 : i32
      %broadcast_in_dim3A_91 = vector.broadcast %jit3A_90 : i32 to vector<16xi32>
      %select_n3A_92 = arith.select %eq3A_84, %sub3A_89, %broadcast_in_dim3A_91 : vector<16xi1>, vector<16xi32>
      %add3A_93 = arith.addi %broadcast_in_dim3A_81, %select_n3A_92 : vector<16xi32>
      %eq3A_94 = arith.constant 0 : i32
      %eq3A_95 = vector.broadcast %eq3A_94 : i32 to vector<16xi32>
      %eq3A_96 = arith.cmpi eq, %iota3A, %eq3A_95 : vector<16xi32>
      %slice3A = vector.extract_strided_slice %masked_cumsum3A_88 {offsets = [15], sizes = [1], strides = [1]} : vector<16xi32> to vector<1xi32>
      %squeeze3A = vector.extract %slice3A[0] : i32 from vector<1xi32>
      %jit3A_97 = arith.constant 0 : i32
      %broadcast_in_dim3A_98 = vector.broadcast %squeeze3A : i32 to vector<16xi32>
      %broadcast_in_dim3A_99 = vector.broadcast %jit3A_97 : i32 to vector<16xi32>
      %select_n3A_100 = arith.select %eq3A_96, %broadcast_in_dim3A_98, %broadcast_in_dim3A_99 : vector<16xi1>, vector<16xi32>
      %add3A_101 = arith.addi %scan3A_73, %select_n3A_100 : vector<16xi32>
      %eq3A_102 = arith.constant 1 : i32
      %eq3A_103 = vector.broadcast %eq3A_102 : i32 to vector<16xi32>
      %eq3A_104 = arith.cmpi eq, %get3A_77, %eq3A_103 : vector<16xi32>
      %convert_element_type3A_105 = arith.extui %eq3A_104 : vector<16xi1> to vector<16xi32>
      %broadcast_in_dim3A_106 = arith.constant true
      %broadcast_in_dim3A_107 = vector.broadcast %broadcast_in_dim3A_106 : i1 to vector<16xi1>
      %masked_cumsum3A_108 = tpu.scan <sum>, %convert_element_type3A_105 masked %broadcast_in_dim3A_107 : vector<16xi32>, vector<16xi1> -> vector<16xi32>
      %sub3A_109 = arith.subi %masked_cumsum3A_108, %convert_element_type3A_105 : vector<16xi32>
      %jit3A_110 = arith.constant 0 : i32
      %broadcast_in_dim3A_111 = vector.broadcast %jit3A_110 : i32 to vector<16xi32>
      %select_n3A_112 = arith.select %eq3A_104, %sub3A_109, %broadcast_in_dim3A_111 : vector<16xi1>, vector<16xi32>
      %add3A_113 = arith.addi %add3A_93, %select_n3A_112 : vector<16xi32>
      %eq3A_114 = arith.constant 1 : i32
      %eq3A_115 = vector.broadcast %eq3A_114 : i32 to vector<16xi32>
      %eq3A_116 = arith.cmpi eq, %iota3A, %eq3A_115 : vector<16xi32>
      %slice3A_117 = vector.extract_strided_slice %masked_cumsum3A_108 {offsets = [15], sizes = [1], strides = [1]} : vector<16xi32> to vector<1xi32>
      %squeeze3A_118 = vector.extract %slice3A_117[0] : i32 from vector<1xi32>
      %jit3A_119 = arith.constant 0 : i32
      %broadcast_in_dim3A_120 = vector.broadcast %squeeze3A_118 : i32 to vector<16xi32>
      %broadcast_in_dim3A_121 = vector.broadcast %jit3A_119 : i32 to vector<16xi32>
      %select_n3A_122 = arith.select %eq3A_116, %broadcast_in_dim3A_120, %broadcast_in_dim3A_121 : vector<16xi1>, vector<16xi32>
      %add3A_123 = arith.addi %add3A_101, %select_n3A_122 : vector<16xi32>
      %eq3A_124 = arith.constant 2 : i32
      %eq3A_125 = vector.broadcast %eq3A_124 : i32 to vector<16xi32>
      %eq3A_126 = arith.cmpi eq, %get3A_77, %eq3A_125 : vector<16xi32>
      %convert_element_type3A_127 = arith.extui %eq3A_126 : vector<16xi1> to vector<16xi32>
      %broadcast_in_dim3A_128 = arith.constant true
      %broadcast_in_dim3A_129 = vector.broadcast %broadcast_in_dim3A_128 : i1 to vector<16xi1>
      %masked_cumsum3A_130 = tpu.scan <sum>, %convert_element_type3A_127 masked %broadcast_in_dim3A_129 : vector<16xi32>, vector<16xi1> -> vector<16xi32>
      %sub3A_131 = arith.subi %masked_cumsum3A_130, %convert_element_type3A_127 : vector<16xi32>
      %jit3A_132 = arith.constant 0 : i32
      %broadcast_in_dim3A_133 = vector.broadcast %jit3A_132 : i32 to vector<16xi32>
      %select_n3A_134 = arith.select %eq3A_126, %sub3A_131, %broadcast_in_dim3A_133 : vector<16xi1>, vector<16xi32>
      %add3A_135 = arith.addi %add3A_113, %select_n3A_134 : vector<16xi32>
      %eq3A_136 = arith.constant 2 : i32
      %eq3A_137 = vector.broadcast %eq3A_136 : i32 to vector<16xi32>
      %eq3A_138 = arith.cmpi eq, %iota3A, %eq3A_137 : vector<16xi32>
      %slice3A_139 = vector.extract_strided_slice %masked_cumsum3A_130 {offsets = [15], sizes = [1], strides = [1]} : vector<16xi32> to vector<1xi32>
      %squeeze3A_140 = vector.extract %slice3A_139[0] : i32 from vector<1xi32>
      %jit3A_141 = arith.constant 0 : i32
      %broadcast_in_dim3A_142 = vector.broadcast %squeeze3A_140 : i32 to vector<16xi32>
      %broadcast_in_dim3A_143 = vector.broadcast %jit3A_141 : i32 to vector<16xi32>
      %select_n3A_144 = arith.select %eq3A_138, %broadcast_in_dim3A_142, %broadcast_in_dim3A_143 : vector<16xi1>, vector<16xi32>
      %add3A_145 = arith.addi %add3A_123, %select_n3A_144 : vector<16xi32>
      %eq3A_146 = arith.constant 3 : i32
      %eq3A_147 = vector.broadcast %eq3A_146 : i32 to vector<16xi32>
      %eq3A_148 = arith.cmpi eq, %get3A_77, %eq3A_147 : vector<16xi32>
      %convert_element_type3A_149 = arith.extui %eq3A_148 : vector<16xi1> to vector<16xi32>
      %broadcast_in_dim3A_150 = arith.constant true
      %broadcast_in_dim3A_151 = vector.broadcast %broadcast_in_dim3A_150 : i1 to vector<16xi1>
      %masked_cumsum3A_152 = tpu.scan <sum>, %convert_element_type3A_149 masked %broadcast_in_dim3A_151 : vector<16xi32>, vector<16xi1> -> vector<16xi32>
      %sub3A_153 = arith.subi %masked_cumsum3A_152, %convert_element_type3A_149 : vector<16xi32>
      %jit3A_154 = arith.constant 0 : i32
      %broadcast_in_dim3A_155 = vector.broadcast %jit3A_154 : i32 to vector<16xi32>
      %select_n3A_156 = arith.select %eq3A_148, %sub3A_153, %broadcast_in_dim3A_155 : vector<16xi1>, vector<16xi32>
      %add3A_157 = arith.addi %add3A_135, %select_n3A_156 : vector<16xi32>
      %eq3A_158 = arith.constant 3 : i32
      %eq3A_159 = vector.broadcast %eq3A_158 : i32 to vector<16xi32>
      %eq3A_160 = arith.cmpi eq, %iota3A, %eq3A_159 : vector<16xi32>
      %slice3A_161 = vector.extract_strided_slice %masked_cumsum3A_152 {offsets = [15], sizes = [1], strides = [1]} : vector<16xi32> to vector<1xi32>
      %squeeze3A_162 = vector.extract %slice3A_161[0] : i32 from vector<1xi32>
      %jit3A_163 = arith.constant 0 : i32
      %broadcast_in_dim3A_164 = vector.broadcast %squeeze3A_162 : i32 to vector<16xi32>
      %broadcast_in_dim3A_165 = vector.broadcast %jit3A_163 : i32 to vector<16xi32>
      %select_n3A_166 = arith.select %eq3A_160, %broadcast_in_dim3A_164, %broadcast_in_dim3A_165 : vector<16xi1>, vector<16xi32>
      %add3A_167 = arith.addi %add3A_145, %select_n3A_166 : vector<16xi32>
      %eq3A_168 = arith.constant 4 : i32
      %eq3A_169 = vector.broadcast %eq3A_168 : i32 to vector<16xi32>
      %eq3A_170 = arith.cmpi eq, %get3A_77, %eq3A_169 : vector<16xi32>
      %convert_element_type3A_171 = arith.extui %eq3A_170 : vector<16xi1> to vector<16xi32>
      %broadcast_in_dim3A_172 = arith.constant true
      %broadcast_in_dim3A_173 = vector.broadcast %broadcast_in_dim3A_172 : i1 to vector<16xi1>
      %masked_cumsum3A_174 = tpu.scan <sum>, %convert_element_type3A_171 masked %broadcast_in_dim3A_173 : vector<16xi32>, vector<16xi1> -> vector<16xi32>
      %sub3A_175 = arith.subi %masked_cumsum3A_174, %convert_element_type3A_171 : vector<16xi32>
      %jit3A_176 = arith.constant 0 : i32
      %broadcast_in_dim3A_177 = vector.broadcast %jit3A_176 : i32 to vector<16xi32>
      %select_n3A_178 = arith.select %eq3A_170, %sub3A_175, %broadcast_in_dim3A_177 : vector<16xi1>, vector<16xi32>
      %add3A_179 = arith.addi %add3A_157, %select_n3A_178 : vector<16xi32>
      %eq3A_180 = arith.constant 4 : i32
      %eq3A_181 = vector.broadcast %eq3A_180 : i32 to vector<16xi32>
      %eq3A_182 = arith.cmpi eq, %iota3A, %eq3A_181 : vector<16xi32>
      %slice3A_183 = vector.extract_strided_slice %masked_cumsum3A_174 {offsets = [15], sizes = [1], strides = [1]} : vector<16xi32> to vector<1xi32>
      %squeeze3A_184 = vector.extract %slice3A_183[0] : i32 from vector<1xi32>
      %jit3A_185 = arith.constant 0 : i32
      %broadcast_in_dim3A_186 = vector.broadcast %squeeze3A_184 : i32 to vector<16xi32>
      %broadcast_in_dim3A_187 = vector.broadcast %jit3A_185 : i32 to vector<16xi32>
      %select_n3A_188 = arith.select %eq3A_182, %broadcast_in_dim3A_186, %broadcast_in_dim3A_187 : vector<16xi1>, vector<16xi32>
      %add3A_189 = arith.addi %add3A_167, %select_n3A_188 : vector<16xi32>
      %eq3A_190 = arith.constant 5 : i32
      %eq3A_191 = vector.broadcast %eq3A_190 : i32 to vector<16xi32>
      %eq3A_192 = arith.cmpi eq, %get3A_77, %eq3A_191 : vector<16xi32>
      %convert_element_type3A_193 = arith.extui %eq3A_192 : vector<16xi1> to vector<16xi32>
      %broadcast_in_dim3A_194 = arith.constant true
      %broadcast_in_dim3A_195 = vector.broadcast %broadcast_in_dim3A_194 : i1 to vector<16xi1>
      %masked_cumsum3A_196 = tpu.scan <sum>, %convert_element_type3A_193 masked %broadcast_in_dim3A_195 : vector<16xi32>, vector<16xi1> -> vector<16xi32>
      %sub3A_197 = arith.subi %masked_cumsum3A_196, %convert_element_type3A_193 : vector<16xi32>
      %jit3A_198 = arith.constant 0 : i32
      %broadcast_in_dim3A_199 = vector.broadcast %jit3A_198 : i32 to vector<16xi32>
      %select_n3A_200 = arith.select %eq3A_192, %sub3A_197, %broadcast_in_dim3A_199 : vector<16xi1>, vector<16xi32>
      %add3A_201 = arith.addi %add3A_179, %select_n3A_200 : vector<16xi32>
      %eq3A_202 = arith.constant 5 : i32
      %eq3A_203 = vector.broadcast %eq3A_202 : i32 to vector<16xi32>
      %eq3A_204 = arith.cmpi eq, %iota3A, %eq3A_203 : vector<16xi32>
      %slice3A_205 = vector.extract_strided_slice %masked_cumsum3A_196 {offsets = [15], sizes = [1], strides = [1]} : vector<16xi32> to vector<1xi32>
      %squeeze3A_206 = vector.extract %slice3A_205[0] : i32 from vector<1xi32>
      %jit3A_207 = arith.constant 0 : i32
      %broadcast_in_dim3A_208 = vector.broadcast %squeeze3A_206 : i32 to vector<16xi32>
      %broadcast_in_dim3A_209 = vector.broadcast %jit3A_207 : i32 to vector<16xi32>
      %select_n3A_210 = arith.select %eq3A_204, %broadcast_in_dim3A_208, %broadcast_in_dim3A_209 : vector<16xi1>, vector<16xi32>
      %add3A_211 = arith.addi %add3A_189, %select_n3A_210 : vector<16xi32>
      %eq3A_212 = arith.constant 6 : i32
      %eq3A_213 = vector.broadcast %eq3A_212 : i32 to vector<16xi32>
      %eq3A_214 = arith.cmpi eq, %get3A_77, %eq3A_213 : vector<16xi32>
      %convert_element_type3A_215 = arith.extui %eq3A_214 : vector<16xi1> to vector<16xi32>
      %broadcast_in_dim3A_216 = arith.constant true
      %broadcast_in_dim3A_217 = vector.broadcast %broadcast_in_dim3A_216 : i1 to vector<16xi1>
      %masked_cumsum3A_218 = tpu.scan <sum>, %convert_element_type3A_215 masked %broadcast_in_dim3A_217 : vector<16xi32>, vector<16xi1> -> vector<16xi32>
      %sub3A_219 = arith.subi %masked_cumsum3A_218, %convert_element_type3A_215 : vector<16xi32>
      %jit3A_220 = arith.constant 0 : i32
      %broadcast_in_dim3A_221 = vector.broadcast %jit3A_220 : i32 to vector<16xi32>
      %select_n3A_222 = arith.select %eq3A_214, %sub3A_219, %broadcast_in_dim3A_221 : vector<16xi1>, vector<16xi32>
      %add3A_223 = arith.addi %add3A_201, %select_n3A_222 : vector<16xi32>
      %eq3A_224 = arith.constant 6 : i32
      %eq3A_225 = vector.broadcast %eq3A_224 : i32 to vector<16xi32>
      %eq3A_226 = arith.cmpi eq, %iota3A, %eq3A_225 : vector<16xi32>
      %slice3A_227 = vector.extract_strided_slice %masked_cumsum3A_218 {offsets = [15], sizes = [1], strides = [1]} : vector<16xi32> to vector<1xi32>
      %squeeze3A_228 = vector.extract %slice3A_227[0] : i32 from vector<1xi32>
      %jit3A_229 = arith.constant 0 : i32
      %broadcast_in_dim3A_230 = vector.broadcast %squeeze3A_228 : i32 to vector<16xi32>
      %broadcast_in_dim3A_231 = vector.broadcast %jit3A_229 : i32 to vector<16xi32>
      %select_n3A_232 = arith.select %eq3A_226, %broadcast_in_dim3A_230, %broadcast_in_dim3A_231 : vector<16xi1>, vector<16xi32>
      %add3A_233 = arith.addi %add3A_211, %select_n3A_232 : vector<16xi32>
      %eq3A_234 = arith.constant 7 : i32
      %eq3A_235 = vector.broadcast %eq3A_234 : i32 to vector<16xi32>
      %eq3A_236 = arith.cmpi eq, %get3A_77, %eq3A_235 : vector<16xi32>
      %convert_element_type3A_237 = arith.extui %eq3A_236 : vector<16xi1> to vector<16xi32>
      %broadcast_in_dim3A_238 = arith.constant true
      %broadcast_in_dim3A_239 = vector.broadcast %broadcast_in_dim3A_238 : i1 to vector<16xi1>
      %masked_cumsum3A_240 = tpu.scan <sum>, %convert_element_type3A_237 masked %broadcast_in_dim3A_239 : vector<16xi32>, vector<16xi1> -> vector<16xi32>
      %sub3A_241 = arith.subi %masked_cumsum3A_240, %convert_element_type3A_237 : vector<16xi32>
      %jit3A_242 = arith.constant 0 : i32
      %broadcast_in_dim3A_243 = vector.broadcast %jit3A_242 : i32 to vector<16xi32>
      %select_n3A_244 = arith.select %eq3A_236, %sub3A_241, %broadcast_in_dim3A_243 : vector<16xi1>, vector<16xi32>
      %add3A_245 = arith.addi %add3A_223, %select_n3A_244 : vector<16xi32>
      %eq3A_246 = arith.constant 7 : i32
      %eq3A_247 = vector.broadcast %eq3A_246 : i32 to vector<16xi32>
      %eq3A_248 = arith.cmpi eq, %iota3A, %eq3A_247 : vector<16xi32>
      %slice3A_249 = vector.extract_strided_slice %masked_cumsum3A_240 {offsets = [15], sizes = [1], strides = [1]} : vector<16xi32> to vector<1xi32>
      %squeeze3A_250 = vector.extract %slice3A_249[0] : i32 from vector<1xi32>
      %jit3A_251 = arith.constant 0 : i32
      %broadcast_in_dim3A_252 = vector.broadcast %squeeze3A_250 : i32 to vector<16xi32>
      %broadcast_in_dim3A_253 = vector.broadcast %jit3A_251 : i32 to vector<16xi32>
      %select_n3A_254 = arith.select %eq3A_248, %broadcast_in_dim3A_252, %broadcast_in_dim3A_253 : vector<16xi1>, vector<16xi32>
      %add3A_255 = arith.addi %add3A_233, %select_n3A_254 : vector<16xi32>
      %add3A_256 = arith.addi %gather3A_79, %add3A_245 : vector<16xi32>
      %mul3A_257 = arith.constant 16 : i32
      %mul3A_258 = arith.muli %scan3A_72, %mul3A_257 : i32
      %swap3A = arith.index_cast %mul3A_258 : i32 to index
      %swap3A_259 = tpu.vector_load %arg10[%swap3A] {strides = array<i32>} : memref<128xi32, #tpu.memory_space<vmem>>, vector<16xi32>,
      tpu.vector_store %arg10[%swap3A], %add3A_256 {strides = array<i32>} : memref<128xi32, #tpu.memory_space<vmem>>, vector<16xi32>,
      scf.yield %add3A_255 : vector<16xi32>
    }
    %scan3A_55 = arith.constant 8 : i32
    %dma_start3A = arith.constant 0 : i32
    %dma_start3A_56 = arith.constant 0 : i32
    %dma_start3A_57 = tpu.memref_slice %arg4[%dma_start3A, %dma_start3A_56] : memref<6144x512xi32, #tpu.memory_space<hbm>> -> memref<6144x512xi32, #tpu.memory_space<hbm>>
    tpu.enqueue_indirect_dma source(%arg9 : memref<128x512xi32, #tpu.memory_space<vmem>>) target(%dma_start3A_57 : memref<6144x512xi32, #tpu.memory_space<hbm>>) offsets(%arg10 : memref<128xi32, #tpu.memory_space<vmem>>) semaphore(%arg12 : memref<!tpu.dma_semaphore, #tpu.memory_space<semaphore_mem>>)
    %dma_wait3A = arith.constant 0 : i32
    %dma_wait3A_58 = arith.constant 0 : i32
    %dma_wait3A_59 = tpu.memref_slice %arg4[%dma_wait3A, %dma_wait3A_58] : memref<6144x512xi32, #tpu.memory_space<hbm>> -> memref<6144x512xi32, #tpu.memory_space<hbm>>
    tpu.wait_indirect_dma semaphore(%arg12 : memref<!tpu.dma_semaphore, #tpu.memory_space<semaphore_mem>>) src(%arg9 : memref<128x512xi32, #tpu.memory_space<vmem>>) dst(%dma_wait3A_59 : memref<6144x512xi32, #tpu.memory_space<hbm>>)
    %lt3A_60 = arith.constant 16 : i32
    %lt3A_61 = arith.cmpi slt, %add3A, %lt3A_60 : i32
    %convert_element_type3A = arith.extui %lt3A_61 : i1 to i32
    %cond3A = arith.constant 0 : i32
    %cond3A_62 = arith.cmpi ne, %convert_element_type3A, %cond3A : i32
    scf.if %cond3A_62 {
      "tpu.region"() ({
        %run_scoped3A = tpu.sem_alloc : memref<!tpu.dma_semaphore, #tpu.memory_space<semaphore_mem>>
        %dma_start3A_72 = tpu.memref_slice %arg5[%mul3A_11] : memref<2048xi32, #tpu.memory_space<hbm>> -> memref<128xi32, #tpu.memory_space<hbm>>
        %dma_start3A_73 = tpu.memref_slice %arg5[%mul3A_11] : memref<2048xi32, #tpu.memory_space<hbm>> -> memref<128xi32, #tpu.memory_space<hbm>>
        tpu.enqueue_dma source(%arg10 : memref<128xi32, #tpu.memory_space<vmem>>) target(%dma_start3A_73 : memref<128xi32, #tpu.memory_space<hbm>>) target_semaphore(%run_scoped3A : memref<!tpu.dma_semaphore, #tpu.memory_space<semaphore_mem>>)
        %dma_wait3A_74 = tpu.memref_slice %arg5[%mul3A_11] : memref<2048xi32, #tpu.memory_space<hbm>> -> memref<128xi32, #tpu.memory_space<hbm>>
        %dma_wait3A_75 = tpu.memref_slice %arg5[%mul3A_11] : memref<2048xi32, #tpu.memory_space<hbm>> -> memref<128xi32, #tpu.memory_space<hbm>>
        tpu.wait_dma2 semaphore(%run_scoped3A : memref<!tpu.dma_semaphore, #tpu.memory_space<semaphore_mem>>) src(%arg10 : memref<128xi32, #tpu.memory_space<vmem>>) dst(%dma_wait3A_75 : memref<128xi32, #tpu.memory_space<hbm>>)
        tpu.yield
      }) : () -> ()
    } else {
    }
    %ge3A = arith.constant 16 : i32
    %ge3A_63 = arith.cmpi sge, %add3A, %ge3A : i32
    %convert_element_type3A_64 = arith.extui %ge3A_63 : i1 to i32
    %cond3A_65 = arith.constant 0 : i32
    %cond3A_66 = arith.cmpi ne, %convert_element_type3A_64, %cond3A_65 : i32
    scf.if %cond3A_66 {
      "tpu.region"() ({
        %run_scoped3A = tpu.sem_alloc : memref<!tpu.dma_semaphore, #tpu.memory_space<semaphore_mem>>
        %dma_start3A_72 = tpu.memref_slice %arg6[%mul3A_11] : memref<2048xi32, #tpu.memory_space<hbm>> -> memref<128xi32, #tpu.memory_space<hbm>>
        %dma_start3A_73 = tpu.memref_slice %arg6[%mul3A_11] : memref<2048xi32, #tpu.memory_space<hbm>> -> memref<128xi32, #tpu.memory_space<hbm>>
        tpu.enqueue_dma source(%arg10 : memref<128xi32, #tpu.memory_space<vmem>>) target(%dma_start3A_73 : memref<128xi32, #tpu.memory_space<hbm>>) target_semaphore(%run_scoped3A : memref<!tpu.dma_semaphore, #tpu.memory_space<semaphore_mem>>)
        %dma_wait3A_74 = tpu.memref_slice %arg6[%mul3A_11] : memref<2048xi32, #tpu.memory_space<hbm>> -> memref<128xi32, #tpu.memory_space<hbm>>
        %dma_wait3A_75 = tpu.memref_slice %arg6[%mul3A_11] : memref<2048xi32, #tpu.memory_space<hbm>> -> memref<128xi32, #tpu.memory_space<hbm>>
        tpu.wait_dma2 semaphore(%run_scoped3A : memref<!tpu.dma_semaphore, #tpu.memory_space<semaphore_mem>>) src(%arg10 : memref<128xi32, #tpu.memory_space<vmem>>) dst(%dma_wait3A_75 : memref<128xi32, #tpu.memory_space<hbm>>)
        tpu.yield
      }) : () -> ()
    } else {
    }
    %eq3A_67 = arith.constant 0 : i32
    %eq3A_68 = arith.cmpi eq, %add3A, %eq3A_67 : i32
    %convert_element_type3A_69 = arith.extui %eq3A_68 : i1 to i32
    %cond3A_70 = arith.constant 0 : i32
    %cond3A_71 = arith.cmpi ne, %convert_element_type3A_69, %cond3A_70 : i32
    scf.if %cond3A_71 {
      %slice3A = vector.extract_strided_slice %masked_cumsum3A {offsets = [7], sizes = [1], strides = [1]} : vector<16xi32> to vector<1xi32>
      %squeeze3A = vector.extract %slice3A[0] : i32 from vector<1xi32>
      %shift_right_arithmetic3A_72 = arith.constant 8 : i32
      %shift_right_arithmetic3A_73 = arith.shrsi %squeeze3A, %shift_right_arithmetic3A_72 : i32
      %sub3A_74 = arith.constant 1 : i32
      %sub3A_75 = arith.subi %shift_right_arithmetic3A_73, %sub3A_74 : i32
      %mul3A_76 = arith.constant 256 : i32
      %mul3A_77 = arith.muli %sub3A_75, %mul3A_76 : i32
      %slice3A_78 = vector.extract_strided_slice %masked_cumsum3A {offsets = [0], sizes = [1], strides = [1]} : vector<16xi32> to vector<1xi32>
      %squeeze3A_79 = vector.extract %slice3A_78[0] : i32 from vector<1xi32>
      %ge3A_80 = arith.cmpi sge, %mul3A_77, %squeeze3A_79 : i32
      %jit3A_81 = arith.constant 1 : i32
      %jit3A_82 = arith.constant 0 : i32
      %select_n3A_83 = arith.select %ge3A_80, %jit3A_81, %jit3A_82 : i32
      %add3A_84 = arith.constant 0 : i32
      %add3A_85 = arith.addi %add3A_84, %select_n3A_83 : i32
      %slice3A_86 = vector.extract_strided_slice %masked_cumsum3A {offsets = [1], sizes = [1], strides = [1]} : vector<16xi32> to vector<1xi32>
      %squeeze3A_87 = vector.extract %slice3A_86[0] : i32 from vector<1xi32>
      %ge3A_88 = arith.cmpi sge, %mul3A_77, %squeeze3A_87 : i32
      %jit3A_89 = arith.constant 1 : i32
      %jit3A_90 = arith.constant 0 : i32
      %select_n3A_91 = arith.select %ge3A_88, %jit3A_89, %jit3A_90 : i32
      %add3A_92 = arith.addi %add3A_85, %select_n3A_91 : i32
      %slice3A_93 = vector.extract_strided_slice %masked_cumsum3A {offsets = [2], sizes = [1], strides = [1]} : vector<16xi32> to vector<1xi32>
      %squeeze3A_94 = vector.extract %slice3A_93[0] : i32 from vector<1xi32>
      %ge3A_95 = arith.cmpi sge, %mul3A_77, %squeeze3A_94 : i32
      %jit3A_96 = arith.constant 1 : i32
      %jit3A_97 = arith.constant 0 : i32
      %select_n3A_98 = arith.select %ge3A_95, %jit3A_96, %jit3A_97 : i32
      %add3A_99 = arith.addi %add3A_92, %select_n3A_98 : i32
      %slice3A_100 = vector.extract_strided_slice %masked_cumsum3A {offsets = [3], sizes = [1], strides = [1]} : vector<16xi32> to vector<1xi32>
      %squeeze3A_101 = vector.extract %slice3A_100[0] : i32 from vector<1xi32>
      %ge3A_102 = arith.cmpi sge, %mul3A_77, %squeeze3A_101 : i32
      %jit3A_103 = arith.constant 1 : i32
      %jit3A_104 = arith.constant 0 : i32
      %select_n3A_105 = arith.select %ge3A_102, %jit3A_103, %jit3A_104 : i32
      %add3A_106 = arith.addi %add3A_99, %select_n3A_105 : i32
      %slice3A_107 = vector.extract_strided_slice %masked_cumsum3A {offsets = [4], sizes = [1], strides = [1]} : vector<16xi32> to vector<1xi32>
      %squeeze3A_108 = vector.extract %slice3A_107[0] : i32 from vector<1xi32>
      %ge3A_109 = arith.cmpi sge, %mul3A_77, %squeeze3A_108 : i32
      %jit3A_110 = arith.constant 1 : i32
      %jit3A_111 = arith.constant 0 : i32
      %select_n3A_112 = arith.select %ge3A_109, %jit3A_110, %jit3A_111 : i32
      %add3A_113 = arith.addi %add3A_106, %select_n3A_112 : i32
      %slice3A_114 = vector.extract_strided_slice %masked_cumsum3A {offsets = [5], sizes = [1], strides = [1]} : vector<16xi32> to vector<1xi32>
      %squeeze3A_115 = vector.extract %slice3A_114[0] : i32 from vector<1xi32>
      %ge3A_116 = arith.cmpi sge, %mul3A_77, %squeeze3A_115 : i32
      %jit3A_117 = arith.constant 1 : i32
      %jit3A_118 = arith.constant 0 : i32
      %select_n3A_119 = arith.select %ge3A_116, %jit3A_117, %jit3A_118 : i32
      %add3A_120 = arith.addi %add3A_113, %select_n3A_119 : i32
      %slice3A_121 = vector.extract_strided_slice %masked_cumsum3A {offsets = [6], sizes = [1], strides = [1]} : vector<16xi32> to vector<1xi32>
      %squeeze3A_122 = vector.extract %slice3A_121[0] : i32 from vector<1xi32>
      %ge3A_123 = arith.cmpi sge, %mul3A_77, %squeeze3A_122 : i32
      %jit3A_124 = arith.constant 1 : i32
      %jit3A_125 = arith.constant 0 : i32
      %select_n3A_126 = arith.select %ge3A_123, %jit3A_124, %jit3A_125 : i32
      %add3A_127 = arith.addi %add3A_120, %select_n3A_126 : i32
      %slice3A_128 = vector.extract_strided_slice %masked_cumsum3A {offsets = [7], sizes = [1], strides = [1]} : vector<16xi32> to vector<1xi32>
      %squeeze3A_129 = vector.extract %slice3A_128[0] : i32 from vector<1xi32>
      %ge3A_130 = arith.cmpi sge, %mul3A_77, %squeeze3A_129 : i32
      %jit3A_131 = arith.constant 1 : i32
      %jit3A_132 = arith.constant 0 : i32
      %select_n3A_133 = arith.select %ge3A_130, %jit3A_131, %jit3A_132 : i32
      %add3A_134 = arith.addi %add3A_127, %select_n3A_133 : i32
      %min3A = arith.constant 7 : i32
      %min3A_135 = arith.minsi %add3A_134, %min3A : i32
      %lt3A_136 = vector.broadcast %shift_right_arithmetic3A_73 : i32 to vector<16xi32>
      %lt3A_137 = arith.cmpi slt, %iota3A, %lt3A_136 : vector<16xi32>
      %broadcast_in_dim3A_138 = arith.constant 0 : i32
      %broadcast_in_dim3A_139 = vector.broadcast %broadcast_in_dim3A_138 : i32 to vector<16xi32>
      %mul3A_140 = arith.constant 256 : i32
      %mul3A_141 = vector.broadcast %mul3A_140 : i32 to vector<16xi32>
      %mul3A_142 = arith.muli %iota3A, %mul3A_141 : vector<16xi32>
      %slice3A_143 = vector.extract_strided_slice %masked_cumsum3A {offsets = [0], sizes = [1], strides = [1]} : vector<16xi32> to vector<1xi32>
      %squeeze3A_144 = vector.extract %slice3A_143[0] : i32 from vector<1xi32>
      %ge3A_145 = vector.broadcast %squeeze3A_144 : i32 to vector<16xi32>
      %ge3A_146 = arith.cmpi sge, %mul3A_142, %ge3A_145 : vector<16xi32>
      %jit3A_147 = arith.constant 1 : i32
      %jit3A_148 = arith.constant 0 : i32
      %broadcast_in_dim3A_149 = vector.broadcast %jit3A_147 : i32 to vector<16xi32>
      %broadcast_in_dim3A_150 = vector.broadcast %jit3A_148 : i32 to vector<16xi32>
      %select_n3A_151 = arith.select %ge3A_146, %broadcast_in_dim3A_149, %broadcast_in_dim3A_150 : vector<16xi1>, vector<16xi32>
      %add3A_152 = arith.addi %broadcast_in_dim3A_139, %select_n3A_151 : vector<16xi32>
      %mul3A_153 = arith.constant 256 : i32
      %mul3A_154 = vector.broadcast %mul3A_153 : i32 to vector<16xi32>
      %mul3A_155 = arith.muli %iota3A, %mul3A_154 : vector<16xi32>
      %slice3A_156 = vector.extract_strided_slice %masked_cumsum3A {offsets = [1], sizes = [1], strides = [1]} : vector<16xi32> to vector<1xi32>
      %squeeze3A_157 = vector.extract %slice3A_156[0] : i32 from vector<1xi32>
      %ge3A_158 = vector.broadcast %squeeze3A_157 : i32 to vector<16xi32>
      %ge3A_159 = arith.cmpi sge, %mul3A_155, %ge3A_158 : vector<16xi32>
      %jit3A_160 = arith.constant 1 : i32
      %jit3A_161 = arith.constant 0 : i32
      %broadcast_in_dim3A_162 = vector.broadcast %jit3A_160 : i32 to vector<16xi32>
      %broadcast_in_dim3A_163 = vector.broadcast %jit3A_161 : i32 to vector<16xi32>
      %select_n3A_164 = arith.select %ge3A_159, %broadcast_in_dim3A_162, %broadcast_in_dim3A_163 : vector<16xi1>, vector<16xi32>
      %add3A_165 = arith.addi %add3A_152, %select_n3A_164 : vector<16xi32>
      %mul3A_166 = arith.constant 256 : i32
      %mul3A_167 = vector.broadcast %mul3A_166 : i32 to vector<16xi32>
      %mul3A_168 = arith.muli %iota3A, %mul3A_167 : vector<16xi32>
      %slice3A_169 = vector.extract_strided_slice %masked_cumsum3A {offsets = [2], sizes = [1], strides = [1]} : vector<16xi32> to vector<1xi32>
      %squeeze3A_170 = vector.extract %slice3A_169[0] : i32 from vector<1xi32>
      %ge3A_171 = vector.broadcast %squeeze3A_170 : i32 to vector<16xi32>
      %ge3A_172 = arith.cmpi sge, %mul3A_168, %ge3A_171 : vector<16xi32>
      %jit3A_173 = arith.constant 1 : i32
      %jit3A_174 = arith.constant 0 : i32
      %broadcast_in_dim3A_175 = vector.broadcast %jit3A_173 : i32 to vector<16xi32>
      %broadcast_in_dim3A_176 = vector.broadcast %jit3A_174 : i32 to vector<16xi32>
      %select_n3A_177 = arith.select %ge3A_172, %broadcast_in_dim3A_175, %broadcast_in_dim3A_176 : vector<16xi1>, vector<16xi32>
      %add3A_178 = arith.addi %add3A_165, %select_n3A_177 : vector<16xi32>
      %mul3A_179 = arith.constant 256 : i32
      %mul3A_180 = vector.broadcast %mul3A_179 : i32 to vector<16xi32>
      %mul3A_181 = arith.muli %iota3A, %mul3A_180 : vector<16xi32>
      %slice3A_182 = vector.extract_strided_slice %masked_cumsum3A {offsets = [3], sizes = [1], strides = [1]} : vector<16xi32> to vector<1xi32>
      %squeeze3A_183 = vector.extract %slice3A_182[0] : i32 from vector<1xi32>
      %ge3A_184 = vector.broadcast %squeeze3A_183 : i32 to vector<16xi32>
      %ge3A_185 = arith.cmpi sge, %mul3A_181, %ge3A_184 : vector<16xi32>
      %jit3A_186 = arith.constant 1 : i32
      %jit3A_187 = arith.constant 0 : i32
      %broadcast_in_dim3A_188 = vector.broadcast %jit3A_186 : i32 to vector<16xi32>
      %broadcast_in_dim3A_189 = vector.broadcast %jit3A_187 : i32 to vector<16xi32>
      %select_n3A_190 = arith.select %ge3A_185, %broadcast_in_dim3A_188, %broadcast_in_dim3A_189 : vector<16xi1>, vector<16xi32>
      %add3A_191 = arith.addi %add3A_178, %select_n3A_190 : vector<16xi32>
      %mul3A_192 = arith.constant 256 : i32
      %mul3A_193 = vector.broadcast %mul3A_192 : i32 to vector<16xi32>
      %mul3A_194 = arith.muli %iota3A, %mul3A_193 : vector<16xi32>
      %slice3A_195 = vector.extract_strided_slice %masked_cumsum3A {offsets = [4], sizes = [1], strides = [1]} : vector<16xi32> to vector<1xi32>
      %squeeze3A_196 = vector.extract %slice3A_195[0] : i32 from vector<1xi32>
      %ge3A_197 = vector.broadcast %squeeze3A_196 : i32 to vector<16xi32>
      %ge3A_198 = arith.cmpi sge, %mul3A_194, %ge3A_197 : vector<16xi32>
      %jit3A_199 = arith.constant 1 : i32
      %jit3A_200 = arith.constant 0 : i32
      %broadcast_in_dim3A_201 = vector.broadcast %jit3A_199 : i32 to vector<16xi32>
      %broadcast_in_dim3A_202 = vector.broadcast %jit3A_200 : i32 to vector<16xi32>
      %select_n3A_203 = arith.select %ge3A_198, %broadcast_in_dim3A_201, %broadcast_in_dim3A_202 : vector<16xi1>, vector<16xi32>
      %add3A_204 = arith.addi %add3A_191, %select_n3A_203 : vector<16xi32>
      %mul3A_205 = arith.constant 256 : i32
      %mul3A_206 = vector.broadcast %mul3A_205 : i32 to vector<16xi32>
      %mul3A_207 = arith.muli %iota3A, %mul3A_206 : vector<16xi32>
      %slice3A_208 = vector.extract_strided_slice %masked_cumsum3A {offsets = [5], sizes = [1], strides = [1]} : vector<16xi32> to vector<1xi32>
      %squeeze3A_209 = vector.extract %slice3A_208[0] : i32 from vector<1xi32>
      %ge3A_210 = vector.broadcast %squeeze3A_209 : i32 to vector<16xi32>
      %ge3A_211 = arith.cmpi sge, %mul3A_207, %ge3A_210 : vector<16xi32>
      %jit3A_212 = arith.constant 1 : i32
      %jit3A_213 = arith.constant 0 : i32
      %broadcast_in_dim3A_214 = vector.broadcast %jit3A_212 : i32 to vector<16xi32>
      %broadcast_in_dim3A_215 = vector.broadcast %jit3A_213 : i32 to vector<16xi32>
      %select_n3A_216 = arith.select %ge3A_211, %broadcast_in_dim3A_214, %broadcast_in_dim3A_215 : vector<16xi1>, vector<16xi32>
      %add3A_217 = arith.addi %add3A_204, %select_n3A_216 : vector<16xi32>
      %mul3A_218 = arith.constant 256 : i32
      %mul3A_219 = vector.broadcast %mul3A_218 : i32 to vector<16xi32>
      %mul3A_220 = arith.muli %iota3A, %mul3A_219 : vector<16xi32>
      %slice3A_221 = vector.extract_strided_slice %masked_cumsum3A {offsets = [6], sizes = [1], strides = [1]} : vector<16xi32> to vector<1xi32>
      %squeeze3A_222 = vector.extract %slice3A_221[0] : i32 from vector<1xi32>
      %ge3A_223 = vector.broadcast %squeeze3A_222 : i32 to vector<16xi32>
      %ge3A_224 = arith.cmpi sge, %mul3A_220, %ge3A_223 : vector<16xi32>
      %jit3A_225 = arith.constant 1 : i32
      %jit3A_226 = arith.constant 0 : i32
      %broadcast_in_dim3A_227 = vector.broadcast %jit3A_225 : i32 to vector<16xi32>
      %broadcast_in_dim3A_228 = vector.broadcast %jit3A_226 : i32 to vector<16xi32>
      %select_n3A_229 = arith.select %ge3A_224, %broadcast_in_dim3A_227, %broadcast_in_dim3A_228 : vector<16xi1>, vector<16xi32>
      %add3A_230 = arith.addi %add3A_217, %select_n3A_229 : vector<16xi32>
      %mul3A_231 = arith.constant 256 : i32
      %mul3A_232 = vector.broadcast %mul3A_231 : i32 to vector<16xi32>
      %mul3A_233 = arith.muli %iota3A, %mul3A_232 : vector<16xi32>
      %slice3A_234 = vector.extract_strided_slice %masked_cumsum3A {offsets = [7], sizes = [1], strides = [1]} : vector<16xi32> to vector<1xi32>
      %squeeze3A_235 = vector.extract %slice3A_234[0] : i32 from vector<1xi32>
      %ge3A_236 = vector.broadcast %squeeze3A_235 : i32 to vector<16xi32>
      %ge3A_237 = arith.cmpi sge, %mul3A_233, %ge3A_236 : vector<16xi32>
      %jit3A_238 = arith.constant 1 : i32
      %jit3A_239 = arith.constant 0 : i32
      %broadcast_in_dim3A_240 = vector.broadcast %jit3A_238 : i32 to vector<16xi32>
      %broadcast_in_dim3A_241 = vector.broadcast %jit3A_239 : i32 to vector<16xi32>
      %select_n3A_242 = arith.select %ge3A_237, %broadcast_in_dim3A_240, %broadcast_in_dim3A_241 : vector<16xi1>, vector<16xi32>
      %add3A_243 = arith.addi %add3A_230, %select_n3A_242 : vector<16xi32>
      %min3A_244 = arith.constant 7 : i32
      %min3A_245 = vector.broadcast %min3A_244 : i32 to vector<16xi32>
      %min3A_246 = arith.minsi %add3A_243, %min3A_245 : vector<16xi32>
      %broadcast_in_dim3A_247 = vector.broadcast %min3A_135 : i32 to vector<16xi32>
      %select_n3A_248 = arith.select %lt3A_137, %min3A_246, %broadcast_in_dim3A_247 : vector<16xi1>, vector<16xi32>
      %add3A_249 = arith.constant 16 : i32
      %add3A_250 = vector.broadcast %add3A_249 : i32 to vector<16xi32>
      %add3A_251 = arith.addi %iota3A, %add3A_250 : vector<16xi32>
      %lt3A_252 = vector.broadcast %shift_right_arithmetic3A_73 : i32 to vector<16xi32>
      %lt3A_253 = arith.cmpi slt, %add3A_251, %lt3A_252 : vector<16xi32>
      %broadcast_in_dim3A_254 = arith.constant 0 : i32
      %broadcast_in_dim3A_255 = vector.broadcast %broadcast_in_dim3A_254 : i32 to vector<16xi32>
      %mul3A_256 = arith.constant 256 : i32
      %mul3A_257 = vector.broadcast %mul3A_256 : i32 to vector<16xi32>
      %mul3A_258 = arith.muli %add3A_251, %mul3A_257 : vector<16xi32>
      %slice3A_259 = vector.extract_strided_slice %masked_cumsum3A {offsets = [0], sizes = [1], strides = [1]} : vector<16xi32> to vector<1xi32>
      %squeeze3A_260 = vector.extract %slice3A_259[0] : i32 from vector<1xi32>
      %ge3A_261 = vector.broadcast %squeeze3A_260 : i32 to vector<16xi32>
      %ge3A_262 = arith.cmpi sge, %mul3A_258, %ge3A_261 : vector<16xi32>
      %jit3A_263 = arith.constant 1 : i32
      %jit3A_264 = arith.constant 0 : i32
      %broadcast_in_dim3A_265 = vector.broadcast %jit3A_263 : i32 to vector<16xi32>
      %broadcast_in_dim3A_266 = vector.broadcast %jit3A_264 : i32 to vector<16xi32>
      %select_n3A_267 = arith.select %ge3A_262, %broadcast_in_dim3A_265, %broadcast_in_dim3A_266 : vector<16xi1>, vector<16xi32>
      %add3A_268 = arith.addi %broadcast_in_dim3A_255, %select_n3A_267 : vector<16xi32>
      %mul3A_269 = arith.constant 256 : i32
      %mul3A_270 = vector.broadcast %mul3A_269 : i32 to vector<16xi32>
      %mul3A_271 = arith.muli %add3A_251, %mul3A_270 : vector<16xi32>
      %slice3A_272 = vector.extract_strided_slice %masked_cumsum3A {offsets = [1], sizes = [1], strides = [1]} : vector<16xi32> to vector<1xi32>
      %squeeze3A_273 = vector.extract %slice3A_272[0] : i32 from vector<1xi32>
      %ge3A_274 = vector.broadcast %squeeze3A_273 : i32 to vector<16xi32>
      %ge3A_275 = arith.cmpi sge, %mul3A_271, %ge3A_274 : vector<16xi32>
      %jit3A_276 = arith.constant 1 : i32
      %jit3A_277 = arith.constant 0 : i32
      %broadcast_in_dim3A_278 = vector.broadcast %jit3A_276 : i32 to vector<16xi32>
      %broadcast_in_dim3A_279 = vector.broadcast %jit3A_277 : i32 to vector<16xi32>
      %select_n3A_280 = arith.select %ge3A_275, %broadcast_in_dim3A_278, %broadcast_in_dim3A_279 : vector<16xi1>, vector<16xi32>
      %add3A_281 = arith.addi %add3A_268, %select_n3A_280 : vector<16xi32>
      %mul3A_282 = arith.constant 256 : i32
      %mul3A_283 = vector.broadcast %mul3A_282 : i32 to vector<16xi32>
      %mul3A_284 = arith.muli %add3A_251, %mul3A_283 : vector<16xi32>
      %slice3A_285 = vector.extract_strided_slice %masked_cumsum3A {offsets = [2], sizes = [1], strides = [1]} : vector<16xi32> to vector<1xi32>
      %squeeze3A_286 = vector.extract %slice3A_285[0] : i32 from vector<1xi32>
      %ge3A_287 = vector.broadcast %squeeze3A_286 : i32 to vector<16xi32>
      %ge3A_288 = arith.cmpi sge, %mul3A_284, %ge3A_287 : vector<16xi32>
      %jit3A_289 = arith.constant 1 : i32
      %jit3A_290 = arith.constant 0 : i32
      %broadcast_in_dim3A_291 = vector.broadcast %jit3A_289 : i32 to vector<16xi32>
      %broadcast_in_dim3A_292 = vector.broadcast %jit3A_290 : i32 to vector<16xi32>
      %select_n3A_293 = arith.select %ge3A_288, %broadcast_in_dim3A_291, %broadcast_in_dim3A_292 : vector<16xi1>, vector<16xi32>
      %add3A_294 = arith.addi %add3A_281, %select_n3A_293 : vector<16xi32>
      %mul3A_295 = arith.constant 256 : i32
      %mul3A_296 = vector.broadcast %mul3A_295 : i32 to vector<16xi32>
      %mul3A_297 = arith.muli %add3A_251, %mul3A_296 : vector<16xi32>
      %slice3A_298 = vector.extract_strided_slice %masked_cumsum3A {offsets = [3], sizes = [1], strides = [1]} : vector<16xi32> to vector<1xi32>
      %squeeze3A_299 = vector.extract %slice3A_298[0] : i32 from vector<1xi32>
      %ge3A_300 = vector.broadcast %squeeze3A_299 : i32 to vector<16xi32>
      %ge3A_301 = arith.cmpi sge, %mul3A_297, %ge3A_300 : vector<16xi32>
      %jit3A_302 = arith.constant 1 : i32
      %jit3A_303 = arith.constant 0 : i32
      %broadcast_in_dim3A_304 = vector.broadcast %jit3A_302 : i32 to vector<16xi32>
      %broadcast_in_dim3A_305 = vector.broadcast %jit3A_303 : i32 to vector<16xi32>
      %select_n3A_306 = arith.select %ge3A_301, %broadcast_in_dim3A_304, %broadcast_in_dim3A_305 : vector<16xi1>, vector<16xi32>
      %add3A_307 = arith.addi %add3A_294, %select_n3A_306 : vector<16xi32>
      %mul3A_308 = arith.constant 256 : i32
      %mul3A_309 = vector.broadcast %mul3A_308 : i32 to vector<16xi32>
      %mul3A_310 = arith.muli %add3A_251, %mul3A_309 : vector<16xi32>
      %slice3A_311 = vector.extract_strided_slice %masked_cumsum3A {offsets = [4], sizes = [1], strides = [1]} : vector<16xi32> to vector<1xi32>
      %squeeze3A_312 = vector.extract %slice3A_311[0] : i32 from vector<1xi32>
      %ge3A_313 = vector.broadcast %squeeze3A_312 : i32 to vector<16xi32>
      %ge3A_314 = arith.cmpi sge, %mul3A_310, %ge3A_313 : vector<16xi32>
      %jit3A_315 = arith.constant 1 : i32
      %jit3A_316 = arith.constant 0 : i32
      %broadcast_in_dim3A_317 = vector.broadcast %jit3A_315 : i32 to vector<16xi32>
      %broadcast_in_dim3A_318 = vector.broadcast %jit3A_316 : i32 to vector<16xi32>
      %select_n3A_319 = arith.select %ge3A_314, %broadcast_in_dim3A_317, %broadcast_in_dim3A_318 : vector<16xi1>, vector<16xi32>
      %add3A_320 = arith.addi %add3A_307, %select_n3A_319 : vector<16xi32>
      %mul3A_321 = arith.constant 256 : i32
      %mul3A_322 = vector.broadcast %mul3A_321 : i32 to vector<16xi32>
      %mul3A_323 = arith.muli %add3A_251, %mul3A_322 : vector<16xi32>
      %slice3A_324 = vector.extract_strided_slice %masked_cumsum3A {offsets = [5], sizes = [1], strides = [1]} : vector<16xi32> to vector<1xi32>
      %squeeze3A_325 = vector.extract %slice3A_324[0] : i32 from vector<1xi32>
      %ge3A_326 = vector.broadcast %squeeze3A_325 : i32 to vector<16xi32>
      %ge3A_327 = arith.cmpi sge, %mul3A_323, %ge3A_326 : vector<16xi32>
      %jit3A_328 = arith.constant 1 : i32
      %jit3A_329 = arith.constant 0 : i32
      %broadcast_in_dim3A_330 = vector.broadcast %jit3A_328 : i32 to vector<16xi32>
      %broadcast_in_dim3A_331 = vector.broadcast %jit3A_329 : i32 to vector<16xi32>
      %select_n3A_332 = arith.select %ge3A_327, %broadcast_in_dim3A_330, %broadcast_in_dim3A_331 : vector<16xi1>, vector<16xi32>
      %add3A_333 = arith.addi %add3A_320, %select_n3A_332 : vector<16xi32>
      %mul3A_334 = arith.constant 256 : i32
      %mul3A_335 = vector.broadcast %mul3A_334 : i32 to vector<16xi32>
      %mul3A_336 = arith.muli %add3A_251, %mul3A_335 : vector<16xi32>
      %slice3A_337 = vector.extract_strided_slice %masked_cumsum3A {offsets = [6], sizes = [1], strides = [1]} : vector<16xi32> to vector<1xi32>
      %squeeze3A_338 = vector.extract %slice3A_337[0] : i32 from vector<1xi32>
      %ge3A_339 = vector.broadcast %squeeze3A_338 : i32 to vector<16xi32>
      %ge3A_340 = arith.cmpi sge, %mul3A_336, %ge3A_339 : vector<16xi32>
      %jit3A_341 = arith.constant 1 : i32
      %jit3A_342 = arith.constant 0 : i32
      %broadcast_in_dim3A_343 = vector.broadcast %jit3A_341 : i32 to vector<16xi32>
      %broadcast_in_dim3A_344 = vector.broadcast %jit3A_342 : i32 to vector<16xi32>
      %select_n3A_345 = arith.select %ge3A_340, %broadcast_in_dim3A_343, %broadcast_in_dim3A_344 : vector<16xi1>, vector<16xi32>
      %add3A_346 = arith.addi %add3A_333, %select_n3A_345 : vector<16xi32>
      %mul3A_347 = arith.constant 256 : i32
      %mul3A_348 = vector.broadcast %mul3A_347 : i32 to vector<16xi32>
      %mul3A_349 = arith.muli %add3A_251, %mul3A_348 : vector<16xi32>
      %slice3A_350 = vector.extract_strided_slice %masked_cumsum3A {offsets = [7], sizes = [1], strides = [1]} : vector<16xi32> to vector<1xi32>
      %squeeze3A_351 = vector.extract %slice3A_350[0] : i32 from vector<1xi32>
      %ge3A_352 = vector.broadcast %squeeze3A_351 : i32 to vector<16xi32>
      %ge3A_353 = arith.cmpi sge, %mul3A_349, %ge3A_352 : vector<16xi32>
      %jit3A_354 = arith.constant 1 : i32
      %jit3A_355 = arith.constant 0 : i32
      %broadcast_in_dim3A_356 = vector.broadcast %jit3A_354 : i32 to vector<16xi32>
      %broadcast_in_dim3A_357 = vector.broadcast %jit3A_355 : i32 to vector<16xi32>
      %select_n3A_358 = arith.select %ge3A_353, %broadcast_in_dim3A_356, %broadcast_in_dim3A_357 : vector<16xi1>, vector<16xi32>
      %add3A_359 = arith.addi %add3A_346, %select_n3A_358 : vector<16xi32>
      %min3A_360 = arith.constant 7 : i32
      %min3A_361 = vector.broadcast %min3A_360 : i32 to vector<16xi32>
      %min3A_362 = arith.minsi %add3A_359, %min3A_361 : vector<16xi32>
      %broadcast_in_dim3A_363 = vector.broadcast %min3A_135 : i32 to vector<16xi32>
      %select_n3A_364 = arith.select %lt3A_253, %min3A_362, %broadcast_in_dim3A_363 : vector<16xi1>, vector<16xi32>
      %lt3A_365 = arith.constant 8 : i32
      %lt3A_366 = vector.broadcast %lt3A_365 : i32 to vector<16xi32>
      %lt3A_367 = arith.cmpi slt, %iota3A, %lt3A_366 : vector<16xi32>
      %eq3A_368 = arith.constant 8 : i32
      %eq3A_369 = vector.broadcast %eq3A_368 : i32 to vector<16xi32>
      %eq3A_370 = arith.cmpi eq, %iota3A, %eq3A_369 : vector<16xi32>
      %jit3A_371 = arith.constant 0 : i32
      %broadcast_in_dim3A_372 = vector.broadcast %shift_right_arithmetic3A_73 : i32 to vector<16xi32>
      %broadcast_in_dim3A_373 = vector.broadcast %jit3A_371 : i32 to vector<16xi32>
      %select_n3A_374 = arith.select %eq3A_370, %broadcast_in_dim3A_372, %broadcast_in_dim3A_373 : vector<16xi1>, vector<16xi32>
      %select_n3A_375 = arith.select %lt3A_367, %select_n3A_364, %select_n3A_374 : vector<16xi1>, vector<16xi32>
      %swap3A = arith.constant 0 : index
      %swap3A_376 = tpu.vector_load %arg11[%swap3A] {strides = array<i32>} : memref<32xi32, #tpu.memory_space<vmem>>, vector<16xi32>,
      tpu.vector_store %arg11[%swap3A], %select_n3A_248 {strides = array<i32>} : memref<32xi32, #tpu.memory_space<vmem>>, vector<16xi32>,
      %swap3A_377 = arith.constant 16 : index
      %swap3A_378 = tpu.vector_load %arg11[%swap3A_377] {strides = array<i32>} : memref<32xi32, #tpu.memory_space<vmem>>, vector<16xi32>,
      tpu.vector_store %arg11[%swap3A_377], %select_n3A_375 {strides = array<i32>} : memref<32xi32, #tpu.memory_space<vmem>>, vector<16xi32>,
      "tpu.region"() ({
        %run_scoped3A = tpu.sem_alloc : memref<!tpu.dma_semaphore, #tpu.memory_space<semaphore_mem>>
        tpu.enqueue_dma source(%arg11 : memref<32xi32, #tpu.memory_space<vmem>>) target(%arg7 : memref<32xi32, #tpu.memory_space<hbm>>) target_semaphore(%run_scoped3A : memref<!tpu.dma_semaphore, #tpu.memory_space<semaphore_mem>>)
        tpu.wait_dma2 semaphore(%run_scoped3A : memref<!tpu.dma_semaphore, #tpu.memory_space<semaphore_mem>>) src(%arg11 : memref<32xi32, #tpu.memory_space<vmem>>) dst(%arg7 : memref<32xi32, #tpu.memory_space<hbm>>)
        tpu.yield
      }) : () -> ()
    } else {
    }
    return
  }
}

module attributes {stable_mosaic.version = 14 : i64} {
  func.func @_ln_qkv_body(%arg0: i32, %arg1: memref<256x1024xf32, #tpu.memory_space<vmem>>, %arg2: memref<1x1024xf32, #tpu.memory_space<vmem>>, %arg3: memref<1024x1024xbf16, #tpu.memory_space<vmem>>, %arg4: memref<1024x1024xbf16, #tpu.memory_space<vmem>>, %arg5: memref<1024x1024xbf16, #tpu.memory_space<vmem>>, %arg6: memref<1024x1024xbf16, #tpu.memory_space<vmem>>, %arg7: memref<1024x1024xbf16, #tpu.memory_space<vmem>>, %arg8: memref<256x1024xf32, #tpu.memory_space<vmem>>, %arg9: memref<256x1024xf32, #tpu.memory_space<vmem>>, %arg10: memref<256x1024xbf16, #tpu.memory_space<vmem>>, %arg11: memref<256x1024xbf16, #tpu.memory_space<vmem>>, %arg12: memref<256x1024xbf16, #tpu.memory_space<vmem>>) attributes {dimension_semantics = [#tpu.dimension_semantics<arbitrary>], iteration_bounds = array<i64: 8>, scalar_prefetch = 0 : i64, scratch_operands = 0 : i64, tpu.core_type = #tpu.core_type<tc>, window_params = [{transform_indices = @transform_0, window_bounds = array<i64: 256, 1024>}, {pipeline_mode = #tpu.pipeline_mode<synchronous>, transform_indices = @transform_1, window_bounds = array<i64: 1, 1024>}, {pipeline_mode = #tpu.pipeline_mode<synchronous>, transform_indices = @transform_2, window_bounds = array<i64: 1024, 1024>}, {pipeline_mode = #tpu.pipeline_mode<synchronous>, transform_indices = @transform_3, window_bounds = array<i64: 1024, 1024>}, {pipeline_mode = #tpu.pipeline_mode<synchronous>, transform_indices = @transform_4, window_bounds = array<i64: 1024, 1024>}, {pipeline_mode = #tpu.pipeline_mode<synchronous>, transform_indices = @transform_5, window_bounds = array<i64: 1024, 1024>}, {pipeline_mode = #tpu.pipeline_mode<synchronous>, transform_indices = @transform_6, window_bounds = array<i64: 1024, 1024>}, {transform_indices = @transform_7, window_bounds = array<i64: 256, 1024>}, {transform_indices = @transform_8, window_bounds = array<i64: 256, 1024>}, {transform_indices = @transform_9, window_bounds = array<i64: 256, 1024>}, {transform_indices = @transform_10, window_bounds = array<i64: 256, 1024>}, {transform_indices = @transform_11, window_bounds = array<i64: 256, 1024>}]} {
    %get3A = arith.constant 0 : index
    %get3A_0 = arith.constant 0 : index
    %get3A_1 = vector.load %arg1[%get3A, %get3A_0] : memref<256x1024xf32, #tpu.memory_space<vmem>>, vector<256x1024xf32>
    %mul3A = arith.mulf %get3A_1, %get3A_1 : vector<256x1024xf32>
    %reduce_sum3A = arith.constant dense<0.000000e+00> : vector<256xf32>
    %reduce_sum3A_2 = vector.multi_reduction <add>, %mul3A, %reduce_sum3A [1] : vector<256x1024xf32> to vector<256xf32>
    %broadcast_in_dim3A = vector.shape_cast %reduce_sum3A_2 : vector<256xf32> to vector<256x1xf32>
    %div3A = arith.constant 1.024000e+03 : f32
    %div3A_3 = vector.broadcast %div3A : f32 to vector<256x1xf32>
    %div3A_4 = arith.divf %broadcast_in_dim3A, %div3A_3 : vector<256x1xf32>
    %add3A = arith.constant 9.99999997E-7 : f32
    %add3A_5 = vector.broadcast %add3A : f32 to vector<256x1xf32>
    %add3A_6 = arith.addf %div3A_4, %add3A_5 : vector<256x1xf32>
    %rsqrt3A = math.rsqrt %add3A_6 : vector<256x1xf32>
    %mul3A_7 = vector.broadcast %rsqrt3A : vector<256x1xf32> to vector<256x1024xf32>
    %mul3A_8 = arith.mulf %get3A_1, %mul3A_7 : vector<256x1024xf32>
    %get3A_9 = arith.constant 0 : index
    %get3A_10 = arith.constant 0 : index
    %get3A_11 = vector.load %arg2[%get3A_9, %get3A_10] : memref<1x1024xf32, #tpu.memory_space<vmem>>, vector<1x1024xf32>
    %mul3A_12 = vector.broadcast %get3A_11 : vector<1x1024xf32> to vector<256x1024xf32>
    %mul3A_13 = arith.mulf %mul3A_8, %mul3A_12 : vector<256x1024xf32>
    %convert_element_type3A = arith.truncf %mul3A_13 : vector<256x1024xf32> to vector<256x1024xbf16>
    %get3A_14 = arith.constant 0 : index
    %get3A_15 = arith.constant 0 : index
    %get3A_16 = vector.load %arg8[%get3A_14, %get3A_15] : memref<256x1024xf32, #tpu.memory_space<vmem>>, vector<256x1024xf32>
    %get3A_17 = arith.constant 0 : index
    %get3A_18 = arith.constant 0 : index
    %get3A_19 = vector.load %arg9[%get3A_17, %get3A_18] : memref<256x1024xf32, #tpu.memory_space<vmem>>, vector<256x1024xf32>
    %get3A_20 = arith.constant 0 : index
    %get3A_21 = arith.constant 0 : index
    %get3A_22 = vector.load %arg3[%get3A_20, %get3A_21] : memref<1024x1024xbf16, #tpu.memory_space<vmem>>, vector<1024x1024xbf16>
    %dot_general3A = arith.constant dense<0.000000e+00> : vector<256x1024xf32>
    %dot_general3A_23 = tpu.matmul %convert_element_type3A, %get3A_22, %dot_general3A {dimension_numbers = #tpu.dot_dimension_numbers<[1], [0], [0], [1], [0, 0, 1, 1], [], []>, transpose_lhs_hint = false} : vector<256x1024xbf16>, vector<1024x1024xbf16>, vector<256x1024xf32> -> vector<256x1024xf32>
    %get3A_24 = arith.constant 0 : index
    %get3A_25 = arith.constant 0 : index
    %get3A_26 = vector.load %arg4[%get3A_24, %get3A_25] : memref<1024x1024xbf16, #tpu.memory_space<vmem>>, vector<1024x1024xbf16>
    %dot_general3A_27 = arith.constant dense<0.000000e+00> : vector<256x1024xf32>
    %dot_general3A_28 = tpu.matmul %convert_element_type3A, %get3A_26, %dot_general3A_27 {dimension_numbers = #tpu.dot_dimension_numbers<[1], [0], [0], [1], [0, 0, 1, 1], [], []>, transpose_lhs_hint = false} : vector<256x1024xbf16>, vector<1024x1024xbf16>, vector<256x1024xf32> -> vector<256x1024xf32>
    %mul3A_29 = arith.mulf %dot_general3A_23, %get3A_16 : vector<256x1024xf32>
    %mul3A_30 = arith.mulf %dot_general3A_28, %get3A_19 : vector<256x1024xf32>
    %add3A_31 = arith.addf %mul3A_29, %mul3A_30 : vector<256x1024xf32>
    %mul3A_32 = arith.constant 1.250000e-01 : f32
    %mul3A_33 = vector.broadcast %mul3A_32 : f32 to vector<256x1024xf32>
    %mul3A_34 = arith.mulf %add3A_31, %mul3A_33 : vector<256x1024xf32>
    %convert_element_type3A_35 = arith.truncf %mul3A_34 : vector<256x1024xf32> to vector<256x1024xbf16>
    %swap3A = arith.constant 0 : index
    %swap3A_36 = arith.constant 0 : index
    %swap3A_37 = vector.load %arg10[%swap3A, %swap3A_36] : memref<256x1024xbf16, #tpu.memory_space<vmem>>, vector<256x1024xbf16>
    tpu.vector_store %arg10[%swap3A, %swap3A_36], %convert_element_type3A_35 {strides = array<i32>} : memref<256x1024xbf16, #tpu.memory_space<vmem>>, vector<256x1024xbf16>,
    %get3A_38 = arith.constant 0 : index
    %get3A_39 = arith.constant 0 : index
    %get3A_40 = vector.load %arg5[%get3A_38, %get3A_39] : memref<1024x1024xbf16, #tpu.memory_space<vmem>>, vector<1024x1024xbf16>
    %dot_general3A_41 = arith.constant dense<0.000000e+00> : vector<256x1024xf32>
    %dot_general3A_42 = tpu.matmul %convert_element_type3A, %get3A_40, %dot_general3A_41 {dimension_numbers = #tpu.dot_dimension_numbers<[1], [0], [0], [1], [0, 0, 1, 1], [], []>, transpose_lhs_hint = false} : vector<256x1024xbf16>, vector<1024x1024xbf16>, vector<256x1024xf32> -> vector<256x1024xf32>
    %get3A_43 = arith.constant 0 : index
    %get3A_44 = arith.constant 0 : index
    %get3A_45 = vector.load %arg6[%get3A_43, %get3A_44] : memref<1024x1024xbf16, #tpu.memory_space<vmem>>, vector<1024x1024xbf16>
    %dot_general3A_46 = arith.constant dense<0.000000e+00> : vector<256x1024xf32>
    %dot_general3A_47 = tpu.matmul %convert_element_type3A, %get3A_45, %dot_general3A_46 {dimension_numbers = #tpu.dot_dimension_numbers<[1], [0], [0], [1], [0, 0, 1, 1], [], []>, transpose_lhs_hint = false} : vector<256x1024xbf16>, vector<1024x1024xbf16>, vector<256x1024xf32> -> vector<256x1024xf32>
    %mul3A_48 = arith.mulf %dot_general3A_42, %get3A_16 : vector<256x1024xf32>
    %mul3A_49 = arith.mulf %dot_general3A_47, %get3A_19 : vector<256x1024xf32>
    %add3A_50 = arith.addf %mul3A_48, %mul3A_49 : vector<256x1024xf32>
    %convert_element_type3A_51 = arith.truncf %add3A_50 : vector<256x1024xf32> to vector<256x1024xbf16>
    %swap3A_52 = arith.constant 0 : index
    %swap3A_53 = arith.constant 0 : index
    %swap3A_54 = vector.load %arg11[%swap3A_52, %swap3A_53] : memref<256x1024xbf16, #tpu.memory_space<vmem>>, vector<256x1024xbf16>
    tpu.vector_store %arg11[%swap3A_52, %swap3A_53], %convert_element_type3A_51 {strides = array<i32>} : memref<256x1024xbf16, #tpu.memory_space<vmem>>, vector<256x1024xbf16>,
    %get3A_55 = arith.constant 0 : index
    %get3A_56 = arith.constant 0 : index
    %get3A_57 = vector.load %arg7[%get3A_55, %get3A_56] : memref<1024x1024xbf16, #tpu.memory_space<vmem>>, vector<1024x1024xbf16>
    %dot_general3A_58 = arith.constant dense<0.000000e+00> : vector<256x1024xf32>
    %dot_general3A_59 = tpu.matmul %convert_element_type3A, %get3A_57, %dot_general3A_58 {dimension_numbers = #tpu.dot_dimension_numbers<[1], [0], [0], [1], [0, 0, 1, 1], [], []>, transpose_lhs_hint = false} : vector<256x1024xbf16>, vector<1024x1024xbf16>, vector<256x1024xf32> -> vector<256x1024xf32>
    %convert_element_type3A_60 = arith.truncf %dot_general3A_59 : vector<256x1024xf32> to vector<256x1024xbf16>
    %swap3A_61 = arith.constant 0 : index
    %swap3A_62 = arith.constant 0 : index
    %swap3A_63 = vector.load %arg12[%swap3A_61, %swap3A_62] : memref<256x1024xbf16, #tpu.memory_space<vmem>>, vector<256x1024xbf16>
    tpu.vector_store %arg12[%swap3A_61, %swap3A_62], %convert_element_type3A_60 {strides = array<i32>} : memref<256x1024xbf16, #tpu.memory_space<vmem>>, vector<256x1024xbf16>,
    return
  }
  func.func @transform_0(%arg0: i32) -> (i32, i32) {
    %c0_i32 = arith.constant 0 : i32
    %c0_i32_0 = arith.constant 0 : i32
    return %arg0, %c0_i32 : i32, i32
  }
  func.func @transform_1(%arg0: i32) -> (i32, i32) {
    %c0_i32 = arith.constant 0 : i32
    %c0_i32_0 = arith.constant 0 : i32
    %c0_i32_1 = arith.constant 0 : i32
    return %c0_i32, %c0_i32_0 : i32, i32
  }
  func.func @transform_2(%arg0: i32) -> (i32, i32) {
    %c0_i32 = arith.constant 0 : i32
    %c0_i32_0 = arith.constant 0 : i32
    %c0_i32_1 = arith.constant 0 : i32
    return %c0_i32, %c0_i32_0 : i32, i32
  }
  func.func @transform_3(%arg0: i32) -> (i32, i32) {
    %c0_i32 = arith.constant 0 : i32
    %c0_i32_0 = arith.constant 0 : i32
    %c0_i32_1 = arith.constant 0 : i32
    return %c0_i32, %c0_i32_0 : i32, i32
  }
  func.func @transform_4(%arg0: i32) -> (i32, i32) {
    %c0_i32 = arith.constant 0 : i32
    %c0_i32_0 = arith.constant 0 : i32
    %c0_i32_1 = arith.constant 0 : i32
    return %c0_i32, %c0_i32_0 : i32, i32
  }
  func.func @transform_5(%arg0: i32) -> (i32, i32) {
    %c0_i32 = arith.constant 0 : i32
    %c0_i32_0 = arith.constant 0 : i32
    %c0_i32_1 = arith.constant 0 : i32
    return %c0_i32, %c0_i32_0 : i32, i32
  }
  func.func @transform_6(%arg0: i32) -> (i32, i32) {
    %c0_i32 = arith.constant 0 : i32
    %c0_i32_0 = arith.constant 0 : i32
    %c0_i32_1 = arith.constant 0 : i32
    return %c0_i32, %c0_i32_0 : i32, i32
  }
  func.func @transform_7(%arg0: i32) -> (i32, i32) {
    %c0_i32 = arith.constant 0 : i32
    %c0_i32_0 = arith.constant 0 : i32
    return %arg0, %c0_i32 : i32, i32
  }
  func.func @transform_8(%arg0: i32) -> (i32, i32) {
    %c0_i32 = arith.constant 0 : i32
    %c0_i32_0 = arith.constant 0 : i32
    return %arg0, %c0_i32 : i32, i32
  }
  func.func @transform_9(%arg0: i32) -> (i32, i32) {
    %c0_i32 = arith.constant 0 : i32
    %c0_i32_0 = arith.constant 0 : i32
    return %arg0, %c0_i32 : i32, i32
  }
  func.func @transform_10(%arg0: i32) -> (i32, i32) {
    %c0_i32 = arith.constant 0 : i32
    %c0_i32_0 = arith.constant 0 : i32
    return %arg0, %c0_i32 : i32, i32
  }
  func.func @transform_11(%arg0: i32) -> (i32, i32) {
    %c0_i32 = arith.constant 0 : i32
    %c0_i32_0 = arith.constant 0 : i32
    return %arg0, %c0_i32 : i32, i32
  }
}

module attributes {stable_mosaic.version = 14 : i64} {
  func.func @_attn_body(%arg0: i32, %arg1: i32, %arg2: memref<1x512x64xbf16, #tpu.memory_space<vmem>>, %arg3: memref<1x2048x64xbf16, #tpu.memory_space<vmem>>, %arg4: memref<1x2048x64xbf16, #tpu.memory_space<vmem>>, %arg5: memref<1x512x64xbf16, #tpu.memory_space<vmem>>) attributes {dimension_semantics = [#tpu.dimension_semantics<arbitrary>, #tpu.dimension_semantics<arbitrary>], iteration_bounds = array<i64: 16, 4>, scalar_prefetch = 0 : i64, scratch_operands = 0 : i64, tpu.core_type = #tpu.core_type<tc>, window_params = [{transform_indices = @transform_0, window_bounds = array<i64: 1, 512, 64>}, {transform_indices = @transform_1, window_bounds = array<i64: 1, 2048, 64>}, {transform_indices = @transform_2, window_bounds = array<i64: 1, 2048, 64>}, {transform_indices = @transform_3, window_bounds = array<i64: 1, 512, 64>}]} {
    %get3A = arith.constant 0 : index
    %get3A_0 = arith.constant 0 : index
    %get3A_1 = arith.constant 0 : index
    %get3A_2 = vector.load %arg2[%get3A, %get3A_0, %get3A_1] : memref<1x512x64xbf16, #tpu.memory_space<vmem>>, vector<1x512x64xbf16>
    %get3A_3 = vector.shape_cast %get3A_2 : vector<1x512x64xbf16> to vector<512x64xbf16>
    %get3A_4 = arith.constant 0 : index
    %get3A_5 = arith.constant 0 : index
    %get3A_6 = arith.constant 0 : index
    %get3A_7 = vector.load %arg3[%get3A_4, %get3A_5, %get3A_6] : memref<1x2048x64xbf16, #tpu.memory_space<vmem>>, vector<1x2048x64xbf16>
    %get3A_8 = vector.shape_cast %get3A_7 : vector<1x2048x64xbf16> to vector<2048x64xbf16>
    %get3A_9 = arith.constant 0 : index
    %get3A_10 = arith.constant 0 : index
    %get3A_11 = arith.constant 0 : index
    %get3A_12 = vector.load %arg4[%get3A_9, %get3A_10, %get3A_11] : memref<1x2048x64xbf16, #tpu.memory_space<vmem>>, vector<1x2048x64xbf16>
    %get3A_13 = vector.shape_cast %get3A_12 : vector<1x2048x64xbf16> to vector<2048x64xbf16>
    %dot_general3A = arith.constant dense<0.000000e+00> : vector<512x2048xf32>
    %dot_general3A_14 = tpu.matmul %get3A_3, %get3A_8, %dot_general3A {dimension_numbers = #tpu.dot_dimension_numbers<[1], [1], [0], [0], [0, 0, 1, 0], [], []>, transpose_lhs_hint = false} : vector<512x64xbf16>, vector<2048x64xbf16>, vector<512x2048xf32> -> vector<512x2048xf32>
    %exp3A = math.exp %dot_general3A_14 : vector<512x2048xf32>
    %convert_element_type3A = arith.truncf %exp3A : vector<512x2048xf32> to vector<512x2048xbf16>
    %broadcast_in_dim3A = arith.constant 1.000000e+00 : bf16
    %broadcast_in_dim3A_15 = vector.broadcast %broadcast_in_dim3A : bf16 to vector<2048x64xbf16>
    %concatenate3A = tpu.concatenate %get3A_13, %broadcast_in_dim3A_15 in 1 : vector<2048x64xbf16>, vector<2048x64xbf16> -> vector<2048x128xbf16>
    %dot_general3A_16 = arith.constant dense<0.000000e+00> : vector<512x128xf32>
    %dot_general3A_17 = tpu.matmul %convert_element_type3A, %concatenate3A, %dot_general3A_16 {dimension_numbers = #tpu.dot_dimension_numbers<[1], [0], [0], [1], [0, 0, 1, 1], [], []>, transpose_lhs_hint = false} : vector<512x2048xbf16>, vector<2048x128xbf16>, vector<512x128xf32> -> vector<512x128xf32>
    %slice3A = vector.extract_strided_slice %dot_general3A_17 {offsets = [0, 0], sizes = [512, 64], strides = [1, 1]} : vector<512x128xf32> to vector<512x64xf32>
    %slice3A_18 = vector.extract_strided_slice %dot_general3A_17 {offsets = [0, 64], sizes = [512, 1], strides = [1, 1]} : vector<512x128xf32> to vector<512x1xf32>
    %div3A = arith.constant 1.000000e+00 : f32
    %div3A_19 = vector.broadcast %div3A : f32 to vector<512x1xf32>
    %div3A_20 = arith.divf %div3A_19, %slice3A_18 : vector<512x1xf32>
    %mul3A = vector.broadcast %div3A_20 : vector<512x1xf32> to vector<512x64xf32>
    %mul3A_21 = arith.mulf %slice3A, %mul3A : vector<512x64xf32>
    %convert_element_type3A_22 = arith.truncf %mul3A_21 : vector<512x64xf32> to vector<512x64xbf16>
    %swap3A = arith.constant 0 : index
    %swap3A_23 = arith.constant 0 : index
    %swap3A_24 = arith.constant 0 : index
    %swap3A_25 = vector.load %arg5[%swap3A, %swap3A_23, %swap3A_24] : memref<1x512x64xbf16, #tpu.memory_space<vmem>>, vector<1x512x64xbf16>
    %swap3A_26 = vector.shape_cast %swap3A_25 : vector<1x512x64xbf16> to vector<512x64xbf16>
    %swap3A_27 = vector.shape_cast %convert_element_type3A_22 : vector<512x64xbf16> to vector<1x512x64xbf16>
    tpu.vector_store %arg5[%swap3A, %swap3A_23, %swap3A_24], %swap3A_27 {strides = array<i32>} : memref<1x512x64xbf16, #tpu.memory_space<vmem>>, vector<1x512x64xbf16>,
    return
  }
  func.func @transform_0(%arg0: i32, %arg1: i32) -> (i32, i32, i32) {
    %c0_i32 = arith.constant 0 : i32
    %c0_i32_0 = arith.constant 0 : i32
    return %arg0, %arg1, %c0_i32 : i32, i32, i32
  }
  func.func @transform_1(%arg0: i32, %arg1: i32) -> (i32, i32, i32) {
    %c0_i32 = arith.constant 0 : i32
    %c0_i32_0 = arith.constant 0 : i32
    %c0_i32_1 = arith.constant 0 : i32
    return %arg0, %c0_i32, %c0_i32_0 : i32, i32, i32
  }
  func.func @transform_2(%arg0: i32, %arg1: i32) -> (i32, i32, i32) {
    %c0_i32 = arith.constant 0 : i32
    %c0_i32_0 = arith.constant 0 : i32
    %c0_i32_1 = arith.constant 0 : i32
    return %arg0, %c0_i32, %c0_i32_0 : i32, i32, i32
  }
  func.func @transform_3(%arg0: i32, %arg1: i32) -> (i32, i32, i32) {
    %c0_i32 = arith.constant 0 : i32
    %c0_i32_0 = arith.constant 0 : i32
    return %arg0, %arg1, %c0_i32 : i32, i32, i32
  }
}

module attributes {stable_mosaic.version = 14 : i64} {
  func.func @_post_attn_body(%arg0: i32, %arg1: memref<256x1024xbf16, #tpu.memory_space<vmem>>, %arg2: memref<256x1024xf32, #tpu.memory_space<vmem>>, %arg3: memref<1024x1024xbf16, #tpu.memory_space<vmem>>, %arg4: memref<1x1024xf32, #tpu.memory_space<vmem>>, %arg5: memref<1024x8xf32, #tpu.memory_space<vmem>>, %arg6: memref<256x1024xf32, #tpu.memory_space<vmem>>, %arg7: memref<256x1024xbf16, #tpu.memory_space<vmem>>, %arg8: memref<256x2xi32, #tpu.memory_space<vmem>>, %arg9: memref<256x2xf32, #tpu.memory_space<vmem>>) attributes {dimension_semantics = [#tpu.dimension_semantics<arbitrary>], iteration_bounds = array<i64: 8>, scalar_prefetch = 0 : i64, scratch_operands = 0 : i64, tpu.core_type = #tpu.core_type<tc>, window_params = [{transform_indices = @transform_0, window_bounds = array<i64: 256, 1024>}, {transform_indices = @transform_1, window_bounds = array<i64: 256, 1024>}, {pipeline_mode = #tpu.pipeline_mode<synchronous>, transform_indices = @transform_2, window_bounds = array<i64: 1024, 1024>}, {pipeline_mode = #tpu.pipeline_mode<synchronous>, transform_indices = @transform_3, window_bounds = array<i64: 1, 1024>}, {pipeline_mode = #tpu.pipeline_mode<synchronous>, transform_indices = @transform_4, window_bounds = array<i64: 1024, 8>}, {transform_indices = @transform_5, window_bounds = array<i64: 256, 1024>}, {transform_indices = @transform_6, window_bounds = array<i64: 256, 1024>}, {transform_indices = @transform_7, window_bounds = array<i64: 256, 2>}, {transform_indices = @transform_8, window_bounds = array<i64: 256, 2>}]} {
    %get3A = arith.constant 0 : index
    %get3A_0 = arith.constant 0 : index
    %get3A_1 = vector.load %arg1[%get3A, %get3A_0] : memref<256x1024xbf16, #tpu.memory_space<vmem>>, vector<256x1024xbf16>
    %get3A_2 = arith.constant 0 : index
    %get3A_3 = arith.constant 0 : index
    %get3A_4 = vector.load %arg3[%get3A_2, %get3A_3] : memref<1024x1024xbf16, #tpu.memory_space<vmem>>, vector<1024x1024xbf16>
    %dot_general3A = arith.constant dense<0.000000e+00> : vector<256x1024xf32>
    %dot_general3A_5 = tpu.matmul %get3A_1, %get3A_4, %dot_general3A {dimension_numbers = #tpu.dot_dimension_numbers<[1], [0], [0], [1], [0, 0, 1, 1], [], []>, transpose_lhs_hint = false} : vector<256x1024xbf16>, vector<1024x1024xbf16>, vector<256x1024xf32> -> vector<256x1024xf32>
    %get3A_6 = arith.constant 0 : index
    %get3A_7 = arith.constant 0 : index
    %get3A_8 = vector.load %arg2[%get3A_6, %get3A_7] : memref<256x1024xf32, #tpu.memory_space<vmem>>, vector<256x1024xf32>
    %add3A = arith.addf %get3A_8, %dot_general3A_5 : vector<256x1024xf32>
    %swap3A = arith.constant 0 : index
    %swap3A_9 = arith.constant 0 : index
    %swap3A_10 = vector.load %arg6[%swap3A, %swap3A_9] : memref<256x1024xf32, #tpu.memory_space<vmem>>, vector<256x1024xf32>
    tpu.vector_store %arg6[%swap3A, %swap3A_9], %add3A {strides = array<i32>} : memref<256x1024xf32, #tpu.memory_space<vmem>>, vector<256x1024xf32>,
    %mul3A = arith.mulf %add3A, %add3A : vector<256x1024xf32>
    %reduce_sum3A = arith.constant dense<0.000000e+00> : vector<256xf32>
    %reduce_sum3A_11 = vector.multi_reduction <add>, %mul3A, %reduce_sum3A [1] : vector<256x1024xf32> to vector<256xf32>
    %broadcast_in_dim3A = vector.shape_cast %reduce_sum3A_11 : vector<256xf32> to vector<256x1xf32>
    %div3A = arith.constant 1.024000e+03 : f32
    %div3A_12 = vector.broadcast %div3A : f32 to vector<256x1xf32>
    %div3A_13 = arith.divf %broadcast_in_dim3A, %div3A_12 : vector<256x1xf32>
    %add3A_14 = arith.constant 9.99999997E-7 : f32
    %add3A_15 = vector.broadcast %add3A_14 : f32 to vector<256x1xf32>
    %add3A_16 = arith.addf %div3A_13, %add3A_15 : vector<256x1xf32>
    %rsqrt3A = math.rsqrt %add3A_16 : vector<256x1xf32>
    %mul3A_17 = vector.broadcast %rsqrt3A : vector<256x1xf32> to vector<256x1024xf32>
    %mul3A_18 = arith.mulf %add3A, %mul3A_17 : vector<256x1024xf32>
    %get3A_19 = arith.constant 0 : index
    %get3A_20 = arith.constant 0 : index
    %get3A_21 = vector.load %arg4[%get3A_19, %get3A_20] : memref<1x1024xf32, #tpu.memory_space<vmem>>, vector<1x1024xf32>
    %mul3A_22 = vector.broadcast %get3A_21 : vector<1x1024xf32> to vector<256x1024xf32>
    %mul3A_23 = arith.mulf %mul3A_18, %mul3A_22 : vector<256x1024xf32>
    %convert_element_type3A = arith.truncf %mul3A_23 : vector<256x1024xf32> to vector<256x1024xbf16>
    %swap3A_24 = arith.constant 0 : index
    %swap3A_25 = arith.constant 0 : index
    %swap3A_26 = vector.load %arg7[%swap3A_24, %swap3A_25] : memref<256x1024xbf16, #tpu.memory_space<vmem>>, vector<256x1024xbf16>
    tpu.vector_store %arg7[%swap3A_24, %swap3A_25], %convert_element_type3A {strides = array<i32>} : memref<256x1024xbf16, #tpu.memory_space<vmem>>, vector<256x1024xbf16>,
    %get3A_27 = arith.constant 0 : index
    %get3A_28 = arith.constant 0 : index
    %get3A_29 = vector.load %arg5[%get3A_27, %get3A_28] : memref<1024x8xf32, #tpu.memory_space<vmem>>, vector<1024x8xf32>
    %dot_general3A_30 = arith.constant dense<0.000000e+00> : vector<256x8xf32>
    %dot_general3A_31 = tpu.matmul %mul3A_23, %get3A_29, %dot_general3A_30 {dimension_numbers = #tpu.dot_dimension_numbers<[1], [0], [0], [1], [0, 0, 1, 1], [], []>, transpose_lhs_hint = false} : vector<256x1024xf32>, vector<1024x8xf32>, vector<256x8xf32> -> vector<256x8xf32>
    %iota3A = tpu.iota {dimensions = array<i32: 1>} : vector<256x8xi32>
    %reduce_max3A = arith.constant dense<0xFF800000> : vector<256xf32>
    %reduce_max3A_32 = vector.multi_reduction <maximumf>, %dot_general3A_31, %reduce_max3A [1] : vector<256x8xf32> to vector<256xf32>
    %broadcast_in_dim3A_33 = vector.shape_cast %reduce_max3A_32 : vector<256xf32> to vector<256x1xf32>
    %eq3A = vector.broadcast %broadcast_in_dim3A_33 : vector<256x1xf32> to vector<256x8xf32>
    %eq3A_34 = arith.cmpf oeq, %dot_general3A_31, %eq3A : vector<256x8xf32>
    %jit3A = arith.constant 8 : i32
    %broadcast_in_dim3A_35 = vector.broadcast %jit3A : i32 to vector<256x8xi32>
    %select_n3A = arith.select %eq3A_34, %iota3A, %broadcast_in_dim3A_35 : vector<256x8xi1>, vector<256x8xi32>
    %reduce_min3A = arith.constant dense<2147483647> : vector<256xi32>
    %reduce_min3A_36 = vector.multi_reduction <minsi>, %select_n3A, %reduce_min3A [1] : vector<256x8xi32> to vector<256xi32>
    %broadcast_in_dim3A_37 = vector.shape_cast %reduce_min3A_36 : vector<256xi32> to vector<256x1xi32>
    %eq3A_38 = vector.broadcast %broadcast_in_dim3A_37 : vector<256x1xi32> to vector<256x8xi32>
    %eq3A_39 = arith.cmpi eq, %iota3A, %eq3A_38 : vector<256x8xi32>
    %jit3A_40 = arith.constant 0xFF800000 : f32
    %broadcast_in_dim3A_41 = vector.broadcast %jit3A_40 : f32 to vector<256x8xf32>
    %select_n3A_42 = arith.select %eq3A_39, %broadcast_in_dim3A_41, %dot_general3A_31 : vector<256x8xi1>, vector<256x8xf32>
    %reduce_max3A_43 = arith.constant dense<0xFF800000> : vector<256xf32>
    %reduce_max3A_44 = vector.multi_reduction <maximumf>, %select_n3A_42, %reduce_max3A_43 [1] : vector<256x8xf32> to vector<256xf32>
    %broadcast_in_dim3A_45 = vector.shape_cast %reduce_max3A_44 : vector<256xf32> to vector<256x1xf32>
    %eq3A_46 = vector.broadcast %broadcast_in_dim3A_45 : vector<256x1xf32> to vector<256x8xf32>
    %eq3A_47 = arith.cmpf oeq, %select_n3A_42, %eq3A_46 : vector<256x8xf32>
    %jit3A_48 = arith.constant 8 : i32
    %broadcast_in_dim3A_49 = vector.broadcast %jit3A_48 : i32 to vector<256x8xi32>
    %select_n3A_50 = arith.select %eq3A_47, %iota3A, %broadcast_in_dim3A_49 : vector<256x8xi1>, vector<256x8xi32>
    %reduce_min3A_51 = arith.constant dense<2147483647> : vector<256xi32>
    %reduce_min3A_52 = vector.multi_reduction <minsi>, %select_n3A_50, %reduce_min3A_51 [1] : vector<256x8xi32> to vector<256xi32>
    %broadcast_in_dim3A_53 = vector.shape_cast %reduce_min3A_52 : vector<256xi32> to vector<256x1xi32>
    %sub3A = arith.subf %broadcast_in_dim3A_45, %broadcast_in_dim3A_33 : vector<256x1xf32>
    %exp3A = math.exp %sub3A : vector<256x1xf32>
    %add3A_54 = arith.constant 1.000000e+00 : f32
    %add3A_55 = vector.broadcast %add3A_54 : f32 to vector<256x1xf32>
    %add3A_56 = arith.addf %add3A_55, %exp3A : vector<256x1xf32>
    %div3A_57 = arith.constant 1.000000e+00 : f32
    %div3A_58 = vector.broadcast %div3A_57 : f32 to vector<256x1xf32>
    %div3A_59 = arith.divf %div3A_58, %add3A_56 : vector<256x1xf32>
    %concatenate3A = tpu.concatenate %broadcast_in_dim3A_37, %broadcast_in_dim3A_53 in 1 : vector<256x1xi32>, vector<256x1xi32> -> vector<256x2xi32>
    %swap3A_60 = arith.constant 0 : index
    %swap3A_61 = arith.constant 0 : index
    %swap3A_62 = vector.load %arg8[%swap3A_60, %swap3A_61] : memref<256x2xi32, #tpu.memory_space<vmem>>, vector<256x2xi32>
    tpu.vector_store %arg8[%swap3A_60, %swap3A_61], %concatenate3A {strides = array<i32>} : memref<256x2xi32, #tpu.memory_space<vmem>>, vector<256x2xi32>,
    %sub3A_63 = arith.constant 1.000000e+00 : f32
    %sub3A_64 = vector.broadcast %sub3A_63 : f32 to vector<256x1xf32>
    %sub3A_65 = arith.subf %sub3A_64, %div3A_59 : vector<256x1xf32>
    %concatenate3A_66 = tpu.concatenate %div3A_59, %sub3A_65 in 1 : vector<256x1xf32>, vector<256x1xf32> -> vector<256x2xf32>
    %swap3A_67 = arith.constant 0 : index
    %swap3A_68 = arith.constant 0 : index
    %swap3A_69 = vector.load %arg9[%swap3A_67, %swap3A_68] : memref<256x2xf32, #tpu.memory_space<vmem>>, vector<256x2xf32>
    tpu.vector_store %arg9[%swap3A_67, %swap3A_68], %concatenate3A_66 {strides = array<i32>} : memref<256x2xf32, #tpu.memory_space<vmem>>, vector<256x2xf32>,
    return
  }
  func.func @transform_0(%arg0: i32) -> (i32, i32) {
    %c0_i32 = arith.constant 0 : i32
    %c0_i32_0 = arith.constant 0 : i32
    return %arg0, %c0_i32 : i32, i32
  }
  func.func @transform_1(%arg0: i32) -> (i32, i32) {
    %c0_i32 = arith.constant 0 : i32
    %c0_i32_0 = arith.constant 0 : i32
    return %arg0, %c0_i32 : i32, i32
  }
  func.func @transform_2(%arg0: i32) -> (i32, i32) {
    %c0_i32 = arith.constant 0 : i32
    %c0_i32_0 = arith.constant 0 : i32
    %c0_i32_1 = arith.constant 0 : i32
    return %c0_i32, %c0_i32_0 : i32, i32
  }
  func.func @transform_3(%arg0: i32) -> (i32, i32) {
    %c0_i32 = arith.constant 0 : i32
    %c0_i32_0 = arith.constant 0 : i32
    %c0_i32_1 = arith.constant 0 : i32
    return %c0_i32, %c0_i32_0 : i32, i32
  }
  func.func @transform_4(%arg0: i32) -> (i32, i32) {
    %c0_i32 = arith.constant 0 : i32
    %c0_i32_0 = arith.constant 0 : i32
    %c0_i32_1 = arith.constant 0 : i32
    return %c0_i32, %c0_i32_0 : i32, i32
  }
  func.func @transform_5(%arg0: i32) -> (i32, i32) {
    %c0_i32 = arith.constant 0 : i32
    %c0_i32_0 = arith.constant 0 : i32
    return %arg0, %c0_i32 : i32, i32
  }
  func.func @transform_6(%arg0: i32) -> (i32, i32) {
    %c0_i32 = arith.constant 0 : i32
    %c0_i32_0 = arith.constant 0 : i32
    return %arg0, %c0_i32 : i32, i32
  }
  func.func @transform_7(%arg0: i32) -> (i32, i32) {
    %c0_i32 = arith.constant 0 : i32
    %c0_i32_0 = arith.constant 0 : i32
    return %arg0, %c0_i32 : i32, i32
  }
  func.func @transform_8(%arg0: i32) -> (i32, i32) {
    %c0_i32 = arith.constant 0 : i32
    %c0_i32_0 = arith.constant 0 : i32
    return %arg0, %c0_i32 : i32, i32
  }
}

module attributes {stable_mosaic.version = 14 : i64} {
  func.func @_moe_gateup_body(%arg0: i32, %arg1: i32, %arg2: memref<32xi32, #tpu.memory_space<smem>>, %arg3: memref<256x1024xbf16, #tpu.memory_space<vmem>>, %arg4: memref<1x1024x1408xf32, #tpu.memory_space<vmem>>, %arg5: memref<1x1024x1408xf32, #tpu.memory_space<vmem>>, %arg6: memref<256x1408xbf16, #tpu.memory_space<vmem>>, %arg7: memref<1024x1408xbf16, #tpu.memory_space<vmem>>, %arg8: memref<1024x1408xbf16, #tpu.memory_space<vmem>>) attributes {dimension_semantics = [#tpu.dimension_semantics<arbitrary>, #tpu.dimension_semantics<arbitrary>], iteration_bounds = array<i64: 2, 24>, scalar_prefetch = 1 : i64, scratch_operands = 2 : i64, tpu.core_type = #tpu.core_type<tc>, window_params = [{transform_indices = @transform_0, window_bounds = array<i64: 256, 1024>}, {transform_indices = @transform_1, window_bounds = array<i64: 1, 1024, 1408>}, {transform_indices = @transform_2, window_bounds = array<i64: 1, 1024, 1408>}, {transform_indices = @transform_3, window_bounds = array<i64: 256, 1408>}]} {
    %get3A = arith.constant 24 : index
    %get3A_0 = memref.load %arg2[%get3A] : memref<32xi32, #tpu.memory_space<smem>>
    %get3A_1 = arith.index_cast %arg1 : i32 to index
    %get3A_2 = memref.load %arg2[%get3A_1] : memref<32xi32, #tpu.memory_space<smem>>
    %sub3A = arith.constant 1 : i32
    %sub3A_3 = arith.subi %arg1, %sub3A : i32
    %max3A = arith.constant 0 : i32
    %max3A_4 = arith.maxsi %sub3A_3, %max3A : i32
    %get3A_5 = arith.index_cast %max3A_4 : i32 to index
    %get3A_6 = memref.load %arg2[%get3A_5] : memref<32xi32, #tpu.memory_space<smem>>
    %eq3A = arith.constant 0 : i32
    %eq3A_7 = arith.cmpi eq, %arg1, %eq3A : i32
    %ne3A = arith.cmpi ne, %get3A_2, %get3A_6 : i32
    %or3A = arith.ori %eq3A_7, %ne3A : i1
    %convert_element_type3A = arith.extui %or3A : i1 to i32
    %cond3A = arith.constant 0 : i32
    %cond3A_8 = arith.cmpi ne, %convert_element_type3A, %cond3A : i32
    scf.if %cond3A_8 {
      %get3A_12 = arith.constant 0 : index
      %get3A_13 = arith.constant 0 : index
      %get3A_14 = arith.constant 0 : index
      %get3A_15 = vector.load %arg4[%get3A_12, %get3A_13, %get3A_14] : memref<1x1024x1408xf32, #tpu.memory_space<vmem>>, vector<1x1024x1408xf32>
      %get3A_16 = vector.shape_cast %get3A_15 : vector<1x1024x1408xf32> to vector<1024x1408xf32>
      %convert_element_type3A_17 = arith.truncf %get3A_16 : vector<1024x1408xf32> to vector<1024x1408xbf16>
      %swap3A = arith.constant 0 : index
      %swap3A_18 = arith.constant 0 : index
      %swap3A_19 = vector.load %arg7[%swap3A, %swap3A_18] : memref<1024x1408xbf16, #tpu.memory_space<vmem>>, vector<1024x1408xbf16>
      tpu.vector_store %arg7[%swap3A, %swap3A_18], %convert_element_type3A_17 {strides = array<i32>} : memref<1024x1408xbf16, #tpu.memory_space<vmem>>, vector<1024x1408xbf16>,
      %get3A_20 = arith.constant 0 : index
      %get3A_21 = arith.constant 0 : index
      %get3A_22 = arith.constant 0 : index
      %get3A_23 = vector.load %arg5[%get3A_20, %get3A_21, %get3A_22] : memref<1x1024x1408xf32, #tpu.memory_space<vmem>>, vector<1x1024x1408xf32>
      %get3A_24 = vector.shape_cast %get3A_23 : vector<1x1024x1408xf32> to vector<1024x1408xf32>
      %convert_element_type3A_25 = arith.truncf %get3A_24 : vector<1024x1408xf32> to vector<1024x1408xbf16>
      %swap3A_26 = arith.constant 0 : index
      %swap3A_27 = arith.constant 0 : index
      %swap3A_28 = vector.load %arg8[%swap3A_26, %swap3A_27] : memref<1024x1408xbf16, #tpu.memory_space<vmem>>, vector<1024x1408xbf16>
      tpu.vector_store %arg8[%swap3A_26, %swap3A_27], %convert_element_type3A_25 {strides = array<i32>} : memref<1024x1408xbf16, #tpu.memory_space<vmem>>, vector<1024x1408xbf16>,
    } else {
    }
    %lt3A = arith.cmpi slt, %arg1, %get3A_0 : i32
    %convert_element_type3A_9 = arith.extui %lt3A : i1 to i32
    %cond3A_10 = arith.constant 0 : i32
    %cond3A_11 = arith.cmpi ne, %convert_element_type3A_9, %cond3A_10 : i32
    scf.if %cond3A_11 {
      %get3A_12 = arith.constant 0 : index
      %get3A_13 = arith.constant 0 : index
      %get3A_14 = vector.load %arg3[%get3A_12, %get3A_13] : memref<256x1024xbf16, #tpu.memory_space<vmem>>, vector<256x1024xbf16>
      %get3A_15 = arith.constant 0 : index
      %get3A_16 = arith.constant 0 : index
      %get3A_17 = vector.load %arg7[%get3A_15, %get3A_16] : memref<1024x1408xbf16, #tpu.memory_space<vmem>>, vector<1024x1408xbf16>
      %dot_general3A = arith.constant dense<0.000000e+00> : vector<256x1408xf32>
      %dot_general3A_18 = tpu.matmul %get3A_14, %get3A_17, %dot_general3A {dimension_numbers = #tpu.dot_dimension_numbers<[1], [0], [0], [1], [0, 0, 1, 1], [], []>, transpose_lhs_hint = false} : vector<256x1024xbf16>, vector<1024x1408xbf16>, vector<256x1408xf32> -> vector<256x1408xf32>
      %get3A_19 = arith.constant 0 : index
      %get3A_20 = arith.constant 0 : index
      %get3A_21 = vector.load %arg8[%get3A_19, %get3A_20] : memref<1024x1408xbf16, #tpu.memory_space<vmem>>, vector<1024x1408xbf16>
      %dot_general3A_22 = arith.constant dense<0.000000e+00> : vector<256x1408xf32>
      %dot_general3A_23 = tpu.matmul %get3A_14, %get3A_21, %dot_general3A_22 {dimension_numbers = #tpu.dot_dimension_numbers<[1], [0], [0], [1], [0, 0, 1, 1], [], []>, transpose_lhs_hint = false} : vector<256x1024xbf16>, vector<1024x1408xbf16>, vector<256x1408xf32> -> vector<256x1408xf32>
      %logistic3A = arith.negf %dot_general3A_18 : vector<256x1408xf32>
      %logistic3A_24 = math.exp %logistic3A : vector<256x1408xf32>
      %logistic3A_25 = arith.constant 1.000000e+00 : f32
      %logistic3A_26 = vector.broadcast %logistic3A_25 : f32 to vector<256x1408xf32>
      %logistic3A_27 = arith.addf %logistic3A_26, %logistic3A_24 : vector<256x1408xf32>
      %logistic3A_28 = arith.divf %logistic3A_26, %logistic3A_27 : vector<256x1408xf32>
      %mul3A = arith.mulf %dot_general3A_18, %logistic3A_28 : vector<256x1408xf32>
      %mul3A_29 = arith.mulf %mul3A, %dot_general3A_23 : vector<256x1408xf32>
      %convert_element_type3A_30 = arith.truncf %mul3A_29 : vector<256x1408xf32> to vector<256x1408xbf16>
      %swap3A = arith.constant 0 : index
      %swap3A_31 = arith.constant 0 : index
      %swap3A_32 = vector.load %arg6[%swap3A, %swap3A_31] : memref<256x1408xbf16, #tpu.memory_space<vmem>>, vector<256x1408xbf16>
      tpu.vector_store %arg6[%swap3A, %swap3A_31], %convert_element_type3A_30 {strides = array<i32>} : memref<256x1408xbf16, #tpu.memory_space<vmem>>, vector<256x1408xbf16>,
    } else {
    }
    return
  }
  func.func @transform_0(%arg0: i32, %arg1: i32, %arg2: memref<32xi32, #tpu.memory_space<smem>>) -> (i32, i32) {
    %c0_i32 = arith.constant 0 : i32
    %c0_i32_0 = arith.constant 0 : i32
    return %arg1, %c0_i32 : i32, i32
  }
  func.func @transform_1(%arg0: i32, %arg1: i32, %arg2: memref<32xi32, #tpu.memory_space<smem>>) -> (i32, i32, i32) {
    %get3A = arith.index_cast %arg1 : i32 to index
    %get3A_0 = memref.load %arg2[%get3A] : memref<32xi32, #tpu.memory_space<smem>>
    %c0_i32 = arith.constant 0 : i32
    %c0_i32_1 = arith.constant 0 : i32
    return %get3A_0, %c0_i32, %arg0 : i32, i32, i32
  }
  func.func @transform_2(%arg0: i32, %arg1: i32, %arg2: memref<32xi32, #tpu.memory_space<smem>>) -> (i32, i32, i32) {
    %get3A = arith.index_cast %arg1 : i32 to index
    %get3A_0 = memref.load %arg2[%get3A] : memref<32xi32, #tpu.memory_space<smem>>
    %c0_i32 = arith.constant 0 : i32
    %c0_i32_1 = arith.constant 0 : i32
    return %get3A_0, %c0_i32, %arg0 : i32, i32, i32
  }
  func.func @transform_3(%arg0: i32, %arg1: i32, %arg2: memref<32xi32, #tpu.memory_space<smem>>) -> (i32, i32) {
    %c0_i32 = arith.constant 0 : i32
    return %arg1, %arg0 : i32, i32
  }
}

module attributes {stable_mosaic.version = 14 : i64} {
  func.func @_moe_down_body(%arg0: i32, %arg1: memref<32xi32, #tpu.memory_space<smem>>, %arg2: memref<256x2816xbf16, #tpu.memory_space<vmem>>, %arg3: memref<1x2816x1024xf32, #tpu.memory_space<vmem>>, %arg4: memref<256x1024xbf16, #tpu.memory_space<vmem>>, %arg5: memref<2816x1024xbf16, #tpu.memory_space<vmem>>) attributes {dimension_semantics = [#tpu.dimension_semantics<arbitrary>], iteration_bounds = array<i64: 24>, scalar_prefetch = 1 : i64, scratch_operands = 1 : i64, tpu.core_type = #tpu.core_type<tc>, window_params = [{transform_indices = @transform_0, window_bounds = array<i64: 256, 2816>}, {transform_indices = @transform_1, window_bounds = array<i64: 1, 2816, 1024>}, {transform_indices = @transform_2, window_bounds = array<i64: 256, 1024>}]} {
    %get3A = arith.constant 24 : index
    %get3A_0 = memref.load %arg1[%get3A] : memref<32xi32, #tpu.memory_space<smem>>
    %get3A_1 = arith.index_cast %arg0 : i32 to index
    %get3A_2 = memref.load %arg1[%get3A_1] : memref<32xi32, #tpu.memory_space<smem>>
    %sub3A = arith.constant 1 : i32
    %sub3A_3 = arith.subi %arg0, %sub3A : i32
    %max3A = arith.constant 0 : i32
    %max3A_4 = arith.maxsi %sub3A_3, %max3A : i32
    %get3A_5 = arith.index_cast %max3A_4 : i32 to index
    %get3A_6 = memref.load %arg1[%get3A_5] : memref<32xi32, #tpu.memory_space<smem>>
    %eq3A = arith.constant 0 : i32
    %eq3A_7 = arith.cmpi eq, %arg0, %eq3A : i32
    %ne3A = arith.cmpi ne, %get3A_2, %get3A_6 : i32
    %or3A = arith.ori %eq3A_7, %ne3A : i1
    %convert_element_type3A = arith.extui %or3A : i1 to i32
    %cond3A = arith.constant 0 : i32
    %cond3A_8 = arith.cmpi ne, %convert_element_type3A, %cond3A : i32
    scf.if %cond3A_8 {
      %get3A_12 = arith.constant 0 : index
      %get3A_13 = arith.constant 0 : index
      %get3A_14 = arith.constant 0 : index
      %get3A_15 = vector.load %arg3[%get3A_12, %get3A_13, %get3A_14] : memref<1x2816x1024xf32, #tpu.memory_space<vmem>>, vector<1x2816x1024xf32>
      %get3A_16 = vector.shape_cast %get3A_15 : vector<1x2816x1024xf32> to vector<2816x1024xf32>
      %convert_element_type3A_17 = arith.truncf %get3A_16 : vector<2816x1024xf32> to vector<2816x1024xbf16>
      %swap3A = arith.constant 0 : index
      %swap3A_18 = arith.constant 0 : index
      %swap3A_19 = vector.load %arg5[%swap3A, %swap3A_18] : memref<2816x1024xbf16, #tpu.memory_space<vmem>>, vector<2816x1024xbf16>
      tpu.vector_store %arg5[%swap3A, %swap3A_18], %convert_element_type3A_17 {strides = array<i32>} : memref<2816x1024xbf16, #tpu.memory_space<vmem>>, vector<2816x1024xbf16>,
    } else {
    }
    %lt3A = arith.cmpi slt, %arg0, %get3A_0 : i32
    %convert_element_type3A_9 = arith.extui %lt3A : i1 to i32
    %cond3A_10 = arith.constant 0 : i32
    %cond3A_11 = arith.cmpi ne, %convert_element_type3A_9, %cond3A_10 : i32
    scf.if %cond3A_11 {
      %get3A_12 = arith.constant 0 : index
      %get3A_13 = arith.constant 0 : index
      %get3A_14 = vector.load %arg2[%get3A_12, %get3A_13] : memref<256x2816xbf16, #tpu.memory_space<vmem>>, vector<256x2816xbf16>
      %get3A_15 = arith.constant 0 : index
      %get3A_16 = arith.constant 0 : index
      %get3A_17 = vector.load %arg5[%get3A_15, %get3A_16] : memref<2816x1024xbf16, #tpu.memory_space<vmem>>, vector<2816x1024xbf16>
      %dot_general3A = arith.constant dense<0.000000e+00> : vector<256x1024xf32>
      %dot_general3A_18 = tpu.matmul %get3A_14, %get3A_17, %dot_general3A {dimension_numbers = #tpu.dot_dimension_numbers<[1], [0], [0], [1], [0, 0, 1, 1], [], []>, transpose_lhs_hint = false} : vector<256x2816xbf16>, vector<2816x1024xbf16>, vector<256x1024xf32> -> vector<256x1024xf32>
      %convert_element_type3A_19 = arith.truncf %dot_general3A_18 : vector<256x1024xf32> to vector<256x1024xbf16>
      %swap3A = arith.constant 0 : index
      %swap3A_20 = arith.constant 0 : index
      %swap3A_21 = vector.load %arg4[%swap3A, %swap3A_20] : memref<256x1024xbf16, #tpu.memory_space<vmem>>, vector<256x1024xbf16>
      tpu.vector_store %arg4[%swap3A, %swap3A_20], %convert_element_type3A_19 {strides = array<i32>} : memref<256x1024xbf16, #tpu.memory_space<vmem>>, vector<256x1024xbf16>,
    } else {
    }
    return
  }
  func.func @transform_0(%arg0: i32, %arg1: memref<32xi32, #tpu.memory_space<smem>>) -> (i32, i32) {
    %c0_i32 = arith.constant 0 : i32
    %c0_i32_0 = arith.constant 0 : i32
    return %arg0, %c0_i32 : i32, i32
  }
  func.func @transform_1(%arg0: i32, %arg1: memref<32xi32, #tpu.memory_space<smem>>) -> (i32, i32, i32) {
    %get3A = arith.index_cast %arg0 : i32 to index
    %get3A_0 = memref.load %arg1[%get3A] : memref<32xi32, #tpu.memory_space<smem>>
    %c0_i32 = arith.constant 0 : i32
    %c0_i32_1 = arith.constant 0 : i32
    %c0_i32_2 = arith.constant 0 : i32
    return %get3A_0, %c0_i32, %c0_i32_1 : i32, i32, i32
  }
  func.func @transform_2(%arg0: i32, %arg1: memref<32xi32, #tpu.memory_space<smem>>) -> (i32, i32) {
    %c0_i32 = arith.constant 0 : i32
    %c0_i32_0 = arith.constant 0 : i32
    return %arg0, %c0_i32 : i32, i32
  }
}

module attributes {stable_mosaic.version = 14 : i64} {
  func.func @_shared_final_body(%arg0: i32, %arg1: memref<512x1024xbf16, #tpu.memory_space<vmem>>, %arg2: memref<512x1024xf32, #tpu.memory_space<vmem>>, %arg3: memref<512x1024xbf16, #tpu.memory_space<vmem>>, %arg4: memref<512x1024xbf16, #tpu.memory_space<vmem>>, %arg5: memref<512x2xf32, #tpu.memory_space<vmem>>, %arg6: memref<1024x1408xbf16, #tpu.memory_space<vmem>>, %arg7: memref<1024x1408xbf16, #tpu.memory_space<vmem>>, %arg8: memref<1408x1024xbf16, #tpu.memory_space<vmem>>, %arg9: memref<1x1024xf32, #tpu.memory_space<vmem>>, %arg10: memref<512x1024xf32, #tpu.memory_space<vmem>>) attributes {dimension_semantics = [#tpu.dimension_semantics<arbitrary>], iteration_bounds = array<i64: 4>, scalar_prefetch = 0 : i64, scratch_operands = 0 : i64, tpu.core_type = #tpu.core_type<tc>, window_params = [{transform_indices = @transform_0, window_bounds = array<i64: 512, 1024>}, {transform_indices = @transform_1, window_bounds = array<i64: 512, 1024>}, {transform_indices = @transform_2, window_bounds = array<i64: 512, 1024>}, {transform_indices = @transform_3, window_bounds = array<i64: 512, 1024>}, {transform_indices = @transform_4, window_bounds = array<i64: 512, 2>}, {pipeline_mode = #tpu.pipeline_mode<synchronous>, transform_indices = @transform_5, window_bounds = array<i64: 1024, 1408>}, {pipeline_mode = #tpu.pipeline_mode<synchronous>, transform_indices = @transform_6, window_bounds = array<i64: 1024, 1408>}, {pipeline_mode = #tpu.pipeline_mode<synchronous>, transform_indices = @transform_7, window_bounds = array<i64: 1408, 1024>}, {pipeline_mode = #tpu.pipeline_mode<synchronous>, transform_indices = @transform_8, window_bounds = array<i64: 1, 1024>}, {transform_indices = @transform_9, window_bounds = array<i64: 512, 1024>}]} {
    %get3A = arith.constant 0 : index
    %get3A_0 = arith.constant 0 : index
    %get3A_1 = vector.load %arg1[%get3A, %get3A_0] : memref<512x1024xbf16, #tpu.memory_space<vmem>>, vector<512x1024xbf16>
    %get3A_2 = arith.constant 0 : index
    %get3A_3 = arith.constant 0 : index
    %get3A_4 = vector.load %arg6[%get3A_2, %get3A_3] : memref<1024x1408xbf16, #tpu.memory_space<vmem>>, vector<1024x1408xbf16>
    %dot_general3A = arith.constant dense<0.000000e+00> : vector<512x1408xf32>
    %dot_general3A_5 = tpu.matmul %get3A_1, %get3A_4, %dot_general3A {dimension_numbers = #tpu.dot_dimension_numbers<[1], [0], [0], [1], [0, 0, 1, 1], [], []>, transpose_lhs_hint = false} : vector<512x1024xbf16>, vector<1024x1408xbf16>, vector<512x1408xf32> -> vector<512x1408xf32>
    %get3A_6 = arith.constant 0 : index
    %get3A_7 = arith.constant 0 : index
    %get3A_8 = vector.load %arg7[%get3A_6, %get3A_7] : memref<1024x1408xbf16, #tpu.memory_space<vmem>>, vector<1024x1408xbf16>
    %dot_general3A_9 = arith.constant dense<0.000000e+00> : vector<512x1408xf32>
    %dot_general3A_10 = tpu.matmul %get3A_1, %get3A_8, %dot_general3A_9 {dimension_numbers = #tpu.dot_dimension_numbers<[1], [0], [0], [1], [0, 0, 1, 1], [], []>, transpose_lhs_hint = false} : vector<512x1024xbf16>, vector<1024x1408xbf16>, vector<512x1408xf32> -> vector<512x1408xf32>
    %logistic3A = arith.negf %dot_general3A_5 : vector<512x1408xf32>
    %logistic3A_11 = math.exp %logistic3A : vector<512x1408xf32>
    %logistic3A_12 = arith.constant 1.000000e+00 : f32
    %logistic3A_13 = vector.broadcast %logistic3A_12 : f32 to vector<512x1408xf32>
    %logistic3A_14 = arith.addf %logistic3A_13, %logistic3A_11 : vector<512x1408xf32>
    %logistic3A_15 = arith.divf %logistic3A_13, %logistic3A_14 : vector<512x1408xf32>
    %mul3A = arith.mulf %dot_general3A_5, %logistic3A_15 : vector<512x1408xf32>
    %mul3A_16 = arith.mulf %mul3A, %dot_general3A_10 : vector<512x1408xf32>
    %convert_element_type3A = arith.truncf %mul3A_16 : vector<512x1408xf32> to vector<512x1408xbf16>
    %get3A_17 = arith.constant 0 : index
    %get3A_18 = arith.constant 0 : index
    %get3A_19 = vector.load %arg8[%get3A_17, %get3A_18] : memref<1408x1024xbf16, #tpu.memory_space<vmem>>, vector<1408x1024xbf16>
    %dot_general3A_20 = arith.constant dense<0.000000e+00> : vector<512x1024xf32>
    %dot_general3A_21 = tpu.matmul %convert_element_type3A, %get3A_19, %dot_general3A_20 {dimension_numbers = #tpu.dot_dimension_numbers<[1], [0], [0], [1], [0, 0, 1, 1], [], []>, transpose_lhs_hint = false} : vector<512x1408xbf16>, vector<1408x1024xbf16>, vector<512x1024xf32> -> vector<512x1024xf32>
    %convert_element_type3A_22 = arith.extf %get3A_1 : vector<512x1024xbf16> to vector<512x1024xf32>
    %get3A_23 = arith.constant 0 : index
    %get3A_24 = arith.constant 0 : index
    %get3A_25 = vector.load %arg9[%get3A_23, %get3A_24] : memref<1x1024xf32, #tpu.memory_space<vmem>>, vector<1x1024xf32>
    %mul3A_26 = vector.broadcast %get3A_25 : vector<1x1024xf32> to vector<512x1024xf32>
    %mul3A_27 = arith.mulf %convert_element_type3A_22, %mul3A_26 : vector<512x1024xf32>
    %reduce_sum3A = arith.constant dense<0.000000e+00> : vector<512xf32>
    %reduce_sum3A_28 = vector.multi_reduction <add>, %mul3A_27, %reduce_sum3A [1] : vector<512x1024xf32> to vector<512xf32>
    %broadcast_in_dim3A = vector.shape_cast %reduce_sum3A_28 : vector<512xf32> to vector<512x1xf32>
    %logistic3A_29 = arith.negf %broadcast_in_dim3A : vector<512x1xf32>
    %logistic3A_30 = math.exp %logistic3A_29 : vector<512x1xf32>
    %logistic3A_31 = arith.constant 1.000000e+00 : f32
    %logistic3A_32 = vector.broadcast %logistic3A_31 : f32 to vector<512x1xf32>
    %logistic3A_33 = arith.addf %logistic3A_32, %logistic3A_30 : vector<512x1xf32>
    %logistic3A_34 = arith.divf %logistic3A_32, %logistic3A_33 : vector<512x1xf32>
    %get3A_35 = arith.constant 0 : index
    %get3A_36 = arith.constant 0 : index
    %get3A_37 = vector.load %arg5[%get3A_35, %get3A_36] : memref<512x2xf32, #tpu.memory_space<vmem>>, vector<512x1xf32>
    %get3A_38 = arith.constant 0 : index
    %get3A_39 = arith.constant 0 : index
    %get3A_40 = vector.load %arg3[%get3A_38, %get3A_39] : memref<512x1024xbf16, #tpu.memory_space<vmem>>, vector<512x1024xbf16>
    %convert_element_type3A_41 = arith.extf %get3A_40 : vector<512x1024xbf16> to vector<512x1024xf32>
    %mul3A_42 = vector.broadcast %get3A_37 : vector<512x1xf32> to vector<512x1024xf32>
    %mul3A_43 = arith.mulf %mul3A_42, %convert_element_type3A_41 : vector<512x1024xf32>
    %get3A_44 = arith.constant 0 : index
    %get3A_45 = arith.constant 1 : index
    %get3A_46 = vector.load %arg5[%get3A_44, %get3A_45] : memref<512x2xf32, #tpu.memory_space<vmem>>, vector<512x1xf32>
    %get3A_47 = arith.constant 0 : index
    %get3A_48 = arith.constant 0 : index
    %get3A_49 = vector.load %arg4[%get3A_47, %get3A_48] : memref<512x1024xbf16, #tpu.memory_space<vmem>>, vector<512x1024xbf16>
    %convert_element_type3A_50 = arith.extf %get3A_49 : vector<512x1024xbf16> to vector<512x1024xf32>
    %mul3A_51 = vector.broadcast %get3A_46 : vector<512x1xf32> to vector<512x1024xf32>
    %mul3A_52 = arith.mulf %mul3A_51, %convert_element_type3A_50 : vector<512x1024xf32>
    %add3A = arith.addf %mul3A_43, %mul3A_52 : vector<512x1024xf32>
    %get3A_53 = arith.constant 0 : index
    %get3A_54 = arith.constant 0 : index
    %get3A_55 = vector.load %arg2[%get3A_53, %get3A_54] : memref<512x1024xf32, #tpu.memory_space<vmem>>, vector<512x1024xf32>
    %add3A_56 = arith.addf %get3A_55, %add3A : vector<512x1024xf32>
    %mul3A_57 = vector.broadcast %logistic3A_34 : vector<512x1xf32> to vector<512x1024xf32>
    %mul3A_58 = arith.mulf %mul3A_57, %dot_general3A_21 : vector<512x1024xf32>
    %add3A_59 = arith.addf %add3A_56, %mul3A_58 : vector<512x1024xf32>
    %swap3A = arith.constant 0 : index
    %swap3A_60 = arith.constant 0 : index
    %swap3A_61 = vector.load %arg10[%swap3A, %swap3A_60] : memref<512x1024xf32, #tpu.memory_space<vmem>>, vector<512x1024xf32>
    tpu.vector_store %arg10[%swap3A, %swap3A_60], %add3A_59 {strides = array<i32>} : memref<512x1024xf32, #tpu.memory_space<vmem>>, vector<512x1024xf32>,
    return
  }
  func.func @transform_0(%arg0: i32) -> (i32, i32) {
    %c0_i32 = arith.constant 0 : i32
    %c0_i32_0 = arith.constant 0 : i32
    return %arg0, %c0_i32 : i32, i32
  }
  func.func @transform_1(%arg0: i32) -> (i32, i32) {
    %c0_i32 = arith.constant 0 : i32
    %c0_i32_0 = arith.constant 0 : i32
    return %arg0, %c0_i32 : i32, i32
  }
  func.func @transform_2(%arg0: i32) -> (i32, i32) {
    %c0_i32 = arith.constant 0 : i32
    %c0_i32_0 = arith.constant 0 : i32
    return %arg0, %c0_i32 : i32, i32
  }
  func.func @transform_3(%arg0: i32) -> (i32, i32) {
    %c0_i32 = arith.constant 0 : i32
    %c0_i32_0 = arith.constant 0 : i32
    return %arg0, %c0_i32 : i32, i32
  }
  func.func @transform_4(%arg0: i32) -> (i32, i32) {
    %c0_i32 = arith.constant 0 : i32
    %c0_i32_0 = arith.constant 0 : i32
    return %arg0, %c0_i32 : i32, i32
  }
  func.func @transform_5(%arg0: i32) -> (i32, i32) {
    %c0_i32 = arith.constant 0 : i32
    %c0_i32_0 = arith.constant 0 : i32
    %c0_i32_1 = arith.constant 0 : i32
    return %c0_i32, %c0_i32_0 : i32, i32
  }
  func.func @transform_6(%arg0: i32) -> (i32, i32) {
    %c0_i32 = arith.constant 0 : i32
    %c0_i32_0 = arith.constant 0 : i32
    %c0_i32_1 = arith.constant 0 : i32
    return %c0_i32, %c0_i32_0 : i32, i32
  }
  func.func @transform_7(%arg0: i32) -> (i32, i32) {
    %c0_i32 = arith.constant 0 : i32
    %c0_i32_0 = arith.constant 0 : i32
    %c0_i32_1 = arith.constant 0 : i32
    return %c0_i32, %c0_i32_0 : i32, i32
  }
  func.func @transform_8(%arg0: i32) -> (i32, i32) {
    %c0_i32 = arith.constant 0 : i32
    %c0_i32_0 = arith.constant 0 : i32
    %c0_i32_1 = arith.constant 0 : i32
    return %c0_i32, %c0_i32_0 : i32, i32
  }
  func.func @transform_9(%arg0: i32) -> (i32, i32) {
    %c0_i32 = arith.constant 0 : i32
    %c0_i32_0 = arith.constant 0 : i32
    return %arg0, %c0_i32 : i32, i32
  }
}

</mosaic_0001>

<sc_bundles>
// kernel: kernel.10.cloned.1.call-start
scs
__scs_entry_jumppad:
0x0: {  	(pc) =	sbr.rel $0x88, $3  }
0x1: {  	(tag) =	ssettag $0x0;
	lr =	simm.s32 $0x1  }
0x2: {  	[smem:$0x3F92] =	sst lr;
	_ =	strace $0xD0000000  }
0x3: {  	_ = 	snop  }
0x4: {  	_ = 	snop  }
0x5: {  	_ = 	snop  }
0x6: {  	_ = 	snop  }
0x7: {  	_ = 	snop  }
__scs_overlays_trampoline_lowered:
0x8: {  	[smem:$0x3FA1] =	sst s0  }
0x9: {  	[smem:$0x3FA2] =	sst s1  }
0xa: {  	[smem:$0x3FA3] =	sst s2  }
0xb: {  	[smem:$0x3FA4] =	sst s3  }
0xc: {  	[smem:$0x3FA5] =	sst s4  }
0xd: {  	[smem:$0x3FA6] =	sst s5  }
0xe: {  	[smem:$0x3FA7] =	sst s6  }
0xf: {  	[smem:$0x3FA8] =	sst s7  }
0x10: {  	[smem:$0x3FA9] =	sst s8  }
0x11: {  	[smem:$0x3FAA] =	sst s9;
	s0 =	simm.s32 @!p0 $0x0  }
0x12: {  	s1 =	sld [smem:$0x3F90];
	s0 =	simm.s32 @p0 $0x1  }
0x13: {  	[smem:$0x3FAB] =	sst s0;
	s0 =	simm.s32 @!p1 $0x0  }
0x14: {  	s2 =	sld [smem:$0x3F8F];
	s0 =	simm.s32 @p1 $0x1  }
0x15: {  	[smem:$0x3FAC] =	sst s0;
	s0 =	simm.s32 @!p2 $0x0  }
0x16: {  	s3 =	sld [smem:$0x3FDB];
	s0 =	simm.s32 @p2 $0x1  }
0x17: {  	s4 =	simm.s32 $0x1BF5;
	[smem:$0x3FAE] =	sst s0  }
0x18: {  	s0 =	sld [smem:$0x3F91];
	_ =	swait.ge [sflag:s4], $0x0  }
0x19: {  	s7 =	sld [smem:$0x3F92]  }
0x1a: {  	s8 =	sadd.s32 $0xFFFFE003, lr  }
0x1b: {  	s9 =	sadd.s32 $0xFFFFFEF7, lr;
	s5 =	simm.s32 $0xFFFFFFFF;
	p2 =	slt.u32 s8, $0xFFFFF086  }
0x1c: {  	p1 =	slt.u32 s9, $0xF7A;
	s5 =	simm.s32 @!p2 $0x0  }
0x1d: {  	s5 =	simm.s32 @p1 $0x1;
	p0 =	seq.s32 s7, s2  }
0x1e: {  	s7 =	smul.u32 @!p0 $0xF7A, s2;
	p2 =	seq.s32 @!p0 s5, $0x0  }
0x1f: {  	s9 =	smul.u32 $0xF7A, s1;
	s8 =	simm.s32 @!p0 $0x1BF5;
	p2 =	por !p2, p0  }
0x20: {  	[sflag:s8] =	ssyncset.s32 @!p0 $0xFFFFF086;
	s6 =	sadd.s32 @!p0 s3, s7;
	s7 =	simm.s32 @!p0 $0x108  }
0x21: {  	s3 =	sadd.s32 s3, s9;
	s6 =	sadd.s32 @!p0 $0x88, s6;
	s7 =	simm.s32 @p2 $0x1082  }
0x22: {  	[simem:s7], [sflag:s8] =	dma.local @!p0 [hbm:s6], $0xF7A  }
0x23: {  	s9 =	sor.u32 $0xD0000000, s2;
	s6 =	simm.s32 $0x108;
	_ =	swait.ge @!p0 [sflag:s8], $0x0  }
0x24: {  	s3 =	sadd.s32 $0x88, s3;
	s6 =	simm.s32 @!p1 $0x1082;
	[sflag:s4] =	ssyncset.s32 $0xFFFFF086  }
0x25: {  	[simem:s6], [sflag:s4] =	dma.local [hbm:s3], $0xF7A  }
0x26: {  	[smem:$0x3F92] =	sst s1;
	(tag) =	ssettag s2;
	_ =	strace s9  }
0x27: {  	s1 =	sld [smem:$0x3FA2]  }
0x28: {  	s2 =	sld [smem:$0x3FA3]  }
0x29: {  	s4 =	sld [smem:$0x3FA5]  }
0x2a: {  	p0 =	seq.s32 s5, $0x0;
	s5 =	sld [smem:$0x3FA6]  }
0x2b: {  	s6 =	sld [smem:$0x3FA7]  }
0x2c: {  	s7 =	sld [smem:$0x3FA8]  }
0x2d: {  	s3 =	simm.s32 $0x108;
	s8 =	sld [smem:$0x3FA9]  }
0x2e: {  	s3 =	simm.s32 @!p0 $0x1082;
	s9 =	sld [smem:$0x3FAA]  }
0x2f: {  	lr =	sadd.s32 s0, s3;
	s0 =	sld [smem:$0x3FA1]  }
0x30: {  	s3 =	sld [smem:$0x3FA4]  }
0x31: {  	[smem:$0x3FAD] =	sst s10  }
0x32: {  	s10 =	sld [smem:$0x3FAB];
	_ =	sdelay $0x3  }
0x33: {  	p0 =	seq.s32 s10, $0x1;
	s10 =	sld [smem:$0x3FAD];
	_ =	sdelay $0x3  }
0x34: {  	[smem:$0x3FAD] =	sst s10  }
0x35: {  	s10 =	sld [smem:$0x3FAC];
	_ =	sdelay $0x3  }
0x36: {  	p1 =	seq.s32 s10, $0x1;
	s10 =	sld [smem:$0x3FAD];
	_ =	sdelay $0x3  }
0x37: {  	[smem:$0x3FAD] =	sst s10  }
0x38: {  	s10 =	sld [smem:$0x3FAE]  }
0x39: {  	_ = 	snop;
	(pc) =	sbr.ind lr, $3  }
0x3a: {  	_ = 	snop  }
0x3b: {  	_ = 	snop  }
0x3c: {  	p2 =	seq.s32 s10, $0x1;
	s10 =	sld [smem:$0x3FAD]  }
0x3d: {  	_ =	shalt  }
0x3e: {  	_ =	shalt  }
0x3f: {  	_ =	shalt  }
0x40: {  	_ =	shalt  }
0x41: {  	_ =	shalt  }
0x42: {  	_ =	shalt  }
0x43: {  	_ =	shalt  }
0x44: {  	_ =	shalt  }
0x45: {  	_ =	shalt  }
0x46: {  	_ =	shalt  }
0x47: {  	_ =	shalt  }
0x48: {  	_ =	shalt  }
0x49: {  	_ =	shalt  }
0x4a: {  	_ =	shalt  }
0x4b: {  	_ =	shalt  }
0x4c: {  	_ =	shalt  }
0x4d: {  	_ =	shalt  }
0x4e: {  	_ =	shalt  }
0x4f: {  	_ =	shalt  }
0x50: {  	_ =	shalt  }
0x51: {  	_ =	shalt  }
0x52: {  	_ =	shalt  }
0x53: {  	_ =	shalt  }
0x54: {  	_ =	shalt  }
0x55: {  	_ =	shalt  }
0x56: {  	_ =	shalt  }
0x57: {  	_ =	shalt  }
0x58: {  	_ =	shalt  }
0x59: {  	_ =	shalt  }
0x5a: {  	_ =	shalt  }
0x5b: {  	_ =	shalt  }
0x5c: {  	_ =	shalt  }
0x5d: {  	_ =	shalt  }
0x5e: {  	_ =	shalt  }
0x5f: {  	_ =	shalt  }
0x60: {  	_ =	shalt  }
0x61: {  	_ =	shalt  }
0x62: {  	_ =	shalt  }
0x63: {  	_ =	shalt  }
0x64: {  	_ =	shalt  }
0x65: {  	_ =	shalt  }
0x66: {  	_ =	shalt  }
0x67: {  	_ =	shalt  }
0x68: {  	_ =	shalt  }
0x69: {  	_ =	shalt  }
0x6a: {  	_ =	shalt  }
0x6b: {  	_ =	shalt  }
0x6c: {  	_ =	shalt  }
0x6d: {  	_ =	shalt  }
0x6e: {  	_ =	shalt  }
0x6f: {  	_ =	shalt  }
0x70: {  	_ =	shalt  }
0x71: {  	_ =	shalt  }
0x72: {  	_ =	shalt  }
0x73: {  	_ =	shalt  }
0x74: {  	_ =	shalt  }
0x75: {  	_ =	shalt  }
0x76: {  	_ =	shalt  }
0x77: {  	_ =	shalt  }
0x78: {  	_ =	shalt  }
0x79: {  	_ =	shalt  }
0x7a: {  	_ =	shalt  }
0x7b: {  	_ =	shalt  }
0x7c: {  	_ =	shalt  }
0x7d: {  	_ =	shalt  }
0x7e: {  	_ =	shalt  }
0x7f: {  	_ =	shalt  }
0x80: {  	_ =	shalt  }
0x81: {  	_ =	shalt  }
0x82: {  	_ =	shalt  }
0x83: {  	_ =	shalt  }
0x84: {  	_ =	shalt  }
0x85: {  	_ =	shalt  }
0x86: {  	_ =	shalt  }
0x87: {  	_ =	shalt  }
.Lfunc_end0:
.L_simem_size_0:
called_computation_lowered:
.L_overlay_start_0:
0x88: {  	s2 =	sld [smem:$0x3FD9]  }
0x89: {  	s3 =	sld [smem:$0x3FFE];
	_ =	sdelay $0x1  }
0x8a: {  	s1 =	srdreg.scid  }
0x8b: {  	s0 =	sand.u32 $0x1, s1  }
0x8c: {  	s17 =	sshll.u32 s0, $0xA;
	s2 =	sadd.s32 s3, s2  }
0x8d: {  	s2 =	sadd.s32 s2, s17  }
0x8e: {  	[smem:$0x3FB9] =	sst s2  }
0x8f: {  	_ = 	snop  }
0x90: {  	s2 =	sld [smem:$0x3FD0];
	(tm) =	ssettm $0x1  }
0x91: {  	s18 =	sld [smem:$0x3FFB];
	_ =	sdelay $0x3  }
0x92: {  	_ =	strace s18  }
0x93: {  	s3 =	sld [smem:$0x3FFC];
	_ =	sdelay $0x3  }
0x94: {  	_ =	strace s3  }
0x95: {  	s3 =	sld [smem:$0x3FFD];
	_ =	sdelay $0x3  }
0x96: {  	_ =	strace s3  }
0x97: {  	_ =	strace $0x8FFFFFFF  }
0x98: {  	s19 =	sld [smem:$0x3FDB];
	_ =	sdelay $0x1  }
0x99: {  	s4 =	simm.s32 $_scs_section_size  }
0x9a: {  	s5 =	simm.s32 $_size__tile_overlayer_lowered;
	s6 =	simm.s32 $_tile_overlayer_lowered  }
0x9b: {  	s22 =	simm.s32 $0x1BFF;
	s21 =	sshll.u32 s6, $0x1;
	s3 =	sadd.s32 s4, s19  }
0x9c: {  	s7 =	simm.s32 $0x0;
	s20 =	sshll.u32 s5, $0x1;
	s5 =	sadd.s32 s21, s3  }
0x9d: {  	[timem:s7], [sflag:s22] =	dma.local [hbm:s5], s20  }
0x9e: {  	_ =	swait.ge [sflag:s22], s20  }
0x9f: {  	s4 =	ssub.s32 $0x0, s20;
	[sflag:s22] =	ssyncset.done $0x0  }
0xa0: {  	[sflag:s22] =	ssyncadd.s32 s4;
	_ =	sdelay $0x1  }
0xa1: {  	s23 =	simm.s32 $0x1B8B  }
0xa2: {  	_ =	swait.ge [sflag:s23], $0x1  }
0xa3: {  	[sflag:s23] =	ssyncset.done $0x0  }
0xa4: {  	s25 =	simm.s32 $0x1B8E;
	s24 =	sld [smem:$0x3FFE];
	[sflag:s23] =	ssyncadd.s32 $0xFFFFFFFF  }
0xa5: {  	s26 =	simm.s32 $execute0_lowered;
	[smem:$0x3FD2] =	sst s25  }
0xa6: {  	s5 =	sshll.u32 s26, $0x1;
	_ =	strace $0x80000046;
	[dreg:$0x1] =	wrdreg $0xFFFFFFFF  }
0xa7: {  	s28 =	simm.s32 $_size_execute0_lowered;
	s3 =	sadd.s32 s3, s5;
	[dreg:$0x0] =	wrdreg $0x0  }
0xa8: {  	s5 =	sshll.u32 s28, $0x1;
	[dreg:$0x2] =	wrdreg s3  }
0xa9: {  	[dreg:$0x3] =	wrdreg s5  }
0xaa: {  	[dreg:$0x4] =	wrdreg $0xC0  }
0xab: {  	_ =	task [dreg:s7], $0x5FFFF  }
0xac: {  	[dreg:$0x1] =	wrdreg $0xFFFFFFFF  }
0xad: {  	[dreg:$0x0] =	wrdreg $0x60  }
0xae: {  	[dreg:$0x2] =	wrdreg s24  }
0xaf: {  	[dreg:$0x3] =	wrdreg s2  }
0xb0: {  	[dreg:$0x4] =	wrdreg $0x9  }
0xb1: {  	_ =	task.clear_ibuf [dreg:s7], $0x5FFFF;
	_ =	strace $0x90000046  }
0xb2: {  	s29 =	simm.s32 $0x9;
	_ =	strace $0x80000048  }
0xb3: {  	_ =	swait.ge [sflag:s29], $0x1  }
0xb4: {  	[sflag:s29] =	ssyncadd.s32 $0xFFFFFFFF  }
0xb5: {  	_ =	strace $0x90000048  }
0xb6: {  	_ =	sfence  }
0xb7: {  	s30 =	sld [smem:$0x0];
	_ =	sdelay $0x2  }
0xb8: {  	s31 =	sshll.u32 s1, $0xD;
	s1 =	sshrl.u32 s1, $0x2  }
0xb9: {  	s3 =	sand.u32 $0x4000, s31;
	s1 =	sadd.s32 s1, s30  }
0xba: {  	s0 =	sor.u32 s3, s0;
	s1 =	sshll.u32 s1, $0x11  }
0xbb: {  	s0 =	sor.u32 s1, s0  }
0xbc: {  	s0 =	sadd.s32 $0x8F2B, s0  }
0xbd: {  	[sflag:s0] =	ssyncadd.remote.s32 $0x1  }
0xbe: {  	_ =	sfence.sel $0xFFFF  }
0xbf: {  	[dreg:$0x0] =	wrdreg $0xFFFFFFFF;
	(pc) =	sbr.abs _section_cstart, $3  }
0xc0: {  	[dreg:$0x1] =	wrdreg $0xFFFFFFFF  }
0xc1: {  	_ =	task.clear_ibuf [dreg:s7], $0x2FFFF;
	_ =	strace $0x9FFFFFFF  }
0xc2: {  	(tm) =	ssettm $0x7FFFFFFF  }
0xc3: {  	_ =	shalt  }
tec
execute0_lowered:
.L_overlay_start_1:
0x0: {  	(tag) =	ssettag $0x1  }
0x1: {  	s0 =	rddreg [dreg:$0x0]  }
0x2: {  	s1 =	rddreg [dreg:$0x1]  }
0x3: {  	s3 =	srdreg.scid;
	s11 =	stileid.u32;
	s2 =	simm.s32 $0x0  }
0x4: {  	s30 =	simm.s32 $0x1800;
	s31 =	simm.s32 $0x2000;
	s14 =	simm.s32 $0xC800  }
0x5: {  	s15 =	simm.s32 $0xD000;
	s16 =	simm.s32 $0xD800;
	s17 =	simm.s32 $0xE000  }
0x6: {  	s18 =	simm.s32 $0xE800;
	s19 =	simm.s32 $0xF000;
	s20 =	simm.s32 $0xF800  }
0x7: {  	s21 =	simm.s32 $0x10000;
	s22 =	simm.s32 $0x10800;
	s23 =	simm.s32 $0x1  }
0x8: {  	s5 =	sand.u32 $0x1, s3;
	s24 =	sshll.u32 s11, $0x1;
	[smem:$0x7FF] =	sst s2  }
0x9: {  	s3 =	sadd.s32 $0x6C800, s0;
	s4 =	sadd.s32 $0x6CA00, s0;
	s12 =	sadd.s32 $0xCCA00, s0  }
0xa: {  	p0 =	slt.u32 s11, $0x8;
	s26 =	sshll.u32 s11, $0x4;
	s11 =	sshll.u32 s11, $0xA  }
0xb: {  	s13 =	sor.u32 s5, s24;
	_ =	strace $0x80000047;
	s9 =	ssub.s32 $0x2, s5  }
0xc: {  	[dreg:$0x3] =	wrdreg s12;
	s28 =	sshll.u32 s5, $0x3;
	s5 =	sshll.u32 s5, $0x9  }
0xd: {  	s12 =	simm.s32 $0x1000;
	s24 =	simm.s32 $0x11000;
	s6 =	sshll.u32 s13, $0x7  }
0xe: {  	s7 =	sshll.u32 s13, $0x4;
	s25 =	sshrl.u32 s9, $0x1;
	s5 =	sor.u32 s5, s11  }
0xf: {  	s11 =	simm.s32 $0x2;
	p1 =	sne.s32 s13, $0x0;
	s6 =	sand.u32 $0x780, s6  }
0x10: {  	v1 =	vimm.s32 $0x0;
	vm0 =	vmmov $0x1;
	vm1 =	vcmask $0x704;
	s10 =	sadd.s32 s7, s0;
	s9 =	ssub.s32 s9, s25;
	s7 =	sadd.s32 $0x6CB00, s0  }
0x11: {  	vm2 =	vcmask $0xB08;
	vm3 =	vcmask $0xF0C;
	vm4 =	vcmask $0x1310;
	s29 =	sshrl.u32 s5, $0x2;
	s5 =	simm.s32 $0xB800;
	s25 =	simm.s32 $0x0  }
.Ltmp0:
0x12: {  	vm5 =	vcmask $0x1714;
	v2 =	vlaneseq.u32;
	vm6 =	vcmask $0x1B18;
	s8 =	sshrl.u32 s6, $0x3;
	s6 =	sshll.u32 s6, $0x6;
	(pc) =	sbr.rel .LBB2_1-.Ltmp0, $4  }
0x13: {  	vm7 =	vcmask $0x1F1C;
	vm8 =	vmmov $0xff;
	v3 =	vimm.s32 $0x0;
	s9 =	smax.u32 s9, $0x1;
	s8 =	sadd.s32 s8, s0;
	s6 =	sadd.s32 s1, s6  }
0x14: {  	v5 =	vimm.s32 $0x0;
	v3 =	vsel vm8, $0xFFFFFFFF, v3;
	vm8 =	vmmov $0xffff;
	s0 =	sadd.s32 $0xCCC00, s10;
	s1 =	sor.u32 s28, s26;
	s8 =	sadd.s32 $0xCCE00, s8  }
0x15: {  	v4 =	vshrl.u32 v2, $0x3;
	[tilespmem:$0x1FFE0] =	vst v3;
	v3 =	vand.u32 $0x7, v2;
	v5 =	vsel vm8, $0xFFFFFFFF, v5;
	s10 =	smax.u32 s1, $0x1;
	s1 =	simm.s32 $0xB000;
	s8 =	smov.u32 @p0 s0  }
0x16: {  	v4 =	vmul.u32 $0x8, v4;
	[tilespmem:$0x1FFF0] =	vst v5;
	v5 =	vor.u32 $0x8, v2;
	v0 =	vmov s29;
	p0 =	seq.s32 s13, $0x0;
	s0 =	simm.s32 $0xA800;
	s13 =	simm.s32 $0xC000  }
.LBB2_15:
0x17: {  	s25 =	sadd.s32 $0x1, s25  }
0x18: {  	p2 =	sne.s32 s25, s9  }
.Ltmp1:
0x19: {  	_ = 	snop;
	(pc) =	sbr.rel @!p2 .LBB2_16-.Ltmp1, $1  }
0x1a: {  	_ =	sdelay $0x3  }
.LBB2_1:
0x1b: {  	[tilespmem:s2], [sflag:$0x2] =	stream.linear.gather [hbm4b:s3+s2], $0x1000, $0x38;
	[tilespmem:$0x11100] =	vst v63  }
0x1c: {  	_ =	swait.ge [sflag:s11], $0x1000  }
0x1d: {  	[sflag:s11] =	ssyncset.done $0x0  }
0x1e: {  	[sflag:s11] =	ssyncadd.s32 $0xFFFFF000  }
0x1f: {  	[tilespmem:s12], [sflag:$0x2] =	stream.linear.gather [hbm4b:s6+s2], $0x10000, $0x38;
	[tilespmem:$0x11100] =	vst v63  }
0x20: {  	_ =	swait.ge [sflag:s11], $0x10000  }
0x21: {  	[sflag:s11] =	ssyncset.done $0x0  }
0x22: {  	s26 =	simm.s32 $0x0;
	[sflag:s11] =	ssyncadd.s32 $0xFFFF0000  }
0x23: {  	v7 =	vld [tilespmem:s26+$0x0];
	_ =	sdelay $0x4  }
0x24: {  	vm8 =	veq.s32 v7, $0x0  }
0x25: {  	vm9 =	veq.s32 v7, $0x1;
	v6 =	vsel vm8, $0x1, v1  }
0x26: {  	s29 =	simm.s32 $0x10;
	vm8 =	veq.s32 v7, $0x2;
	v8 =	vsel vm9, $0x1, v1;
	(xrf0) =	vadd.scan.msk.s32 $0xffff, v6  }
0x27: {  	vm9 =	veq.s32 v7, $0x3;
	v6 =	vld [tilespmem:s29+$0x0];
	v9 =	vsel vm8, $0x1, v1;
	(xrf0) =	vadd.scan.msk.s32 $0xffff, v8  }
0x28: {  	vm8 =	veq.s32 v7, $0x4;
	v8 =	vsel vm9, $0x1, v1;
	(xrf0) =	vadd.scan.msk.s32 $0xffff, v9  }
0x29: {  	v9 =	vsel vm8, $0x1, v1;
	vm8 =	veq.s32 v7, $0x5;
	(xrf0) =	vadd.scan.msk.s32 $0xffff, v8  }
0x2a: {  	v8 =	vsel vm8, $0x1, v1;
	vm8 =	veq.s32 v7, $0x6;
	(xrf0) =	vadd.scan.msk.s32 $0xffff, v9  }
0x2b: {  	v10 =	vsel vm8, $0x1, v1;
	vm8 =	veq.s32 v7, $0x7;
	v7 =	vimm.s32 $0x0;
	(xrf0) =	vadd.scan.msk.s32 $0xffff, v8  }
0x2c: {  	s26 =	simm.s32 $0x80;
	vm12 =	veq.s32 v6, $0x3;
	vm11 =	veq.s32 v6, $0x4;
	v8 =	vsel vm8, $0x1, v1;
	v9, _, _ =	vpop (xrf0);
	(xrf0) =	vadd.scan.msk.s32 $0xffff, v10  }
.LBB2_2:
0x2d: {  	p2 =	sne.s32 s26, $0x3FC0;
	vm8 =	veq.s32 v6, $0x1;
	vm10 =	veq.s32 v6, $0x2;
	v9 =	vbroadcast v9, $0xF;
	v10, _, _ =	vpop (xrf0);
	(xrf0) =	vadd.scan.msk.s32 $0xffff, v8  }
0x2e: {  	vm9 =	veq.s32 v6, $0x0;
	v8 =	vsel vm8, $0x1, v1;
	v10 =	vbroadcast v10, $0xF;
	v11, _, _ =	vpop (xrf0)  }
0x2f: {  	v12 =	vsel vm9, $0x1, v1;
	v9 =	vnsel vm0, $0x0, v9;
	v11 =	vbroadcast v11, $0xF;
	v13, _, _ =	vpop (xrf0)  }
0x30: {  	v7 =	vadd.s32 v7, v9;
	v9 =	vnsel vm1, $0x0, v10;
	v10 =	vbroadcast v13, $0xF;
	v13, _, _ =	vpop (xrf0)  }
0x31: {  	v7 =	vadd.s32 v9, v7;
	v9 =	vnsel vm2, $0x0, v11;
	v11 =	vbroadcast v13, $0xF;
	v13, _, _ =	vpop (xrf0)  }
0x32: {  	v7 =	vadd.s32 v9, v7;
	v9 =	vnsel vm3, $0x0, v10;
	v10 =	vbroadcast v13, $0xF;
	v13, _, _ =	vpop (xrf0)  }
0x33: {  	v7 =	vadd.s32 v9, v7;
	v9 =	vnsel vm4, $0x0, v11;
	v11 =	vbroadcast v13, $0xF;
	v13, _, _ =	vpop (xrf0)  }
0x34: {  	s28 =	sshra.s32 s26, $0x2;
	(xrf0) =	vadd.scan.msk.s32 $0xffff, v12;
	v7 =	vadd.s32 v9, v7;
	v9 =	vnsel vm5, $0x0, v10;
	v10 =	vbroadcast v13, $0xF;
	v12 =	vmovc v6  }
0x35: {  	v13 =	vsel vm10, $0x1, v1;
	v6 =	vld [tilespmem:s28+$0x0];
	(xrf0) =	vadd.scan.msk.s32 $0xffff, v8;
	v7 =	vadd.s32 v9, v7;
	v8 =	vnsel vm6, $0x0, v11  }
.Ltmp2:
0x36: {  	v9 =	vsel vm12, $0x1, v1;
	(xrf0) =	vadd.scan.msk.s32 $0xffff, v13;
	v7 =	vadd.s32 v8, v7;
	v8 =	vnsel vm7, $0x0, v10;
	(pc) =	sbr.rel @p2 .LBB2_2-.Ltmp2, $4  }
0x37: {  	vm8 =	veq.s32 v12, $0x5;
	v10 =	vsel vm11, $0x1, v1;
	(xrf0) =	vadd.scan.msk.s32 $0xffff, v9;
	v7 =	vadd.s32 v8, v7  }
0x38: {  	v8 =	vsel vm8, $0x1, v1;
	vm8 =	veq.s32 v12, $0x6;
	(xrf0) =	vadd.scan.msk.s32 $0xffff, v10  }
0x39: {  	v10 =	vsel vm8, $0x1, v1;
	vm8 =	veq.s32 v12, $0x7;
	(xrf0) =	vadd.scan.msk.s32 $0xffff, v8  }
0x3a: {  	s26 =	sadd.s32 $0x40, s26;
	v8 =	vsel vm8, $0x1, v1;
	vm12 =	veq.s32 v6, $0x3;
	vm11 =	veq.s32 v6, $0x4;
	v9, _, _ =	vpop (xrf0);
	(xrf0) =	vadd.scan.msk.s32 $0xffff, v10  }
0x3b: {  	vm8 =	veq.s32 v6, $0x1;
	vm9 =	veq.s32 v6, $0x2;
	v9 =	vbroadcast v9, $0xF;
	v10, _, _ =	vpop (xrf0)  }
0x3c: {  	vm10 =	veq.s32 v6, $0x0;
	v46 =	vsel vm11, $0x1, v1;
	v10 =	vbroadcast v10, $0xF;
	v12, _, _ =	vpop (xrf0)  }
0x3d: {  	v13 =	vsel vm10, $0x1, v1;
	v9 =	vnsel vm0, $0x0, v9;
	v12 =	vbroadcast v12, $0xF;
	v14, _, _ =	vpop (xrf0)  }
0x3e: {  	(xrf0) =	vadd.scan.msk.s32 $0xffff, v8;
	v7 =	vadd.s32 v7, v9;
	v8 =	vnsel vm1, $0x0, v10;
	v40 =	vbroadcast v14, $0xF  }
0x3f: {  	v11 =	vsel vm8, $0x1, v1;
	v41, _, _ =	vpop (xrf0);
	(xrf0) =	vadd.scan.msk.s32 $0xffff, v13;
	v7 =	vadd.s32 v8, v7;
	v8 =	vnsel vm2, $0x0, v12  }
0x40: {  	v43 =	vsel vm9, $0x1, v1;
	v42, _, _ =	vpop (xrf0);
	(xrf0) =	vadd.scan.msk.s32 $0xffff, v11;
	v7 =	vadd.s32 v8, v7;
	v8 =	vnsel vm3, $0x0, v40  }
0x41: {  	vm8 =	veq.s32 v6, $0x5;
	(xrf0) =	vadd.scan.msk.s32 $0xffff, v43;
	v7 =	vadd.s32 v8, v7;
	v8 =	vsel vm12, $0x1, v1  }
0x42: {  	v47 =	vsel vm8, $0x1, v1;
	vm8 =	veq.s32 v6, $0x6;
	v10 =	vbroadcast v41, $0xF;
	v45, _, _ =	vpop (xrf0);
	(xrf0) =	vadd.scan.msk.s32 $0xffff, v8  }
0x43: {  	v49 =	vsel vm8, $0x1, v1;
	vm8 =	veq.s32 v6, $0x7;
	v44 =	vbroadcast v42, $0xF;
	(xrf0) =	vadd.scan.msk.s32 $0xffff, v46  }
0x44: {  	v51 =	vsel vm8, $0x1, v1;
	v10 =	vnsel vm4, $0x0, v10;
	v8 =	vbroadcast v45, $0xF;
	v48, _, _ =	vpop (xrf0);
	(xrf0) =	vadd.scan.msk.s32 $0xffff, v47  }
0x45: {  	v7 =	vadd.s32 v10, v7;
	v6 =	vnsel vm5, $0x0, v44;
	v50 =	vbroadcast v48, $0xF;
	v52, _, _ =	vpop (xrf0);
	(xrf0) =	vadd.scan.msk.s32 $0xffff, v49  }
0x46: {  	v6 =	vadd.s32 v6, v7;
	v7 =	vnsel vm6, $0x0, v8;
	v8 =	vbroadcast v52, $0xF;
	v53, _, _ =	vpop (xrf0);
	(xrf0) =	vadd.scan.msk.s32 $0xffff, v51  }
0x47: {  	v6 =	vadd.s32 v7, v6;
	v7 =	vnsel vm7, $0x0, v50;
	v54 =	vbroadcast v53, $0xF;
	v55, _, _ =	vpop (xrf0)  }
0x48: {  	v6 =	vadd.s32 v7, v6;
	v7 =	vnsel vm0, $0x0, v8;
	v8 =	vbroadcast v55, $0xF;
	v56, _, _ =	vpop (xrf0)  }
0x49: {  	v6 =	vadd.s32 v6, v7;
	v7 =	vnsel vm1, $0x0, v54;
	v57 =	vbroadcast v56, $0xF;
	v58, _, _ =	vpop (xrf0)  }
0x4a: {  	v6 =	vadd.s32 v7, v6;
	v7 =	vnsel vm2, $0x0, v8;
	v8 =	vbroadcast v58, $0xF;
	v59, _, _ =	vpop (xrf0)  }
0x4b: {  	v6 =	vadd.s32 v7, v6;
	v7 =	vnsel vm3, $0x0, v57;
	v60 =	vbroadcast v59, $0xF;
	v61, _, _ =	vpop (xrf0)  }
.Ltmp3:
0x4c: {  	v6 =	vadd.s32 v7, v6;
	v7 =	vnsel vm4, $0x0, v8;
	v8 =	vbroadcast v61, $0xF;
	v62, _, _ =	vpop (xrf0);
	(pc) =	sbr.rel @p0 .LBB2_11-.Ltmp3, $4  }
0x4d: {  	v6 =	vadd.s32 v7, v6;
	v7 =	vnsel vm5, $0x0, v60;
	v63 =	vbroadcast v62, $0xF  }
0x4e: {  	v6 =	vadd.s32 v7, v6;
	v7 =	vnsel vm6, $0x0, v8  }
0x4f: {  	v6 =	vadd.s32 v7, v6;
	v7 =	vnsel vm7, $0x0, v63  }
0x50: {  	s26 =	simm.s32 $0x0;
	v6 =	vadd.s32 v7, v6;
	v7 =	vimm.s32 $0x0  }
0x51: {  	v9 =	vld [tilespmem:s26+$0x0]  }
0x52: {  	p3 =	sne.s32 s10, $0x1  }
.Ltmp4:
0x53: {  	_ = 	snop;
	(pc) =	sbr.rel @!p3 .LBB2_5-.Ltmp4, $3  }
0x54: {  	_ =	sdelay $0x1  }
0x55: {  	vm12 =	veq.s32 v9, $0x3  }
0x56: {  	s28 =	sadd.s32 $0xFFFFFFFF, s10;
	p2 =	por $0x0, $0x0;
	vm11 =	veq.s32 v9, $0x4;
	vm10 =	veq.s32 v9, $0x1;
	vm13 =	veq.s32 v9, $0x2  }
0x57: {  	vm8 =	veq.s32 v9, $0x0  }
0x58: {  	s26 =	simm.s32 $0x10;
	v8 =	vsel vm8, $0x1, v1  }
0x59: {  	v10 =	vsel vm10, $0x1, v1;
	(xrf0) =	vadd.scan.msk.s32 $0xffff, v8;
	v8 =	vld [tilespmem:s26+$0x0]  }
0x5a: {  	v11 =	vsel vm13, $0x1, v1;
	(xrf0) =	vadd.scan.msk.s32 $0xffff, v10  }
0x5b: {  	p3 =	sne.s32 s28, $0x1;
	vm8 =	veq.s32 v9, $0x5;
	v10 =	vsel vm12, $0x1, v1;
	(xrf0) =	vadd.scan.msk.s32 $0xffff, v11  }
.Ltmp5:
0x5c: {  	v11 =	vsel vm11, $0x1, v1;
	(xrf0) =	vadd.scan.msk.s32 $0xffff, v10;
	v10 =	vsel vm8, $0x1, v1;
	(pc) =	sbr.rel @!p3 .LBB2_7-.Ltmp5, $4  }
0x5d: {  	vm8 =	veq.s32 v9, $0x6;
	(xrf0) =	vadd.scan.msk.s32 $0xffff, v11  }
0x5e: {  	v11 =	vsel vm8, $0x1, v1;
	vm8 =	veq.s32 v9, $0x7;
	(xrf0) =	vadd.scan.msk.s32 $0xffff, v10;
	vm12 =	veq.s32 v8, $0x3  }
0x5f: {  	vm11 =	veq.s32 v8, $0x4;
	v9 =	vsel vm8, $0x1, v1;
	vm10 =	veq.s32 v8, $0x1;
	v10, _, _ =	vpop (xrf0);
	(xrf0) =	vadd.scan.msk.s32 $0xffff, v11  }
0x60: {  	s28 =	sadd.s32 $0xFFFFFFFF, s28;
	p2 =	por $0x1, $0x1;
	vm13 =	veq.s32 v8, $0x2;
	v11 =	vbroadcast v10, $0xF;
	v12, _, _ =	vpop (xrf0);
	(xrf0) =	vadd.scan.msk.s32 $0xffff, v9;
	v10 =	vimm.s32 $0x0  }
.LBB2_8:
0x61: {  	p3 =	sne.s32 s28, $0x1;
	vm8 =	veq.s32 v8, $0x0;
	v9 =	vsel vm10, $0x1, v1;
	v12 =	vbroadcast v12, $0xF;
	v13, _, _ =	vpop (xrf0)  }
0x62: {  	v14 =	vsel vm8, $0x1, v1;
	v11 =	vnsel vm0, $0x0, v11;
	v13 =	vbroadcast v13, $0xF;
	v15, _, _ =	vpop (xrf0)  }
0x63: {  	v10 =	vadd.s32 v10, v11;
	v11 =	vnsel vm1, $0x0, v12;
	v12 =	vbroadcast v15, $0xF;
	v15, _, _ =	vpop (xrf0)  }
0x64: {  	v10 =	vadd.s32 v11, v10;
	v11 =	vnsel vm2, $0x0, v13;
	v13 =	vbroadcast v15, $0xF;
	v15, _, _ =	vpop (xrf0)  }
0x65: {  	v10 =	vadd.s32 v11, v10;
	v11 =	vnsel vm3, $0x0, v12;
	v12 =	vbroadcast v15, $0xF;
	v15, _, _ =	vpop (xrf0)  }
0x66: {  	v10 =	vadd.s32 v11, v10;
	v11 =	vnsel vm4, $0x0, v13;
	v13 =	vbroadcast v15, $0xF;
	v15, _, _ =	vpop (xrf0)  }
0x67: {  	s26 =	sadd.s32 $0x10, s26;
	(xrf0) =	vadd.scan.msk.s32 $0xffff, v14;
	v10 =	vadd.s32 v11, v10;
	v11 =	vnsel vm5, $0x0, v12;
	v12 =	vbroadcast v15, $0xF;
	v14 =	vmovc v8  }
0x68: {  	v15 =	vsel vm13, $0x1, v1;
	v8 =	vld [tilespmem:s26+$0x0];
	(xrf0) =	vadd.scan.msk.s32 $0xffff, v9;
	v9 =	vadd.s32 v11, v10;
	v10 =	vnsel vm6, $0x0, v13  }
0x69: {  	v11 =	vsel vm12, $0x1, v1;
	(xrf0) =	vadd.scan.msk.s32 $0xffff, v15;
	v9 =	vadd.s32 v10, v9;
	v10 =	vnsel vm7, $0x0, v12  }
.Ltmp6:
0x6a: {  	vm8 =	veq.s32 v14, $0x5;
	v12 =	vsel vm11, $0x1, v1;
	(xrf0) =	vadd.scan.msk.s32 $0xffff, v11;
	v10 =	vadd.s32 v10, v9;
	(pc) =	sbr.rel @p3 .LBB2_8-.Ltmp6, $4  }
0x6b: {  	v9 =	vsel vm8, $0x1, v1;
	vm8 =	veq.s32 v14, $0x6;
	(xrf0) =	vadd.scan.msk.s32 $0xffff, v12  }
0x6c: {  	v11 =	vsel vm8, $0x1, v1;
	vm8 =	veq.s32 v14, $0x7;
	(xrf0) =	vadd.scan.msk.s32 $0xffff, v9  }
0x6d: {  	v9 =	vsel vm8, $0x1, v1;
	vm12 =	veq.s32 v8, $0x3;
	vm11 =	veq.s32 v8, $0x4;
	v12, _, _ =	vpop (xrf0);
	(xrf0) =	vadd.scan.msk.s32 $0xffff, v11  }
0x6e: {  	s28 =	sadd.s32 $0xFFFFFFFF, s28;
	vm10 =	veq.s32 v8, $0x1;
	vm13 =	veq.s32 v8, $0x2;
	v11 =	vbroadcast v12, $0xF;
	v12, _, _ =	vpop (xrf0);
	(xrf0) =	vadd.scan.msk.s32 $0xffff, v9  }
0x6f: {  	v9 =	vmov v8  }
.LBB2_10:
0x70: {  	vm8 =	veq.s32 v9, $0x0;
	v8 =	vbroadcast @p2 v12, $0xF;
	v12, _, _ =	vpop @p2 (xrf0)  }
0x71: {  	v13 =	vsel vm10, $0x1, v1;
	v11 =	vnsel @p2 vm0, $0x0, v11;
	v12 =	vbroadcast @p2 v12, $0xF;
	v14, _, _ =	vpop @p2 (xrf0)  }
0x72: {  	v10 =	vadd.s32 @p2 v10, v11;
	v41 =	vsel vm8, $0x1, v1;
	v8 =	vnsel @p2 vm1, $0x0, v8;
	v15, _, _ =	vpop @p2 (xrf0)  }
0x73: {  	v8 =	vadd.s32 @p2 v8, v10;
	v10 =	vnsel @p2 vm2, $0x0, v12;
	v12 =	vbroadcast @p2 v15, $0xF  }
0x74: {  	v42 =	vsel vm13, $0x1, v1;
	v43 =	vsel vm12, $0x1, v1;
	v11 =	vbroadcast @p2 v14, $0xF;
	(xrf0) =	vadd.scan.msk.s32 $0xffff, v41  }
0x75: {  	v44 =	vsel vm11, $0x1, v1;
	vm8 =	veq.s32 v9, $0x5;
	v15, _, _ =	vpop @p2 (xrf0);
	(xrf0) =	vadd.scan.msk.s32 $0xffff, v13;
	v12 =	vnsel @p2 vm4, $0x0, v12  }
0x76: {  	v45 =	vsel vm8, $0x1, v1;
	v8 =	vadd.s32 @p2 v10, v8;
	v10 =	vnsel @p2 vm3, $0x0, v11;
	(xrf0) =	vadd.scan.msk.s32 $0xffff, v42  }
0x77: {  	vm8 =	veq.s32 v9, $0x6;
	v11 =	vbroadcast @p2 v15, $0xF;
	v14, _, _ =	vpop @p2 (xrf0);
	v8 =	vadd.s32 @p2 v10, v8;
	(xrf0) =	vadd.scan.msk.s32 $0xffff, v43  }
0x78: {  	v46 =	vsel vm8, $0x1, v1;
	v13 =	vbroadcast @p2 v14, $0xF;
	v8 =	vadd.s32 @p2 v12, v8;
	v12, _, _ =	vpop @p2 (xrf0);
	(xrf0) =	vadd.scan.msk.s32 $0xffff, v44  }
0x79: {  	vm8 =	veq.s32 v9, $0x7;
	v11 =	vnsel @p2 vm5, $0x0, v11;
	v10 =	vbroadcast @p2 v12, $0xF;
	(xrf0) =	vadd.scan.msk.s32 $0xffff, v45  }
0x7a: {  	v47 =	vsel vm8, $0x1, v1;
	v8 =	vadd.s32 @p2 v11, v8;
	v9 =	vnsel @p2 vm6, $0x0, v13;
	v48, _, _ =	vpop (xrf0);
	(xrf0) =	vadd.scan.msk.s32 $0xffff, v46  }
0x7b: {  	v8 =	vadd.s32 @p2 v9, v8;
	v49 =	vbroadcast v48, $0xF;
	v50, _, _ =	vpop (xrf0);
	v9 =	vnsel @p2 vm7, $0x0, v10;
	(xrf0) =	vadd.scan.msk.s32 $0xffff, v47  }
0x7c: {  	v51 =	vbroadcast v50, $0xF;
	v52, _, _ =	vpop (xrf0);
	v8 =	vadd.s32 @p2 v9, v8  }
0x7d: {  	v53 =	vbroadcast v52, $0xF;
	v54, _, _ =	vpop (xrf0);
	v7 =	vpsel p2, v8, v7;
	v8 =	vnsel vm0, $0x0, v49  }
0x7e: {  	v55 =	vbroadcast v54, $0xF;
	v7 =	vadd.s32 v7, v8;
	v8 =	vnsel vm1, $0x0, v51;
	v56, _, _ =	vpop (xrf0)  }
0x7f: {  	v7 =	vadd.s32 v8, v7;
	v8 =	vnsel vm2, $0x0, v53;
	v57 =	vbroadcast v56, $0xF;
	v58, _, _ =	vpop (xrf0)  }
0x80: {  	v7 =	vadd.s32 v8, v7;
	v8 =	vnsel vm3, $0x0, v55;
	v59 =	vbroadcast v58, $0xF;
	v60, _, _ =	vpop (xrf0)  }
0x81: {  	v7 =	vadd.s32 v8, v7;
	v8 =	vnsel vm4, $0x0, v57;
	v61 =	vbroadcast v60, $0xF;
	v62, _, _ =	vpop (xrf0)  }
0x82: {  	v7 =	vadd.s32 v8, v7;
	v8 =	vnsel vm5, $0x0, v59;
	v63 =	vbroadcast v62, $0xF  }
0x83: {  	v7 =	vadd.s32 v8, v7;
	v8 =	vnsel vm6, $0x0, v61  }
0x84: {  	v7 =	vadd.s32 v8, v7;
	v8 =	vnsel vm7, $0x0, v63  }
0x85: {  	v7 =	vadd.s32 v8, v7  }
.LBB2_11:
0x86: {  	v8 =	vld [tilespmem:$0x1FFE0];
	_ =	sdelay $0x3  }
0x87: {  	v6 =	vadd.s32 $0xFF, v6  }
0x88: {  	v6 =	vand.u32 $0xFFFFFF00, v6;
	vm8 =	vnez.u8 v8  }
0x89: {  	v8 =	vnsel vm8, $0x0, v6  }
0x8a: {  	(xrf0) =	vadd.scan.msk.s32 $0xffff, v8;
	_ =	sdelay $0x5  }
0x8b: {  	v6, _, _ =	vpop (xrf0)  }
0x8c: {  	s26 =	simm.s32 $0x0;
	v8 =	vsub.s32 v6, v8  }
0x8d: {  	v7 =	vadd.s32 v7, v8;
	v8 =	vld.idx.msk [tilespmem:v0+s26+$0x0 ss:$0x1], $0xffff;
	_ =	sdelay $0x2  }
0x8e: {  	s28 =	simm.s32 $0x40  }
.LBB2_12:
0x8f: {  	p2 =	sne.s32 s28, $0x1C0;
	s29 =	smov.u32 s28;
	s28 =	sadd.s32 $0x40, s28  }
0x90: {  	vm9 =	veq.s32 v8, $0x0;
	vm12 =	veq.s32 v8, $0x4;
	vm13 =	veq.s32 v8, $0x6  }
0x91: {  	vm15 =	veq.s32 v8, $0x3;
	v9 =	vsel vm9, $0x1, v1;
	v10 =	vsel vm12, $0x1, v1  }
0x92: {  	vm8 =	veq.s32 v8, $0x1;
	vm14 =	veq.s32 v8, $0x2;
	vm11 =	veq.s32 v8, $0x5;
	(xrf0) =	vadd.scan.msk.s32 $0xffff, v9  }
0x93: {  	s29 =	sshra.s32 s29, $0x2;
	v11 =	vsel vm8, $0x1, v1;
	v12 =	vsel vm14, $0x1, v1;
	v13 =	vsel vm15, $0x1, v1;
	(xrf0) =	vadd.scan.msk.s32 $0xffff, v10  }
0x94: {  	v14 =	vsel vm11, $0x1, v1;
	(xrf0) =	vadd.scan.msk.s32 $0xffff, v11  }
0x95: {  	(xrf0) =	vadd.scan.msk.s32 $0xffff, v13  }
0x96: {  	v15 =	vsel vm13, $0x1, v1;
	(xrf0) =	vadd.scan.msk.s32 $0xffff, v12  }
0x97: {  	(xrf0) =	vadd.scan.msk.s32 $0xffff, v15  }
0x98: {  	v16 =	vperm.xlane v7, v8;
	vm10 =	veq.s32 v8, $0x7;
	v8, _, _ =	vpop (xrf0);
	(xrf0) =	vadd.scan.msk.s32 $0xffff, v14  }
0x99: {  	v17 =	vsel vm10, $0x1, v1;
	v9 =	vsub.s32 v8, v9;
	v8 =	vbroadcast v8, $0xF;
	v18, _, _ =	vpop (xrf0)  }
0x9a: {  	v9 =	vnsel vm9, $0x0, v9;
	v10 =	vsub.s32 v18, v10;
	v18 =	vbroadcast v18, $0xF;
	v19, _, _ =	vpop (xrf0);
	(xrf0) =	vadd.scan.msk.s32 $0xffff, v17  }
0x9b: {  	v8 =	vnsel vm0, $0x0, v8;
	v11 =	vsub.s32 v19, v11;
	v19 =	vbroadcast v19, $0xF;
	v20, _, _ =	vpop (xrf0)  }
0x9c: {  	v7 =	vadd.s32 v7, v8;
	v8 =	vnsel vm8, $0x0, v11;
	v11 =	vsub.s32 v20, v13;
	v13, _, _ =	vpop (xrf0)  }
0x9d: {  	v12 =	vsub.s32 v13, v12;
	v11 =	vnsel vm15, $0x0, v11;
	v8 =	vadd.s32 v16, v8;
	v16, _, _ =	vpop (xrf0)  }
0x9e: {  	v12 =	vnsel vm14, $0x0, v12;
	v15 =	vsub.s32 v16, v15;
	v8 =	vadd.s32 v9, v8;
	v9, _, _ =	vpop (xrf0)  }
0x9f: {  	v13 =	vbroadcast v13, $0xF;
	v15 =	vnsel vm13, $0x0, v15;
	v8 =	vadd.s32 v12, v8  }
0xa0: {  	v10 =	vnsel vm12, $0x0, v10;
	v12 =	vnsel vm1, $0x0, v19;
	v8 =	vadd.s32 v11, v8;
	v11, _, _ =	vpop (xrf0)  }
0xa1: {  	v14 =	vsub.s32 v9, v14;
	v17 =	vsub.s32 v11, v17;
	v8 =	vadd.s32 v10, v8  }
0xa2: {  	v7 =	vadd.s32 v12, v7;
	v10 =	vnsel vm2, $0x0, v13;
	v12 =	vnsel vm10, $0x0, v17  }
0xa3: {  	v11 =	vbroadcast v11, $0xF;
	v7 =	vadd.s32 v10, v7;
	v10 =	vnsel vm11, $0x0, v14  }
0xa4: {  	v9 =	vbroadcast v9, $0xF;
	v13 =	vbroadcast v20, $0xF;
	v8 =	vadd.s32 v10, v8  }
0xa5: {  	v10 =	vbroadcast v16, $0xF;
	v8 =	vadd.s32 v15, v8  }
0xa6: {  	v14 =	vnsel vm4, $0x0, v18;
	v13 =	vnsel vm3, $0x0, v13;
	v8 =	vadd.s32 v12, v8  }
.Ltmp7:
0xa7: {  	v9 =	vnsel vm5, $0x0, v9;
	v7 =	vadd.s32 v13, v7;
	[tilespmem:s26+$0x11000] =	vst v8;
	s26 =	smov.u32 s29;
	(pc) =	sbr.rel @p2 .LBB2_12-.Ltmp7, $4  }
0xa8: {  	v7 =	vadd.s32 v14, v7;
	v8 =	vld.idx.msk [tilespmem:v0+s26+$0x0 ss:$0x1], $0xffff  }
0xa9: {  	v7 =	vadd.s32 v9, v7;
	v9 =	vnsel vm6, $0x0, v10;
	v10 =	vnsel vm7, $0x0, v11  }
0xaa: {  	v7 =	vadd.s32 v9, v7  }
0xab: {  	v7 =	vadd.s32 v10, v7  }
0xac: {  	_ = 	snop  }
0xad: {  	vm10 =	veq.s32 v8, $0x0  }
0xae: {  	vm8 =	veq.s32 v8, $0x4;
	v9 =	vsel vm10, $0x1, v1  }
0xaf: {  	vm14 =	veq.s32 v8, $0x1;
	v10 =	vsel vm8, $0x1, v1;
	(xrf0) =	vadd.scan.msk.s32 $0xffff, v9  }
0xb0: {  	vm11 =	veq.s32 v8, $0x3;
	v11 =	vsel vm14, $0x1, v1;
	(xrf0) =	vadd.scan.msk.s32 $0xffff, v10  }
0xb1: {  	vm15 =	veq.s32 v8, $0x2;
	v12 =	vsel vm11, $0x1, v1;
	(xrf0) =	vadd.scan.msk.s32 $0xffff, v11  }
0xb2: {  	v13 =	vsel vm15, $0x1, v1;
	(xrf0) =	vadd.scan.msk.s32 $0xffff, v12  }
0xb3: {  	vm9 =	veq.s32 v8, $0x6;
	(xrf0) =	vadd.scan.msk.s32 $0xffff, v13  }
0xb4: {  	vm12 =	veq.s32 v8, $0x5;
	v14 =	vsel vm9, $0x1, v1  }
0xb5: {  	v15 =	vsel vm12, $0x1, v1;
	(xrf0) =	vadd.scan.msk.s32 $0xffff, v14;
	v16, _, _ =	vpop (xrf0)  }
0xb6: {  	vm13 =	veq.s32 v8, $0x7;
	(xrf0) =	vadd.scan.msk.s32 $0xffff, v15;
	v17, _, _ =	vpop (xrf0)  }
0xb7: {  	v18 =	vsel vm13, $0x1, v1;
	v19, _, _ =	vpop (xrf0)  }
0xb8: {  	v7 =	vperm.xlane v7, v8;
	(xrf0) =	vadd.scan.msk.s32 $0xffff, v18;
	v8 =	vsub.s32 v19, v11;
	v52, _, _ =	vpop (xrf0)  }
0xb9: {  	v9 =	vsub.s32 v16, v9;
	v8 =	vnsel vm14, $0x0, v8;
	v53, _, _ =	vpop (xrf0)  }
0xba: {  	v13 =	vsub.s32 v53, v13;
	v7 =	vadd.s32 v7, v8;
	v8 =	vnsel vm10, $0x0, v9  }
0xbb: {  	v54 =	vsub.s32 v52, v12;
	v55, _, _ =	vpop (xrf0);
	v56 =	vnsel vm15, $0x0, v13;
	v7 =	vadd.s32 v8, v7  }
0xbc: {  	v9 =	vnsel vm11, $0x0, v54;
	v8 =	vsub.s32 v17, v10;
	v57, _, _ =	vpop (xrf0);
	v7 =	vadd.s32 v56, v7  }
0xbd: {  	v8 =	vnsel vm8, $0x0, v8;
	v58 =	vsub.s32 v57, v15;
	v7 =	vadd.s32 v9, v7  }
0xbe: {  	v59 =	vsub.s32 v55, v14;
	v60, _, _ =	vpop (xrf0);
	v7 =	vadd.s32 v8, v7;
	v8 =	vnsel vm12, $0x0, v58  }
0xbf: {  	v61 =	vnsel vm9, $0x0, v59;
	v62 =	vsub.s32 v60, v18;
	v7 =	vadd.s32 v8, v7  }
0xc0: {  	v8 =	vnsel vm13, $0x0, v62;
	v7 =	vadd.s32 v61, v7  }
0xc1: {  	v7 =	vadd.s32 v8, v7  }
0xc2: {  	[tilespmem:s26+$0x11000] =	vst v7  }
0xc3: {  	v7 =	vld [tilespmem:$0x11000];
	_ =	sdelay $0x4  }
0xc4: {  	v8 =	vshll.u32 v7, $0x2  }
0xc5: {  	v7 =	vand.u32 $0x7, v7;
	v8 =	vand.u32 $0xFFFFFFE0, v8  }
0xc6: {  	v7 =	vor.u32 v7, v8  }
0xc7: {  	v8 =	vperm.xlane v7, v3  }
0xc8: {  	v63 =	vld [tilespmem:$0x1FFF0]  }
0xc9: {  	v8 =	vadd.s32 v4, v8;
	_ =	sdelay $0x1  }
0xca: {  	v7 =	vperm.xlane v7, v5;
	_ =	sdelay $0x1  }
0xcb: {  	vm8 =	vnez.u8 v63;
	v7 =	vadd.s32 v4, v7  }
0xcc: {  	[hbm4b:s4+s2] =	stream.indirect_vreg.scatter [tilespmem:s12], [sflag:$0x1], $0x80, v8, vm8, $0xb8;
	[tilespmem:$0x11100] =	vst v63  }
0xcd: {  	_ = 	snop  }
0xce: {  	[hbm4b:s7+s2] =	stream.indirect_vreg.scatter [tilespmem:s30], [sflag:$0x1], $0x80, v8, vm8, $0xb8;
	[tilespmem:$0x11100] =	vst v63  }
0xcf: {  	_ = 	snop  }
0xd0: {  	[hbm4b:s4+s2] =	stream.indirect_vreg.scatter [tilespmem:s31], [sflag:$0x1], $0x80, v7, vm8, $0xb8;
	[tilespmem:$0x11100] =	vst v63  }
0xd1: {  	s28 =	simm.s32 $0x2800  }
0xd2: {  	[hbm4b:s7+s2] =	stream.indirect_vreg.scatter [tilespmem:s28], [sflag:$0x1], $0x80, v7, vm8, $0xb8;
	[tilespmem:$0x11100] =	vst v63  }
0xd3: {  	v7 =	vld [tilespmem:$0x11010];
	_ =	sdelay $0x4  }
0xd4: {  	v8 =	vshll.u32 v7, $0x2  }
0xd5: {  	v7 =	vand.u32 $0x7, v7;
	v8 =	vand.u32 $0xFFFFFFE0, v8  }
0xd6: {  	v7 =	vor.u32 v7, v8  }
0xd7: {  	v8 =	vperm.xlane v7, v3;
	_ =	sdelay $0x1  }
0xd8: {  	v8 =	vadd.s32 v4, v8;
	_ =	sdelay $0x1  }
0xd9: {  	v7 =	vperm.xlane v7, v5;
	_ =	sdelay $0x1  }
0xda: {  	s29 =	simm.s32 $0x3000;
	v7 =	vadd.s32 v4, v7  }
0xdb: {  	[hbm4b:s4+s2] =	stream.indirect_vreg.scatter [tilespmem:s29], [sflag:$0x1], $0x80, v8, vm8, $0xb8;
	[tilespmem:$0x11100] =	vst v63  }
0xdc: {  	s28 =	simm.s32 $0x3800  }
0xdd: {  	[hbm4b:s7+s2] =	stream.indirect_vreg.scatter [tilespmem:s28], [sflag:$0x1], $0x80, v8, vm8, $0xb8;
	[tilespmem:$0x11100] =	vst v63  }
0xde: {  	s29 =	simm.s32 $0x4000  }
0xdf: {  	[hbm4b:s4+s2] =	stream.indirect_vreg.scatter [tilespmem:s29], [sflag:$0x1], $0x80, v7, vm8, $0xb8;
	[tilespmem:$0x11100] =	vst v63  }
0xe0: {  	s28 =	simm.s32 $0x4800  }
0xe1: {  	[hbm4b:s7+s2] =	stream.indirect_vreg.scatter [tilespmem:s28], [sflag:$0x1], $0x80, v7, vm8, $0xb8;
	[tilespmem:$0x11100] =	vst v63  }
0xe2: {  	v7 =	vld [tilespmem:$0x11020];
	_ =	sdelay $0x4  }
0xe3: {  	v8 =	vshll.u32 v7, $0x2  }
0xe4: {  	v7 =	vand.u32 $0x7, v7;
	v8 =	vand.u32 $0xFFFFFFE0, v8  }
0xe5: {  	v7 =	vor.u32 v7, v8  }
0xe6: {  	v8 =	vperm.xlane v7, v3;
	_ =	sdelay $0x1  }
0xe7: {  	v8 =	vadd.s32 v4, v8;
	_ =	sdelay $0x1  }
0xe8: {  	v7 =	vperm.xlane v7, v5;
	_ =	sdelay $0x1  }
0xe9: {  	s29 =	simm.s32 $0x5000;
	v7 =	vadd.s32 v4, v7  }
0xea: {  	[hbm4b:s4+s2] =	stream.indirect_vreg.scatter [tilespmem:s29], [sflag:$0x1], $0x80, v8, vm8, $0xb8;
	[tilespmem:$0x11100] =	vst v63  }
0xeb: {  	s28 =	simm.s32 $0x5800  }
0xec: {  	[hbm4b:s7+s2] =	stream.indirect_vreg.scatter [tilespmem:s28], [sflag:$0x1], $0x80, v8, vm8, $0xb8;
	[tilespmem:$0x11100] =	vst v63  }
0xed: {  	s29 =	simm.s32 $0x6000  }
0xee: {  	[hbm4b:s4+s2] =	stream.indirect_vreg.scatter [tilespmem:s29], [sflag:$0x1], $0x80, v7, vm8, $0xb8;
	[tilespmem:$0x11100] =	vst v63  }
0xef: {  	s28 =	simm.s32 $0x6800  }
0xf0: {  	[hbm4b:s7+s2] =	stream.indirect_vreg.scatter [tilespmem:s28], [sflag:$0x1], $0x80, v7, vm8, $0xb8;
	[tilespmem:$0x11100] =	vst v63  }
0xf1: {  	v7 =	vld [tilespmem:$0x11030];
	_ =	sdelay $0x4  }
0xf2: {  	v8 =	vshll.u32 v7, $0x2  }
0xf3: {  	v7 =	vand.u32 $0x7, v7;
	v8 =	vand.u32 $0xFFFFFFE0, v8  }
0xf4: {  	v7 =	vor.u32 v7, v8  }
0xf5: {  	v8 =	vperm.xlane v7, v3;
	_ =	sdelay $0x1  }
0xf6: {  	v8 =	vadd.s32 v4, v8;
	_ =	sdelay $0x1  }
0xf7: {  	v7 =	vperm.xlane v7, v5;
	_ =	sdelay $0x1  }
0xf8: {  	s29 =	simm.s32 $0x7000;
	v7 =	vadd.s32 v4, v7  }
0xf9: {  	[hbm4b:s4+s2] =	stream.indirect_vreg.scatter [tilespmem:s29], [sflag:$0x1], $0x80, v8, vm8, $0xb8;
	[tilespmem:$0x11100] =	vst v63  }
0xfa: {  	s28 =	simm.s32 $0x7800  }
0xfb: {  	[hbm4b:s7+s2] =	stream.indirect_vreg.scatter [tilespmem:s28], [sflag:$0x1], $0x80, v8, vm8, $0xb8;
	[tilespmem:$0x11100] =	vst v63  }
0xfc: {  	s29 =	simm.s32 $0x8000  }
0xfd: {  	[hbm4b:s4+s2] =	stream.indirect_vreg.scatter [tilespmem:s29], [sflag:$0x1], $0x80, v7, vm8, $0xb8;
	[tilespmem:$0x11100] =	vst v63  }
0xfe: {  	s28 =	simm.s32 $0x8800  }
0xff: {  	[hbm4b:s7+s2] =	stream.indirect_vreg.scatter [tilespmem:s28], [sflag:$0x1], $0x80, v7, vm8, $0xb8;
	[tilespmem:$0x11100] =	vst v63  }
0x100: {  	v7 =	vld [tilespmem:$0x11040];
	_ =	sdelay $0x4  }
0x101: {  	v8 =	vshll.u32 v7, $0x2  }
0x102: {  	v7 =	vand.u32 $0x7, v7;
	v8 =	vand.u32 $0xFFFFFFE0, v8  }
0x103: {  	v7 =	vor.u32 v7, v8  }
0x104: {  	v8 =	vperm.xlane v7, v3;
	_ =	sdelay $0x1  }
0x105: {  	v8 =	vadd.s32 v4, v8;
	_ =	sdelay $0x1  }
0x106: {  	v7 =	vperm.xlane v7, v5;
	_ =	sdelay $0x1  }
0x107: {  	s29 =	simm.s32 $0x9000;
	v7 =	vadd.s32 v4, v7  }
0x108: {  	[hbm4b:s4+s2] =	stream.indirect_vreg.scatter [tilespmem:s29], [sflag:$0x1], $0x80, v8, vm8, $0xb8;
	[tilespmem:$0x11100] =	vst v63  }
0x109: {  	s28 =	simm.s32 $0x9800  }
0x10a: {  	[hbm4b:s7+s2] =	stream.indirect_vreg.scatter [tilespmem:s28], [sflag:$0x1], $0x80, v8, vm8, $0xb8;
	[tilespmem:$0x11100] =	vst v63  }
0x10b: {  	s29 =	simm.s32 $0xA000  }
0x10c: {  	[hbm4b:s4+s2] =	stream.indirect_vreg.scatter [tilespmem:s29], [sflag:$0x1], $0x80, v7, vm8, $0xb8;
	[tilespmem:$0x11100] =	vst v63  }
0x10d: {  	_ = 	snop  }
0x10e: {  	[hbm4b:s7+s2] =	stream.indirect_vreg.scatter [tilespmem:s0], [sflag:$0x1], $0x80, v7, vm8, $0xb8;
	[tilespmem:$0x11100] =	vst v63  }
0x10f: {  	v7 =	vld [tilespmem:$0x11050];
	_ =	sdelay $0x4  }
0x110: {  	v8 =	vshll.u32 v7, $0x2  }
0x111: {  	v7 =	vand.u32 $0x7, v7;
	v8 =	vand.u32 $0xFFFFFFE0, v8  }
0x112: {  	v7 =	vor.u32 v7, v8  }
0x113: {  	v8 =	vperm.xlane v7, v3;
	_ =	sdelay $0x1  }
0x114: {  	v8 =	vadd.s32 v4, v8;
	_ =	sdelay $0x1  }
0x115: {  	v7 =	vperm.xlane v7, v5;
	_ =	sdelay $0x1  }
0x116: {  	v7 =	vadd.s32 v4, v7  }
0x117: {  	[hbm4b:s4+s2] =	stream.indirect_vreg.scatter [tilespmem:s1], [sflag:$0x1], $0x80, v8, vm8, $0xb8;
	[tilespmem:$0x11100] =	vst v63  }
0x118: {  	_ = 	snop  }
0x119: {  	[hbm4b:s7+s2] =	stream.indirect_vreg.scatter [tilespmem:s5], [sflag:$0x1], $0x80, v8, vm8, $0xb8;
	[tilespmem:$0x11100] =	vst v63  }
0x11a: {  	_ = 	snop  }
0x11b: {  	[hbm4b:s4+s2] =	stream.indirect_vreg.scatter [tilespmem:s13], [sflag:$0x1], $0x80, v7, vm8, $0xb8;
	[tilespmem:$0x11100] =	vst v63  }
0x11c: {  	_ = 	snop  }
0x11d: {  	[hbm4b:s7+s2] =	stream.indirect_vreg.scatter [tilespmem:s14], [sflag:$0x1], $0x80, v7, vm8, $0xb8;
	[tilespmem:$0x11100] =	vst v63  }
0x11e: {  	v7 =	vld [tilespmem:$0x11060];
	_ =	sdelay $0x4  }
0x11f: {  	v8 =	vshll.u32 v7, $0x2  }
0x120: {  	v7 =	vand.u32 $0x7, v7;
	v8 =	vand.u32 $0xFFFFFFE0, v8  }
0x121: {  	v7 =	vor.u32 v7, v8  }
0x122: {  	v8 =	vperm.xlane v7, v3;
	_ =	sdelay $0x1  }
0x123: {  	v8 =	vadd.s32 v4, v8;
	_ =	sdelay $0x1  }
0x124: {  	v7 =	vperm.xlane v7, v5;
	_ =	sdelay $0x1  }
0x125: {  	v7 =	vadd.s32 v4, v7  }
0x126: {  	[hbm4b:s4+s2] =	stream.indirect_vreg.scatter [tilespmem:s15], [sflag:$0x1], $0x80, v8, vm8, $0xb8;
	[tilespmem:$0x11100] =	vst v63  }
0x127: {  	_ = 	snop  }
0x128: {  	[hbm4b:s7+s2] =	stream.indirect_vreg.scatter [tilespmem:s16], [sflag:$0x1], $0x80, v8, vm8, $0xb8;
	[tilespmem:$0x11100] =	vst v63  }
0x129: {  	_ = 	snop  }
0x12a: {  	[hbm4b:s4+s2] =	stream.indirect_vreg.scatter [tilespmem:s17], [sflag:$0x1], $0x80, v7, vm8, $0xb8;
	[tilespmem:$0x11100] =	vst v63  }
0x12b: {  	_ = 	snop  }
0x12c: {  	[hbm4b:s7+s2] =	stream.indirect_vreg.scatter [tilespmem:s18], [sflag:$0x1], $0x80, v7, vm8, $0xb8;
	[tilespmem:$0x11100] =	vst v63  }
0x12d: {  	v7 =	vld [tilespmem:$0x11070];
	_ =	sdelay $0x4  }
0x12e: {  	v8 =	vshll.u32 v7, $0x2  }
0x12f: {  	v7 =	vand.u32 $0x7, v7;
	v8 =	vand.u32 $0xFFFFFFE0, v8  }
0x130: {  	v7 =	vor.u32 v7, v8  }
0x131: {  	v8 =	vperm.xlane v7, v3;
	_ =	sdelay $0x1  }
0x132: {  	v8 =	vadd.s32 v4, v8;
	_ =	sdelay $0x1  }
0x133: {  	v7 =	vperm.xlane v7, v5;
	_ =	sdelay $0x1  }
0x134: {  	v7 =	vadd.s32 v4, v7  }
0x135: {  	[hbm4b:s4+s2] =	stream.indirect_vreg.scatter [tilespmem:s19], [sflag:$0x1], $0x80, v8, vm8, $0xb8;
	[tilespmem:$0x11100] =	vst v63  }
0x136: {  	_ = 	snop  }
0x137: {  	[hbm4b:s7+s2] =	stream.indirect_vreg.scatter [tilespmem:s20], [sflag:$0x1], $0x80, v8, vm8, $0xb8;
	[tilespmem:$0x11100] =	vst v63  }
0x138: {  	_ = 	snop  }
0x139: {  	[hbm4b:s4+s2] =	stream.indirect_vreg.scatter [tilespmem:s21], [sflag:$0x1], $0x80, v7, vm8, $0xb8;
	[tilespmem:$0x11100] =	vst v63  }
0x13a: {  	_ = 	snop  }
0x13b: {  	[hbm4b:s7+s2] =	stream.indirect_vreg.scatter [tilespmem:s22], [sflag:$0x1], $0x80, v7, vm8, $0xb8;
	[tilespmem:$0x11100] =	vst v63  }
0x13c: {  	_ =	swait.ge [sflag:s23], $0x10000  }
0x13d: {  	[sflag:s23] =	ssyncset.done $0x0  }
.Ltmp8:
0x13e: {  	[sflag:s23] =	ssyncadd.s32 $0xFFFF0000;
	(pc) =	sbr.rel @p1 .LBB2_15-.Ltmp8, $4  }
0x13f: {  	[hbm4b:s8+s2] =	stream.linear.scatter [tilespmem:s24], [sflag:$0x2], $0x80, $0x38;
	[tilespmem:$0x11100] =	vst v63  }
0x140: {  	_ =	swait.ge [sflag:s11], $0x80  }
0x141: {  	[sflag:s11] =	ssyncset.done $0x0  }
0x142: {  	[sflag:s11] =	ssyncadd.s32 $0xFFFFFF80  }
0x143: {  	(v2sf) =	vpush v6, $0x7;
	_ =	sdelay $0x1  }
0x144: {  	(v2sf) =	vpush v6, $0x0  }
0x145: {  	(v2sf) =	vpush v6, $0x1  }
0x146: {  	(v2sf) =	vpush v6, $0x2;
	_ =	sdelay $0x1  }
0x147: {  	(v2sf) =	vpush v6, $0x3;
	_ =	sdelay $0x1  }
0x148: {  	(v2sf) =	vpush v6, $0x4;
	_ =	sdelay $0x1  }
0x149: {  	(v2sf) =	vpush v6, $0x5  }
0x14a: {  	v7 =	vmul.u32 $0x100, v2  }
0x14b: {  	v8 =	vbroadcast v6, $0x0;
	v9 =	vbroadcast v6, $0x1;
	(v2sf) =	vpush v6, $0x6  }
0x14c: {  	v11 =	vbroadcast v6, $0x2;
	v14 =	vbroadcast v6, $0x3  }
0x14d: {  	v15 =	vbroadcast v6, $0x4;
	v16 =	vbroadcast v6, $0x5;
	v10 =	vor.u32 $0x1, v7  }
0x14e: {  	v18 =	vbroadcast v6, $0x6;
	v7 =	vor.u32 $0x1001, v7;
	vm8 =	vlt.s32 v8, v10;
	s26 =	spop (v2sf)  }
0x14f: {  	vm9 =	vlt.s32 v9, v10;
	vm15 =	vlt.s32 v8, v7;
	v12 =	vsel vm8, $0x1, v1;
	s28 =	sand.u32 $0xFFFFFF00, s26  }
0x150: {  	v13 =	vsel vm9, $0x1, v1;
	vm8 =	vlt.s32 v11, v10;
	v54 =	vsel vm15, $0x1, v1;
	s29 =	spop (v2sf);
	s31 =	sshra.s32 s26, $0x8;
	s28 =	sadd.s32 $0xFFFFFF00, s28  }
0x151: {  	v12 =	vadd.s32 v13, v12;
	v48 =	vsel vm8, $0x1, v1;
	vm8 =	vlt.s32 v14, v10;
	s30 =	spop (v2sf);
	p2 =	sge.s32 s28, s29;
	s29 =	simm.s32 $0x1  }
0x152: {  	v49 =	vsel vm8, $0x1, v1;
	vm8 =	vlt.s32 v15, v10;
	v17 =	vmov s31;
	p3 =	sge.s32 s28, s30;
	s30 =	simm.s32 $0x1;
	s31 =	spop (v2sf)  }
0x153: {  	v50 =	vsel vm8, $0x1, v1;
	vm8 =	vlt.s32 v16, v10;
	v6 =	vbroadcast v6, $0x7;
	s29 =	simm.s32 @!p2 $0x0;
	s30 =	simm.s32 @!p3 $0x0;
	p2 =	sge.s32 s28, s31  }
0x154: {  	v12 =	vadd.s32 v48, v12;
	v51 =	vsel vm8, $0x1, v1;
	vm8 =	vlt.s32 v18, v10;
	s31 =	simm.s32 $0x1;
	s29 =	sadd.s32 s30, s29;
	s30 =	spop (v2sf)  }
0x155: {  	v12 =	vadd.s32 v49, v12;
	v52 =	vsel vm8, $0x1, v1;
	vm8 =	vlt.s32 v6, v10;
	s31 =	simm.s32 @!p2 $0x0;
	p2 =	sge.s32 s28, s30  }
0x156: {  	v12 =	vadd.s32 v50, v12;
	v53 =	vsel vm8, $0x1, v1;
	vm8 =	vlt.s32 v9, v7;
	s30 =	simm.s32 $0x1;
	s29 =	sadd.s32 s31, s29;
	s31 =	spop (v2sf)  }
0x157: {  	v12 =	vadd.s32 v51, v12;
	v9 =	vsel vm8, $0x1, v1;
	vm8 =	vlt.s32 v11, v7;
	s30 =	simm.s32 @!p2 $0x0;
	p2 =	sge.s32 s28, s31  }
0x158: {  	v9 =	vadd.s32 v9, v54;
	v55 =	vsel vm8, $0x1, v1;
	vm8 =	vlt.s32 v14, v7;
	s31 =	simm.s32 $0x1;
	s29 =	sadd.s32 s30, s29;
	s30 =	spop (v2sf)  }
0x159: {  	v9 =	vadd.s32 v55, v9;
	v56 =	vsel vm8, $0x1, v1;
	vm8 =	vlt.s32 v15, v7;
	s31 =	simm.s32 @!p2 $0x0;
	p2 =	sge.s32 s28, s30;
	s30 =	simm.s32 $0x1  }
0x15a: {  	v9 =	vadd.s32 v56, v9;
	v57 =	vsel vm8, $0x1, v1;
	vm8 =	vlt.s32 v16, v7;
	s29 =	sadd.s32 s31, s29;
	s31 =	spop (v2sf);
	s30 =	simm.s32 @!p2 $0x0  }
0x15b: {  	v9 =	vadd.s32 v57, v9;
	v58 =	vsel vm8, $0x1, v1;
	vm8 =	vlt.s32 v18, v7;
	p2 =	sge.s32 s28, s31;
	s29 =	sadd.s32 s30, s29;
	s30 =	simm.s32 $0x1  }
0x15c: {  	v63 =	vld [tilespmem:$0x1FFE0];
	v9 =	vadd.s32 v58, v9;
	v59 =	vsel vm8, $0x1, v1;
	vm8 =	vlt.s32 v6, v7;
	s30 =	simm.s32 @!p2 $0x0;
	p2 =	sge.s32 s28, s26;
	s26 =	simm.s32 $0x1  }
0x15d: {  	v6 =	vadd.s32 v52, v12;
	v7 =	vadd.s32 v59, v9;
	v60 =	vsel vm8, $0x1, v1;
	s29 =	sadd.s32 s30, s29;
	s26 =	simm.s32 @!p2 $0x0  }
0x15e: {  	v61 =	vor.u32 $0x10, v2;
	v6 =	vadd.s32 v53, v6;
	v7 =	vadd.s32 v60, v7;
	s26 =	sadd.s32 s26, s29  }
0x15f: {  	vm10 =	vgt.s32 v17, v2;
	vm8 =	vgt.s32 v17, v61;
	v7 =	vmin.u32 v7, $0x7;
	s26 =	smin.u32 s26, $0x7  }
0x160: {  	v6 =	vmin.u32 v6, $0x7;
	v7 =	vnsel vm8, s26, v7;
	vm8 =	vcmask $0x2320  }
0x161: {  	v6 =	vnsel vm10, s26, v6;
	v62 =	vnsel vm8, $0x0, v17;
	vm8 =	vnez.u8 v63  }
0x162: {  	[tilespmem:$0x11080] =	vst v6;
	v7 =	vsel vm8, v7, v62  }
.Ltmp9:
0x163: {  	s29 =	simm.s32 $0x11080;
	s26 =	rddreg [dreg:$0x3];
	[tilespmem:$0x11090] =	vst v7;
	(pc) =	sbr.rel .LBB2_15-.Ltmp9, $4  }
0x164: {  	[hbm4b:s26+s2] =	stream.linear.scatter [tilespmem:s29], [sflag:$0x2], $0x80, $0x38;
	[tilespmem:$0x11100] =	vst v63  }
0x165: {  	_ =	swait.ge [sflag:s11], $0x80  }
0x166: {  	[sflag:s11] =	ssyncset.done $0x0  }
0x167: {  	s31 =	simm.s32 $0x2000;
	s30 =	simm.s32 $0x1800;
	[sflag:s11] =	ssyncadd.s32 $0xFFFFFF80  }
.LBB2_5:
.Ltmp10:
0x168: {  	(pc) =	sbr.rel .LBB2_10-.Ltmp10, $2  }
0x169: {  	_ =	sdelay $0x2  }
0x16a: {  	v10 =	vimm.s32 $0x0  }
.LBB2_7:
.Ltmp11:
0x16b: {  	(pc) =	sbr.rel .LBB2_10-.Ltmp11, $2  }
0x16c: {  	_ =	sdelay $0x2  }
0x16d: {  	v9 =	vmov v8;
	v10 =	vimm.s32 $0x0  }
.LBB2_16:
0x16e: {  	_ =	sfence.sel $0x180000  }
0x16f: {  	[bflag:$0x0] =	sbarrier.arrive $0xFFFF  }
0x170: {  	_ =	strace $0x90000047  }
0x171: {  	s0 =	stileid.u32;
	[bflag:$0x2] =	sbarrier.arrive $0xFFFF  }
0x172: {  	p0 =	sne.s32 s0, $0x0;
	s0 =	rddreg [dreg:$0x2]  }
0x173: {  	s0 =	sadd.s32 @!p0 $0x100000, s0  }
0x174: {  	[sflag:s0] =	ssyncadd.tile.s32 @!p0 $0x1;
	_ =	shalt  }
.Lfunc_end2:
_tile_overlayer_lowered:
.L_overlay_start_2:
0x175: {  	(tag) =	ssettag $0x2  }
0x176: {  	s0 =	rddreg [dreg:$0x0];
	s2 =	stileid.u32  }
0x177: {  	s1 =	rddreg [dreg:$0x1];
	p0 =	sne.s32 s2, $0x0  }
0x178: {  	s3 =	rddreg [dreg:$0x2];
	[bflag:$0x3] =	sbarrier.arrive $0xFFFF;
	s2 =	simm.s32 @!p0 $0x1C02  }
0x179: {  	[timem:s3], [sflag:s2] =	dma.local @!p0 [hbm:s0], s1  }
0x17a: {  	s0 =	simm.s32 @!p0 $0x2  }
0x17b: {  	_ =	swait.ge @!p0 [sflag:s0], s1  }
0x17c: {  	s1 =	ssub.s32 @!p0 $0x0, s1;
	[sflag:s0] =	ssyncset.done @!p0 $0x0  }
0x17d: {  	[sflag:s0] =	ssyncadd.s32 @!p0 s1  }
0x17e: {  	[bflag:$0x3] =	sbarrier.arrive $0xFFFF  }
0x17f: {  	_ =	shalt  }

// kernel: kernel.13.cloned.1.call-start
scs
__scs_entry_jumppad:
0x0: {  	(pc) =	sbr.rel $0x88, $3  }
0x1: {  	(tag) =	ssettag $0x0;
	lr =	simm.s32 $0x1  }
0x2: {  	[smem:$0x3F92] =	sst lr;
	_ =	strace $0xD0000000  }
0x3: {  	_ = 	snop  }
0x4: {  	_ = 	snop  }
0x5: {  	_ = 	snop  }
0x6: {  	_ = 	snop  }
0x7: {  	_ = 	snop  }
__scs_overlays_trampoline_lowered:
0x8: {  	[smem:$0x3FA1] =	sst s0  }
0x9: {  	[smem:$0x3FA2] =	sst s1  }
0xa: {  	[smem:$0x3FA3] =	sst s2  }
0xb: {  	[smem:$0x3FA4] =	sst s3  }
0xc: {  	[smem:$0x3FA5] =	sst s4  }
0xd: {  	[smem:$0x3FA6] =	sst s5  }
0xe: {  	[smem:$0x3FA7] =	sst s6  }
0xf: {  	[smem:$0x3FA8] =	sst s7  }
0x10: {  	[smem:$0x3FA9] =	sst s8  }
0x11: {  	[smem:$0x3FAA] =	sst s9;
	s0 =	simm.s32 @!p0 $0x0  }
0x12: {  	s1 =	sld [smem:$0x3F90];
	s0 =	simm.s32 @p0 $0x1  }
0x13: {  	[smem:$0x3FAB] =	sst s0;
	s0 =	simm.s32 @!p1 $0x0  }
0x14: {  	s2 =	sld [smem:$0x3F8F];
	s0 =	simm.s32 @p1 $0x1  }
0x15: {  	[smem:$0x3FAC] =	sst s0;
	s0 =	simm.s32 @!p2 $0x0  }
0x16: {  	s3 =	sld [smem:$0x3FDB];
	s0 =	simm.s32 @p2 $0x1  }
0x17: {  	s4 =	simm.s32 $0x1BF5;
	[smem:$0x3FAE] =	sst s0  }
0x18: {  	s0 =	sld [smem:$0x3F91];
	_ =	swait.ge [sflag:s4], $0x0  }
0x19: {  	s7 =	sld [smem:$0x3F92]  }
0x1a: {  	s8 =	sadd.s32 $0xFFFFE003, lr  }
0x1b: {  	s9 =	sadd.s32 $0xFFFFFEF7, lr;
	s5 =	simm.s32 $0xFFFFFFFF;
	p2 =	slt.u32 s8, $0xFFFFF086  }
0x1c: {  	p1 =	slt.u32 s9, $0xF7A;
	s5 =	simm.s32 @!p2 $0x0  }
0x1d: {  	s5 =	simm.s32 @p1 $0x1;
	p0 =	seq.s32 s7, s2  }
0x1e: {  	s7 =	smul.u32 @!p0 $0xF7A, s2;
	p2 =	seq.s32 @!p0 s5, $0x0  }
0x1f: {  	s9 =	smul.u32 $0xF7A, s1;
	s8 =	simm.s32 @!p0 $0x1BF5;
	p2 =	por !p2, p0  }
0x20: {  	[sflag:s8] =	ssyncset.s32 @!p0 $0xFFFFF086;
	s6 =	sadd.s32 @!p0 s3, s7;
	s7 =	simm.s32 @!p0 $0x108  }
0x21: {  	s3 =	sadd.s32 s3, s9;
	s6 =	sadd.s32 @!p0 $0x88, s6;
	s7 =	simm.s32 @p2 $0x1082  }
0x22: {  	[simem:s7], [sflag:s8] =	dma.local @!p0 [hbm:s6], $0xF7A  }
0x23: {  	s9 =	sor.u32 $0xD0000000, s2;
	s6 =	simm.s32 $0x108;
	_ =	swait.ge @!p0 [sflag:s8], $0x0  }
0x24: {  	s3 =	sadd.s32 $0x88, s3;
	s6 =	simm.s32 @!p1 $0x1082;
	[sflag:s4] =	ssyncset.s32 $0xFFFFF086  }
0x25: {  	[simem:s6], [sflag:s4] =	dma.local [hbm:s3], $0xF7A  }
0x26: {  	[smem:$0x3F92] =	sst s1;
	(tag) =	ssettag s2;
	_ =	strace s9  }
0x27: {  	s1 =	sld [smem:$0x3FA2]  }
0x28: {  	s2 =	sld [smem:$0x3FA3]  }
0x29: {  	s4 =	sld [smem:$0x3FA5]  }
0x2a: {  	p0 =	seq.s32 s5, $0x0;
	s5 =	sld [smem:$0x3FA6]  }
0x2b: {  	s6 =	sld [smem:$0x3FA7]  }
0x2c: {  	s7 =	sld [smem:$0x3FA8]  }
0x2d: {  	s3 =	simm.s32 $0x108;
	s8 =	sld [smem:$0x3FA9]  }
0x2e: {  	s3 =	simm.s32 @!p0 $0x1082;
	s9 =	sld [smem:$0x3FAA]  }
0x2f: {  	lr =	sadd.s32 s0, s3;
	s0 =	sld [smem:$0x3FA1]  }
0x30: {  	s3 =	sld [smem:$0x3FA4]  }
0x31: {  	[smem:$0x3FAD] =	sst s10  }
0x32: {  	s10 =	sld [smem:$0x3FAB];
	_ =	sdelay $0x3  }
0x33: {  	p0 =	seq.s32 s10, $0x1;
	s10 =	sld [smem:$0x3FAD];
	_ =	sdelay $0x3  }
0x34: {  	[smem:$0x3FAD] =	sst s10  }
0x35: {  	s10 =	sld [smem:$0x3FAC];
	_ =	sdelay $0x3  }
0x36: {  	p1 =	seq.s32 s10, $0x1;
	s10 =	sld [smem:$0x3FAD];
	_ =	sdelay $0x3  }
0x37: {  	[smem:$0x3FAD] =	sst s10  }
0x38: {  	s10 =	sld [smem:$0x3FAE]  }
0x39: {  	_ = 	snop;
	(pc) =	sbr.ind lr, $3  }
0x3a: {  	_ = 	snop  }
0x3b: {  	_ = 	snop  }
0x3c: {  	p2 =	seq.s32 s10, $0x1;
	s10 =	sld [smem:$0x3FAD]  }
0x3d: {  	_ =	shalt  }
0x3e: {  	_ =	shalt  }
0x3f: {  	_ =	shalt  }
0x40: {  	_ =	shalt  }
0x41: {  	_ =	shalt  }
0x42: {  	_ =	shalt  }
0x43: {  	_ =	shalt  }
0x44: {  	_ =	shalt  }
0x45: {  	_ =	shalt  }
0x46: {  	_ =	shalt  }
0x47: {  	_ =	shalt  }
0x48: {  	_ =	shalt  }
0x49: {  	_ =	shalt  }
0x4a: {  	_ =	shalt  }
0x4b: {  	_ =	shalt  }
0x4c: {  	_ =	shalt  }
0x4d: {  	_ =	shalt  }
0x4e: {  	_ =	shalt  }
0x4f: {  	_ =	shalt  }
0x50: {  	_ =	shalt  }
0x51: {  	_ =	shalt  }
0x52: {  	_ =	shalt  }
0x53: {  	_ =	shalt  }
0x54: {  	_ =	shalt  }
0x55: {  	_ =	shalt  }
0x56: {  	_ =	shalt  }
0x57: {  	_ =	shalt  }
0x58: {  	_ =	shalt  }
0x59: {  	_ =	shalt  }
0x5a: {  	_ =	shalt  }
0x5b: {  	_ =	shalt  }
0x5c: {  	_ =	shalt  }
0x5d: {  	_ =	shalt  }
0x5e: {  	_ =	shalt  }
0x5f: {  	_ =	shalt  }
0x60: {  	_ =	shalt  }
0x61: {  	_ =	shalt  }
0x62: {  	_ =	shalt  }
0x63: {  	_ =	shalt  }
0x64: {  	_ =	shalt  }
0x65: {  	_ =	shalt  }
0x66: {  	_ =	shalt  }
0x67: {  	_ =	shalt  }
0x68: {  	_ =	shalt  }
0x69: {  	_ =	shalt  }
0x6a: {  	_ =	shalt  }
0x6b: {  	_ =	shalt  }
0x6c: {  	_ =	shalt  }
0x6d: {  	_ =	shalt  }
0x6e: {  	_ =	shalt  }
0x6f: {  	_ =	shalt  }
0x70: {  	_ =	shalt  }
0x71: {  	_ =	shalt  }
0x72: {  	_ =	shalt  }
0x73: {  	_ =	shalt  }
0x74: {  	_ =	shalt  }
0x75: {  	_ =	shalt  }
0x76: {  	_ =	shalt  }
0x77: {  	_ =	shalt  }
0x78: {  	_ =	shalt  }
0x79: {  	_ =	shalt  }
0x7a: {  	_ =	shalt  }
0x7b: {  	_ =	shalt  }
0x7c: {  	_ =	shalt  }
0x7d: {  	_ =	shalt  }
0x7e: {  	_ =	shalt  }
0x7f: {  	_ =	shalt  }
0x80: {  	_ =	shalt  }
0x81: {  	_ =	shalt  }
0x82: {  	_ =	shalt  }
0x83: {  	_ =	shalt  }
0x84: {  	_ =	shalt  }
0x85: {  	_ =	shalt  }
0x86: {  	_ =	shalt  }
0x87: {  	_ =	shalt  }
.Lfunc_end0:
.L_simem_size_0:
called_computation.1_lowered:
.L_overlay_start_0:
0x88: {  	s2 =	sld [smem:$0x3FD9]  }
0x89: {  	s3 =	sld [smem:$0x3FFE];
	_ =	sdelay $0x1  }
0x8a: {  	s1 =	srdreg.scid  }
0x8b: {  	s0 =	sand.u32 $0x1, s1  }
0x8c: {  	s17 =	sshll.u32 s0, $0xA;
	s2 =	sadd.s32 s3, s2  }
0x8d: {  	s2 =	sadd.s32 s2, s17  }
0x8e: {  	[smem:$0x3FB9] =	sst s2  }
0x8f: {  	_ = 	snop  }
0x90: {  	s2 =	sld [smem:$0x3FD0];
	(tm) =	ssettm $0x1  }
0x91: {  	s18 =	sld [smem:$0x3FFB];
	_ =	sdelay $0x3  }
0x92: {  	_ =	strace s18  }
0x93: {  	s3 =	sld [smem:$0x3FFC];
	_ =	sdelay $0x3  }
0x94: {  	_ =	strace s3  }
0x95: {  	s3 =	sld [smem:$0x3FFD];
	_ =	sdelay $0x3  }
0x96: {  	_ =	strace s3  }
0x97: {  	_ =	strace $0x8FFFFFFF  }
0x98: {  	s19 =	sld [smem:$0x3FDB];
	_ =	sdelay $0x1  }
0x99: {  	s4 =	simm.s32 $_scs_section_size  }
0x9a: {  	s5 =	simm.s32 $_size__tile_overlayer_lowered;
	s6 =	simm.s32 $_tile_overlayer_lowered  }
0x9b: {  	s22 =	simm.s32 $0x1BFF;
	s21 =	sshll.u32 s6, $0x1;
	s3 =	sadd.s32 s4, s19  }
0x9c: {  	s7 =	simm.s32 $0x0;
	s20 =	sshll.u32 s5, $0x1;
	s5 =	sadd.s32 s21, s3  }
0x9d: {  	[timem:s7], [sflag:s22] =	dma.local [hbm:s5], s20  }
0x9e: {  	_ =	swait.ge [sflag:s22], s20  }
0x9f: {  	s4 =	ssub.s32 $0x0, s20;
	[sflag:s22] =	ssyncset.done $0x0  }
0xa0: {  	[sflag:s22] =	ssyncadd.s32 s4;
	_ =	sdelay $0x1  }
0xa1: {  	s23 =	simm.s32 $0x1B8B  }
0xa2: {  	_ =	swait.ge [sflag:s23], $0x1  }
0xa3: {  	[sflag:s23] =	ssyncset.done $0x0  }
0xa4: {  	s25 =	simm.s32 $0x1B8E;
	s24 =	sld [smem:$0x3FFE];
	[sflag:s23] =	ssyncadd.s32 $0xFFFFFFFF  }
0xa5: {  	s26 =	simm.s32 $execute0_lowered;
	[smem:$0x3FD2] =	sst s25  }
0xa6: {  	s5 =	sshll.u32 s26, $0x1;
	_ =	strace $0x80000049;
	[dreg:$0x1] =	wrdreg $0xFFFFFFFF  }
0xa7: {  	s28 =	simm.s32 $_size_execute0_lowered;
	s3 =	sadd.s32 s3, s5;
	[dreg:$0x0] =	wrdreg $0x0  }
0xa8: {  	s5 =	sshll.u32 s28, $0x1;
	[dreg:$0x2] =	wrdreg s3  }
0xa9: {  	[dreg:$0x3] =	wrdreg s5  }
0xaa: {  	[dreg:$0x4] =	wrdreg $0xC0  }
0xab: {  	_ =	task [dreg:s7], $0x5FFFF  }
0xac: {  	[dreg:$0x1] =	wrdreg $0xFFFFFFFF  }
0xad: {  	[dreg:$0x0] =	wrdreg $0x60  }
0xae: {  	[dreg:$0x2] =	wrdreg s24  }
0xaf: {  	[dreg:$0x3] =	wrdreg s2  }
0xb0: {  	[dreg:$0x4] =	wrdreg $0x9  }
0xb1: {  	_ =	task.clear_ibuf [dreg:s7], $0x5FFFF;
	_ =	strace $0x90000049  }
0xb2: {  	s29 =	simm.s32 $0x9;
	_ =	strace $0x8000004B  }
0xb3: {  	_ =	swait.ge [sflag:s29], $0x1  }
0xb4: {  	[sflag:s29] =	ssyncadd.s32 $0xFFFFFFFF  }
0xb5: {  	_ =	strace $0x9000004B  }
0xb6: {  	_ =	sfence  }
0xb7: {  	s30 =	sld [smem:$0x0];
	_ =	sdelay $0x2  }
0xb8: {  	s31 =	sshll.u32 s1, $0xD;
	s1 =	sshrl.u32 s1, $0x2  }
0xb9: {  	s3 =	sand.u32 $0x4000, s31;
	s1 =	sadd.s32 s1, s30  }
0xba: {  	s0 =	sor.u32 s3, s0;
	s1 =	sshll.u32 s1, $0x11  }
0xbb: {  	s0 =	sor.u32 s1, s0  }
0xbc: {  	s0 =	sadd.s32 $0x8F2B, s0  }
0xbd: {  	[sflag:s0] =	ssyncadd.remote.s32 $0x1  }
0xbe: {  	_ =	sfence.sel $0xFFFF  }
0xbf: {  	[dreg:$0x0] =	wrdreg $0xFFFFFFFF;
	(pc) =	sbr.abs _section_cstart, $3  }
0xc0: {  	[dreg:$0x1] =	wrdreg $0xFFFFFFFF  }
0xc1: {  	_ =	task.clear_ibuf [dreg:s7], $0x2FFFF;
	_ =	strace $0x9FFFFFFF  }
0xc2: {  	(tm) =	ssettm $0x7FFFFFFF  }
0xc3: {  	_ =	shalt  }
tec
execute0_lowered:
.L_overlay_start_1:
0x0: {  	(tag) =	ssettag $0x1  }
0x1: {  	s1 =	srdreg.scid  }
0x2: {  	s0 =	stileid.u32;
	s4 =	rddreg [dreg:$0x0]  }
0x3: {  	s5 =	rddreg [dreg:$0x1];
	s17 =	simm.s32 $0x80;
	s18 =	simm.s32 $0x900  }
0x4: {  	s19 =	simm.s32 $0x1100;
	s20 =	simm.s32 $0x1900;
	s21 =	simm.s32 $0x2100  }
0x5: {  	s23 =	simm.s32 $0x2900;
	s24 =	simm.s32 $0x3100;
	s25 =	simm.s32 $0x3900  }
0x6: {  	s26 =	simm.s32 $0x4100;
	s9 =	simm.s32 $0x5100;
	s1 =	sand.u32 $0x1, s1  }
0x7: {  	s10 =	simm.s32 $0x5900;
	s2 =	sshll.u32 s0, $0x7;
	s3 =	sshll.u32 s1, $0x6  }
0x8: {  	s11 =	simm.s32 $0x6100;
	s3 =	sor.u32 s3, s2;
	s2 =	simm.s32 $0x0  }
0x9: {  	s12 =	simm.s32 $0x6900;
	s13 =	simm.s32 $0x7100;
	[smem:$0x7FF] =	sst s2  }
0xa: {  	s14 =	simm.s32 $0x7900;
	_ =	strace $0x8000004A;
	[dreg:$0x7] =	wrdreg s17  }
0xb: {  	s15 =	simm.s32 $0x1;
	s28 =	simm.s32 $0xD900;
	[dreg:$0x8] =	wrdreg s18  }
0xc: {  	s29 =	simm.s32 $0xE100;
	s30 =	simm.s32 $0xE900;
	[dreg:$0x9] =	wrdreg s19  }
0xd: {  	s31 =	simm.s32 $0xF100;
	s1 =	ssub.s32 $0x2, s1;
	[dreg:$0xa] =	wrdreg s20  }
0xe: {  	s22 =	sshrl.u32 s1, $0x1;
	s6 =	sshrl.u32 s3, $0x3;
	[dreg:$0xb] =	wrdreg s21  }
0xf: {  	s3 =	sshll.u32 s3, $0x6;
	s1 =	ssub.s32 s1, s22;
	[dreg:$0xc] =	wrdreg s23  }
0x10: {  	s22 =	simm.s32 $0xB100;
	s6 =	sadd.s32 s6, s4;
	[dreg:$0xd] =	wrdreg s24  }
0x11: {  	s8 =	sadd.s32 s3, s4;
	s3 =	sadd.s32 s5, s3;
	[dreg:$0xe] =	wrdreg s25  }
0x12: {  	s5 =	smax.u32 s1, $0x1;
	[dreg:$0xf] =	wrdreg s26;
	s17 =	simm.s32 $0x8900  }
0x13: {  	s18 =	simm.s32 $0x9100;
	s19 =	simm.s32 $0x9900;
	s20 =	simm.s32 $0xA100  }
0x14: {  	s21 =	simm.s32 $0xA900;
	s23 =	simm.s32 $0xB900;
	s24 =	simm.s32 $0xC100  }
0x15: {  	s25 =	simm.s32 $0xC900;
	s7 =	sadd.s32 $0xCCC00, s6;
	[dreg:$0x6] =	wrdreg s3  }
0x16: {  	s26 =	simm.s32 $0xD100;
	s6 =	sadd.s32 $0xCCE00, s6;
	[dreg:$0x3] =	wrdreg s7  }
0x17: {  	v2 =	vlaneseq.u32;
	s1 =	simm.s32 $0xF900;
	s16 =	sadd.s32 $0xCD200, s8;
	[dreg:$0x4] =	wrdreg s6  }
0x18: {  	vm0 =	vmmov $0xffff;
	v1 =	vshrl.u32 v2, $0x3;
	s3 =	sadd.s32 $0x6C800, s4;
	s4 =	sadd.s32 $0x6C900, s4;
	[dreg:$0x5] =	wrdreg s16  }
0x19: {  	v0 =	vand.u32 $0x7, v2;
	v2 =	vor.u32 $0x8, v2;
	v1 =	vmul.u32 $0x8, v1;
	s6 =	simm.s32 $0x2;
	s7 =	simm.s32 $0x100;
	s16 =	simm.s32 $0x8100  }
.LBB2_1:
0x1a: {  	s0 =	rddreg [dreg:$0x3]  }
0x1b: {  	[tilespmem:s2], [sflag:$0x2] =	stream.linear.gather [hbm4b:s0+s2], $0x40, $0x38;
	[tilespmem:$0x10100] =	vst v63  }
0x1c: {  	_ =	swait.ge [sflag:s6], $0x40  }
0x1d: {  	s0 =	rddreg [dreg:$0x4];
	[sflag:s6] =	ssyncset.done $0x0  }
0x1e: {  	s8 =	rddreg [dreg:$0x7];
	[sflag:s6] =	ssyncadd.s32 $0xFFFFFFC0  }
0x1f: {  	[tilespmem:s8], [sflag:$0x2] =	stream.linear.gather [hbm4b:s0+s2], $0x40, $0x38;
	[tilespmem:$0x10100] =	vst v63  }
0x20: {  	_ =	swait.ge [sflag:s6], $0x40  }
0x21: {  	[sflag:s6] =	ssyncset.done $0x0  }
0x22: {  	[sflag:s6] =	ssyncadd.s32 $0xFFFFFFC0  }
0x23: {  	v3 =	vld [tilespmem:$0x0];
	_ =	sdelay $0x4  }
0x24: {  	v4 =	vshll.u32 v3, $0x2  }
0x25: {  	v3 =	vand.u32 $0x7, v3;
	v4 =	vand.u32 $0xFFFFFFE0, v4  }
0x26: {  	v3 =	vor.u32 v3, v4  }
0x27: {  	v4 =	vperm.xlane v3, v0;
	_ =	sdelay $0x1  }
0x28: {  	v4 =	vadd.s32 v1, v4;
	_ =	sdelay $0x1  }
0x29: {  	v3 =	vperm.xlane v3, v2;
	_ =	sdelay $0x1  }
0x2a: {  	v3 =	vadd.s32 v1, v3  }
0x2b: {  	[tilespmem:s7], [sflag:$0x1] =	stream.indirect_vreg.gather [hbm4b:s3+s2], $0x80, v4, vm0, $0xb8;
	[tilespmem:$0x10100] =	vst v63  }
0x2c: {  	s0 =	rddreg [dreg:$0x8]  }
0x2d: {  	[tilespmem:s0], [sflag:$0x1] =	stream.indirect_vreg.gather [hbm4b:s4+s2], $0x80, v4, vm0, $0xb8;
	[tilespmem:$0x10100] =	vst v63  }
0x2e: {  	s8 =	rddreg [dreg:$0x9]  }
0x2f: {  	[tilespmem:s8], [sflag:$0x1] =	stream.indirect_vreg.gather [hbm4b:s3+s2], $0x80, v3, vm0, $0xb8;
	[tilespmem:$0x10100] =	vst v63  }
0x30: {  	s0 =	rddreg [dreg:$0xa]  }
0x31: {  	[tilespmem:s0], [sflag:$0x1] =	stream.indirect_vreg.gather [hbm4b:s4+s2], $0x80, v3, vm0, $0xb8;
	[tilespmem:$0x10100] =	vst v63  }
0x32: {  	v3 =	vld [tilespmem:$0x10];
	_ =	sdelay $0x4  }
0x33: {  	v57 =	vshll.u32 v3, $0x2  }
0x34: {  	v3 =	vand.u32 $0x7, v3;
	v4 =	vand.u32 $0xFFFFFFE0, v57  }
0x35: {  	v3 =	vor.u32 v3, v4  }
0x36: {  	v4 =	vperm.xlane v3, v0;
	_ =	sdelay $0x1  }
0x37: {  	v4 =	vadd.s32 v1, v4;
	_ =	sdelay $0x1  }
0x38: {  	v3 =	vperm.xlane v3, v2;
	_ =	sdelay $0x1  }
0x39: {  	s0 =	rddreg [dreg:$0xb];
	v3 =	vadd.s32 v1, v3  }
0x3a: {  	[tilespmem:s0], [sflag:$0x1] =	stream.indirect_vreg.gather [hbm4b:s3+s2], $0x80, v4, vm0, $0xb8;
	[tilespmem:$0x10100] =	vst v63  }
0x3b: {  	s8 =	rddreg [dreg:$0xc]  }
0x3c: {  	[tilespmem:s8], [sflag:$0x1] =	stream.indirect_vreg.gather [hbm4b:s4+s2], $0x80, v4, vm0, $0xb8;
	[tilespmem:$0x10100] =	vst v63  }
0x3d: {  	s0 =	rddreg [dreg:$0xd]  }
0x3e: {  	[tilespmem:s0], [sflag:$0x1] =	stream.indirect_vreg.gather [hbm4b:s3+s2], $0x80, v3, vm0, $0xb8;
	[tilespmem:$0x10100] =	vst v63  }
0x3f: {  	s8 =	rddreg [dreg:$0xe]  }
0x40: {  	[tilespmem:s8], [sflag:$0x1] =	stream.indirect_vreg.gather [hbm4b:s4+s2], $0x80, v3, vm0, $0xb8;
	[tilespmem:$0x10100] =	vst v63  }
0x41: {  	v3 =	vld [tilespmem:$0x20];
	_ =	sdelay $0x4  }
0x42: {  	v58 =	vshll.u32 v3, $0x2  }
0x43: {  	v3 =	vand.u32 $0x7, v3;
	v4 =	vand.u32 $0xFFFFFFE0, v58  }
0x44: {  	v3 =	vor.u32 v3, v4  }
0x45: {  	v4 =	vperm.xlane v3, v0;
	_ =	sdelay $0x1  }
0x46: {  	v4 =	vadd.s32 v1, v4;
	_ =	sdelay $0x1  }
0x47: {  	v3 =	vperm.xlane v3, v2;
	_ =	sdelay $0x1  }
0x48: {  	s8 =	rddreg [dreg:$0xf];
	v3 =	vadd.s32 v1, v3  }
0x49: {  	[tilespmem:s8], [sflag:$0x1] =	stream.indirect_vreg.gather [hbm4b:s3+s2], $0x80, v4, vm0, $0xb8;
	[tilespmem:$0x10100] =	vst v63  }
0x4a: {  	s8 =	simm.s32 $0x4900  }
0x4b: {  	[tilespmem:s8], [sflag:$0x1] =	stream.indirect_vreg.gather [hbm4b:s4+s2], $0x80, v4, vm0, $0xb8;
	[tilespmem:$0x10100] =	vst v63  }
0x4c: {  	_ = 	snop  }
0x4d: {  	[tilespmem:s9], [sflag:$0x1] =	stream.indirect_vreg.gather [hbm4b:s3+s2], $0x80, v3, vm0, $0xb8;
	[tilespmem:$0x10100] =	vst v63  }
0x4e: {  	_ = 	snop  }
0x4f: {  	[tilespmem:s10], [sflag:$0x1] =	stream.indirect_vreg.gather [hbm4b:s4+s2], $0x80, v3, vm0, $0xb8;
	[tilespmem:$0x10100] =	vst v63  }
0x50: {  	v3 =	vld [tilespmem:$0x30];
	_ =	sdelay $0x4  }
0x51: {  	v59 =	vshll.u32 v3, $0x2  }
0x52: {  	v3 =	vand.u32 $0x7, v3;
	v4 =	vand.u32 $0xFFFFFFE0, v59  }
0x53: {  	v3 =	vor.u32 v3, v4  }
0x54: {  	v4 =	vperm.xlane v3, v0;
	_ =	sdelay $0x1  }
0x55: {  	v4 =	vadd.s32 v1, v4;
	_ =	sdelay $0x1  }
0x56: {  	v3 =	vperm.xlane v3, v2;
	_ =	sdelay $0x1  }
0x57: {  	v3 =	vadd.s32 v1, v3  }
0x58: {  	[tilespmem:s11], [sflag:$0x1] =	stream.indirect_vreg.gather [hbm4b:s3+s2], $0x80, v4, vm0, $0xb8;
	[tilespmem:$0x10100] =	vst v63  }
0x59: {  	_ = 	snop  }
0x5a: {  	[tilespmem:s12], [sflag:$0x1] =	stream.indirect_vreg.gather [hbm4b:s4+s2], $0x80, v4, vm0, $0xb8;
	[tilespmem:$0x10100] =	vst v63  }
0x5b: {  	_ = 	snop  }
0x5c: {  	[tilespmem:s13], [sflag:$0x1] =	stream.indirect_vreg.gather [hbm4b:s3+s2], $0x80, v3, vm0, $0xb8;
	[tilespmem:$0x10100] =	vst v63  }
0x5d: {  	_ = 	snop  }
0x5e: {  	[tilespmem:s14], [sflag:$0x1] =	stream.indirect_vreg.gather [hbm4b:s4+s2], $0x80, v3, vm0, $0xb8;
	[tilespmem:$0x10100] =	vst v63  }
0x5f: {  	_ =	swait.ge [sflag:s15], $0x8000  }
0x60: {  	[sflag:s15] =	ssyncset.done $0x0  }
0x61: {  	[sflag:s15] =	ssyncadd.s32 $0xFFFF8000  }
0x62: {  	v3 =	vld [tilespmem:$0x80];
	_ =	sdelay $0x4  }
0x63: {  	v60 =	vshll.u32 v3, $0x2  }
0x64: {  	v3 =	vand.u32 $0x7, v3;
	v4 =	vand.u32 $0xFFFFFFE0, v60  }
0x65: {  	v3 =	vor.u32 v3, v4  }
0x66: {  	v4 =	vperm.xlane v3, v0;
	_ =	sdelay $0x1  }
0x67: {  	v4 =	vadd.s32 v1, v4;
	_ =	sdelay $0x1  }
0x68: {  	v3 =	vperm.xlane v3, v2;
	_ =	sdelay $0x1  }
0x69: {  	v3 =	vadd.s32 v1, v3  }
0x6a: {  	[tilespmem:s16], [sflag:$0x1] =	stream.indirect_vreg.gather [hbm4b:s3+s2], $0x80, v4, vm0, $0xb8;
	[tilespmem:$0x10100] =	vst v63  }
0x6b: {  	_ = 	snop  }
0x6c: {  	[tilespmem:s17], [sflag:$0x1] =	stream.indirect_vreg.gather [hbm4b:s4+s2], $0x80, v4, vm0, $0xb8;
	[tilespmem:$0x10100] =	vst v63  }
0x6d: {  	_ = 	snop  }
0x6e: {  	[tilespmem:s18], [sflag:$0x1] =	stream.indirect_vreg.gather [hbm4b:s3+s2], $0x80, v3, vm0, $0xb8;
	[tilespmem:$0x10100] =	vst v63  }
0x6f: {  	_ = 	snop  }
0x70: {  	[tilespmem:s19], [sflag:$0x1] =	stream.indirect_vreg.gather [hbm4b:s4+s2], $0x80, v3, vm0, $0xb8;
	[tilespmem:$0x10100] =	vst v63  }
0x71: {  	v3 =	vld [tilespmem:$0x90];
	_ =	sdelay $0x4  }
0x72: {  	v61 =	vshll.u32 v3, $0x2  }
0x73: {  	v3 =	vand.u32 $0x7, v3;
	v4 =	vand.u32 $0xFFFFFFE0, v61  }
0x74: {  	v3 =	vor.u32 v3, v4  }
0x75: {  	v4 =	vperm.xlane v3, v0;
	_ =	sdelay $0x1  }
0x76: {  	v4 =	vadd.s32 v1, v4;
	_ =	sdelay $0x1  }
0x77: {  	v3 =	vperm.xlane v3, v2;
	_ =	sdelay $0x1  }
0x78: {  	v3 =	vadd.s32 v1, v3  }
0x79: {  	[tilespmem:s20], [sflag:$0x1] =	stream.indirect_vreg.gather [hbm4b:s3+s2], $0x80, v4, vm0, $0xb8;
	[tilespmem:$0x10100] =	vst v63  }
0x7a: {  	_ = 	snop  }
0x7b: {  	[tilespmem:s21], [sflag:$0x1] =	stream.indirect_vreg.gather [hbm4b:s4+s2], $0x80, v4, vm0, $0xb8;
	[tilespmem:$0x10100] =	vst v63  }
0x7c: {  	_ = 	snop  }
0x7d: {  	[tilespmem:s22], [sflag:$0x1] =	stream.indirect_vreg.gather [hbm4b:s3+s2], $0x80, v3, vm0, $0xb8;
	[tilespmem:$0x10100] =	vst v63  }
0x7e: {  	_ = 	snop  }
0x7f: {  	[tilespmem:s23], [sflag:$0x1] =	stream.indirect_vreg.gather [hbm4b:s4+s2], $0x80, v3, vm0, $0xb8;
	[tilespmem:$0x10100] =	vst v63  }
0x80: {  	v3 =	vld [tilespmem:$0xA0];
	_ =	sdelay $0x4  }
0x81: {  	v62 =	vshll.u32 v3, $0x2  }
0x82: {  	v3 =	vand.u32 $0x7, v3;
	v4 =	vand.u32 $0xFFFFFFE0, v62  }
0x83: {  	v3 =	vor.u32 v3, v4  }
0x84: {  	v4 =	vperm.xlane v3, v0;
	_ =	sdelay $0x1  }
0x85: {  	v4 =	vadd.s32 v1, v4;
	_ =	sdelay $0x1  }
0x86: {  	v3 =	vperm.xlane v3, v2;
	_ =	sdelay $0x1  }
0x87: {  	v3 =	vadd.s32 v1, v3  }
0x88: {  	[tilespmem:s24], [sflag:$0x1] =	stream.indirect_vreg.gather [hbm4b:s3+s2], $0x80, v4, vm0, $0xb8;
	[tilespmem:$0x10100] =	vst v63  }
0x89: {  	_ = 	snop  }
0x8a: {  	[tilespmem:s25], [sflag:$0x1] =	stream.indirect_vreg.gather [hbm4b:s4+s2], $0x80, v4, vm0, $0xb8;
	[tilespmem:$0x10100] =	vst v63  }
0x8b: {  	_ = 	snop  }
0x8c: {  	[tilespmem:s26], [sflag:$0x1] =	stream.indirect_vreg.gather [hbm4b:s3+s2], $0x80, v3, vm0, $0xb8;
	[tilespmem:$0x10100] =	vst v63  }
0x8d: {  	_ = 	snop  }
0x8e: {  	[tilespmem:s28], [sflag:$0x1] =	stream.indirect_vreg.gather [hbm4b:s4+s2], $0x80, v3, vm0, $0xb8;
	[tilespmem:$0x10100] =	vst v63  }
0x8f: {  	v3 =	vld [tilespmem:$0xB0];
	_ =	sdelay $0x4  }
0x90: {  	v63 =	vshll.u32 v3, $0x2  }
0x91: {  	v3 =	vand.u32 $0x7, v3;
	v4 =	vand.u32 $0xFFFFFFE0, v63  }
0x92: {  	v3 =	vor.u32 v3, v4  }
0x93: {  	v4 =	vperm.xlane v3, v0;
	_ =	sdelay $0x1  }
0x94: {  	v4 =	vadd.s32 v1, v4;
	_ =	sdelay $0x1  }
0x95: {  	v3 =	vperm.xlane v3, v2;
	_ =	sdelay $0x1  }
0x96: {  	v3 =	vadd.s32 v1, v3  }
0x97: {  	[tilespmem:s29], [sflag:$0x1] =	stream.indirect_vreg.gather [hbm4b:s3+s2], $0x80, v4, vm0, $0xb8;
	[tilespmem:$0x10100] =	vst v63  }
0x98: {  	_ = 	snop  }
0x99: {  	[tilespmem:s30], [sflag:$0x1] =	stream.indirect_vreg.gather [hbm4b:s4+s2], $0x80, v4, vm0, $0xb8;
	[tilespmem:$0x10100] =	vst v63  }
0x9a: {  	_ = 	snop  }
0x9b: {  	[tilespmem:s31], [sflag:$0x1] =	stream.indirect_vreg.gather [hbm4b:s3+s2], $0x80, v3, vm0, $0xb8;
	[tilespmem:$0x10100] =	vst v63  }
0x9c: {  	_ = 	snop  }
0x9d: {  	[tilespmem:s1], [sflag:$0x1] =	stream.indirect_vreg.gather [hbm4b:s4+s2], $0x80, v3, vm0, $0xb8;
	[tilespmem:$0x10100] =	vst v63  }
0x9e: {  	_ =	swait.ge [sflag:s15], $0x8000  }
0x9f: {  	[sflag:s15] =	ssyncset.done $0x0  }
0xa0: {  	s8 =	rddreg [dreg:$0x5];
	[sflag:s15] =	ssyncadd.s32 $0xFFFF8000  }
0xa1: {  	[hbm4b:s8+s2] =	stream.linear.scatter [tilespmem:s7], [sflag:$0x2], $0x8000, $0x38;
	[tilespmem:$0x10100] =	vst v63  }
0xa2: {  	_ =	swait.ge [sflag:s6], $0x8000  }
0xa3: {  	p0 =	sne.s32 s5, $0x1;
	[sflag:s6] =	ssyncset.done $0x0  }
.Ltmp0:
0xa4: {  	s8 =	rddreg [dreg:$0x6];
	[sflag:s6] =	ssyncadd.s32 $0xFFFF8000;
	(pc) =	sbr.rel @p0 .LBB2_1-.Ltmp0, $4  }
0xa5: {  	[hbm4b:s8+s2] =	stream.linear.scatter [tilespmem:s16], [sflag:$0x2], $0x8000, $0x38;
	[tilespmem:$0x10100] =	vst v63  }
0xa6: {  	_ =	swait.ge [sflag:s6], $0x8000  }
0xa7: {  	[sflag:s6] =	ssyncset.done $0x0  }
0xa8: {  	s5 =	sadd.s32 $0xFFFFFFFF, s5;
	[sflag:s6] =	ssyncadd.s32 $0xFFFF8000  }
0xa9: {  	_ =	sfence.sel $0x180000  }
0xaa: {  	[bflag:$0x0] =	sbarrier.arrive $0xFFFF  }
0xab: {  	_ =	strace $0x9000004A  }
0xac: {  	s0 =	stileid.u32;
	[bflag:$0x2] =	sbarrier.arrive $0xFFFF  }
0xad: {  	p0 =	sne.s32 s0, $0x0;
	s0 =	rddreg [dreg:$0x2]  }
0xae: {  	s0 =	sadd.s32 @!p0 $0x100000, s0  }
0xaf: {  	[sflag:s0] =	ssyncadd.tile.s32 @!p0 $0x1;
	_ =	shalt  }
.Lfunc_end2:
_tile_overlayer_lowered:
.L_overlay_start_2:
0xb0: {  	(tag) =	ssettag $0x2  }
0xb1: {  	s0 =	rddreg [dreg:$0x0];
	s2 =	stileid.u32  }
0xb2: {  	s1 =	rddreg [dreg:$0x1];
	p0 =	sne.s32 s2, $0x0  }
0xb3: {  	s3 =	rddreg [dreg:$0x2];
	[bflag:$0x3] =	sbarrier.arrive $0xFFFF;
	s2 =	simm.s32 @!p0 $0x1C02  }
0xb4: {  	[timem:s3], [sflag:s2] =	dma.local @!p0 [hbm:s0], s1  }
0xb5: {  	s0 =	simm.s32 @!p0 $0x2  }
0xb6: {  	_ =	swait.ge @!p0 [sflag:s0], s1  }
0xb7: {  	s1 =	ssub.s32 @!p0 $0x0, s1;
	[sflag:s0] =	ssyncset.done @!p0 $0x0  }
0xb8: {  	[sflag:s0] =	ssyncadd.s32 @!p0 s1  }
0xb9: {  	[bflag:$0x3] =	sbarrier.arrive $0xFFFF  }
0xba: {  	_ =	shalt  }

</sc_bundles>
